<compile_context>
chip_gen: v7x
topology: tpu7x:2x2x1
jax: 0.10.2.dev20260603
libtpu: 0.0.44.dev20260713+nightly
codegen_flags: <defaults>
</compile_context>

<pallas_src>
import functools

import jax
import jax.numpy as jnp
from jax import lax
from jax.experimental import pallas as pl
from jax.experimental.pallas import tpu as pltpu
from jax.experimental.pallas import tpu_sc as plsc

N = 10000
E = 320000
C = 128
CH = 80
NEG_SLOPE = 0.2
NCORE = 2
NSUB = 16
EW = E // NSUB
KC = 80
NCHUNK = EW // KC
NPAIR = NCHUNK // 2
ROWS_BLK = 400
GRID = N // ROWS_BLK
NPT = 632
NP = NPT * NSUB
ROWS_BLK3 = 632
GRID3 = NP // ROWS_BLK3


def _stage1_body(x_ref, w_ref, att2_ref, h2_ref, a2_ref):
    h = jnp.dot(x_ref[...], w_ref[...], preferred_element_type=jnp.float32)
    lo = h[:, :CH]
    col = lax.broadcasted_iota(jnp.int32, (ROWS_BLK, 2 * CH - C), 1)
    pad = jnp.where(col == 0, 1.0, 0.0).astype(jnp.float32)
    hi = jnp.concatenate([h[:, CH:], pad], axis=1)
    h2_ref[...] = jnp.stack([lo, hi], axis=0)
    a2_ref[...] = jnp.dot(h, att2_ref[...], preferred_element_type=jnp.float32)


def _stage1(x, W, att2):
    return pl.pallas_call(
        _stage1_body,
        grid=(GRID,),
        in_specs=[
            pl.BlockSpec((ROWS_BLK, C), lambda i: (i, 0)),
            pl.BlockSpec((C, C), lambda i: (0, 0)),
            pl.BlockSpec((C, 2), lambda i: (0, 0)),
        ],
        out_specs=[
            pl.BlockSpec((NCORE, ROWS_BLK, CH), lambda i: (0, i, 0)),
            pl.BlockSpec((ROWS_BLK, 2), lambda i: (i, 0)),
        ],
        out_shape=[
            jax.ShapeDtypeStruct((NCORE, N, CH), jnp.float32),
            jax.ShapeDtypeStruct((N, 2), jnp.float32),
        ],
    )(x, W, att2)


def _sc_body(src_hbm, dst_hbm, asrc_hbm, adst_hbm, h2_hbm, sp_hbm,
             src_v, dst_v, asrc_v, adst_v, rows_a, rows_b, s_sh,
             gsa, gsb, ssa, ssb):
    cid = lax.axis_index("c")
    sid = lax.axis_index("s")

    pltpu.sync_copy(src_hbm.at[sid], src_v)
    pltpu.sync_copy(dst_hbm.at[sid], dst_v)
    pltpu.sync_copy(asrc_hbm, asrc_v)
    pltpu.sync_copy(adst_hbm, adst_v)

    def zrow(j, carry):
        for g in range(CH // 16):
            rows_a[j, pl.ds(g * 16, 16)] = jnp.zeros((16,), jnp.float32)
        return carry

    lax.fori_loop(0, KC, zrow, 0)
    base = sid * NPT
    nfull = NPT // KC
    for k in range(nfull):
        pltpu.sync_copy(rows_a, s_sh.at[pl.ds(base + k * KC, KC)])
    rem = NPT - nfull * KC
    pltpu.sync_copy(rows_a.at[pl.ds(0, rem)],
                    s_sh.at[pl.ds(base + nfull * KC, rem)])
    plsc.subcore_barrier()

    def process(c, rows_v):
        def grp(g, carry):
            si = src_v[c, pl.ds(g * 16, 16)]
            di = dst_v[c, pl.ds(g * 16, 16)]
            e = plsc.load_gather(asrc_v, [si]) + plsc.load_gather(adst_v, [di])
            e = jnp.where(e > 0, e, NEG_SLOPE * e)
            ex = jnp.exp(e)
            for k in range(16):
                s = jnp.take_along_axis(ex, jnp.full((16,), k, jnp.int32),
                                        axis=0)
                j = g * 16 + k
                for gg in range(CH // 16):
                    rows_v[j, pl.ds(gg * 16, 16)] = (
                        rows_v[j, pl.ds(gg * 16, 16)] * s)
            return carry

        lax.fori_loop(0, KC // 16, grp, 0)

    def dwait(buf, sem):
        pltpu.make_async_copy(h2_hbm.at[cid].at[src_v.at[0]], buf, sem).wait()

    pltpu.async_copy(h2_hbm.at[cid].at[src_v.at[0]], rows_a, gsa)

    def pair(i, carry):
        p = 2 * i
        q = p + 1
        dwait(rows_a, gsa)

        @pl.when(i > 0)
        def _():
            dwait(rows_b, ssb)

        pltpu.async_copy(h2_hbm.at[cid].at[src_v.at[q]], rows_b, gsb)
        process(p, rows_a)
        pltpu.async_copy(rows_a, s_sh.at[dst_v.at[p]], ssa, add=True)
        dwait(rows_b, gsb)
        process(q, rows_b)
        dwait(rows_a, ssa)

        @pl.when(i + 1 < NPAIR)
        def _():
            pltpu.async_copy(h2_hbm.at[cid].at[src_v.at[p + 2]], rows_a, gsa)

        pltpu.async_copy(rows_b, s_sh.at[dst_v.at[q]], ssb, add=True)
        return carry

    lax.fori_loop(0, NPAIR, pair, 0)
    dwait(rows_b, ssb)
    plsc.subcore_barrier()

    pltpu.sync_copy(s_sh.at[pl.ds(base, NPT)],
                    sp_hbm.at[cid, pl.ds(base, NPT)])


def _sc_call(src2, dst2, a_src, a_dst, h2):
    mesh = plsc.VectorSubcoreMesh(core_axis_name="c", subcore_axis_name="s",
                                  num_cores=NCORE, num_subcores=NSUB)
    f = pl.kernel(
        _sc_body,
        out_type=jax.ShapeDtypeStruct((NCORE, NP, CH), jnp.float32),
        mesh=mesh,
        compiler_params=pltpu.CompilerParams(needs_layout_passes=False,
                                             use_tc_tiling_on_sc=False),
        scratch_types=[
            pltpu.VMEM((NCHUNK, KC), jnp.int32),
            pltpu.VMEM((NCHUNK, KC), jnp.int32),
            pltpu.VMEM((N,), jnp.float32),
            pltpu.VMEM((N,), jnp.float32),
            pltpu.VMEM((KC, CH), jnp.float32),
            pltpu.VMEM((KC, CH), jnp.float32),
            pltpu.VMEM_SHARED((NP, CH), jnp.float32),
            pltpu.SemaphoreType.DMA,
            pltpu.SemaphoreType.DMA,
            pltpu.SemaphoreType.DMA,
            pltpu.SemaphoreType.DMA,
        ],
    )
    return f(src2, dst2, a_src, a_dst, h2)


def _stage3_body(sp_ref, bias_ref, out_ref):
    lo = sp_ref[0]
    hi = sp_ref[1]
    num = jnp.concatenate([lo, hi[:, :C - CH]], axis=1)
    den = hi[:, C - CH:C - CH + 1]
    out_ref[...] = jnp.maximum(num / (den + 1e-16) + bias_ref[...], 0.0)


def _stage3(sp, bias2):
    return pl.pallas_call(
        _stage3_body,
        grid=(GRID3,),
        in_specs=[
            pl.BlockSpec((NCORE, ROWS_BLK3, CH), lambda i: (0, i, 0)),
            pl.BlockSpec((1, C), lambda i: (0, 0)),
        ],
        out_specs=pl.BlockSpec((ROWS_BLK3, C), lambda i: (i, 0)),
        out_shape=jax.ShapeDtypeStruct((NP, C), jnp.float32),
    )(sp, bias2)


def kernel(x, adj, W, att_src, att_dst, bias):
    att2 = jnp.stack([att_src, att_dst], axis=1)
    h2, a2 = _stage1(x, W, att2)
    a_src = a2[:, 0]
    a_dst = a2[:, 1]
    src2 = adj[0].reshape(NSUB, NCHUNK, KC)
    dst2 = adj[1].reshape(NSUB, NCHUNK, KC)
    sp = _sc_call(src2, dst2, a_src, a_dst, h2)
    return _stage3(sp, bias.reshape(1, C))[:N]

# --- scband reference (transcript-rebuilt; emitter-appended) ---
"""Pipeline reference for scband-gatgeneration-23450521436984 (READ-ONLY COPY).

The authoritative reference and input builder live on the scoring server;
editing this copy changes nothing except your own understanding.
"""

import jax, jax.numpy as jnp
import numpy as np

N = 10000
E = 320000
C_IN = 128
C_OUT = 128
NEG_SLOPE = 0.2


def setup_inputs(seed: int = 0) -> dict:
    key = jax.random.key(seed)
    k1, k2, k3, k4, k5 = jax.random.split(key, 5)
    x = jax.random.normal(k1, (N, C_IN), dtype=jnp.float32)
    adj = jax.random.randint(k2, (2, E), 0, N, dtype=jnp.int32)
    # GATConv linear weight (glorot uniform), attention vectors, output bias
    gain = float(np.sqrt(6.0 / (C_IN + C_OUT)))
    W = jax.random.uniform(k3, (C_IN, C_OUT), minval=-gain, maxval=gain, dtype=jnp.float32)
    ga = float(np.sqrt(6.0 / (C_OUT + 1)))
    att_src = jax.random.uniform(k4, (C_OUT,), minval=-ga, maxval=ga, dtype=jnp.float32)
    att_dst = jax.random.uniform(k5, (C_OUT,), minval=-ga, maxval=ga, dtype=jnp.float32)
    bias = jnp.zeros((C_OUT,), dtype=jnp.float32)
    return {"x": x, "adj": adj, "W": W, "att_src": att_src, "att_dst": att_dst, "bias": bias}


def reference(x, adj, W, att_src, att_dst, bias):
    # GATConv(heads=1, add_self_loops=False), followed by ReLU activation.
    src = adj[0]
    dst = adj[1]
    h = x @ W                                  # [N, C_OUT]
    a_src = jnp.sum(h * att_src, axis=-1)      # [N]
    a_dst = jnp.sum(h * att_dst, axis=-1)      # [N]
    e = a_src[src] + a_dst[dst]                # [E]
    e = jnp.where(e > 0, e, NEG_SLOPE * e)     # leaky_relu(0.2)
    # softmax over incoming edges of each dst node
    e_max = jax.ops.segment_max(e, dst, num_segments=N)
    e_max = jnp.where(jnp.isfinite(e_max), e_max, 0.0)
    e_max = jax.lax.stop_gradient(e_max)
    ex = jnp.exp(e - e_max[dst])
    denom = jax.ops.segment_sum(ex, dst, num_segments=N)
    alpha = ex / (denom[dst] + 1e-16)          # [E]
    msg = alpha[:, None] * h[src]              # [E, C_OUT]
    out = jax.ops.segment_sum(msg, dst, num_segments=N) + bias
    return jax.nn.relu(out)

if __name__ == "__main__":
    import jax
    _d = setup_inputs()
    print(jax.jit(kernel)(*tuple(_d.values())))

</pallas_src>

<mosaic_0001>
#map = affine_map<(d0, d1) -> (0, 0, 0)>
#map1 = affine_map<(d0, d1) -> (0)>
module attributes {stable_mosaic.version = 14 : i64} {
  func.func @_sc_body(%arg0: i32, %arg1: i32, %arg2: memref<16x250x80xi32, #tpu.memory_space<hbm>>, %arg3: memref<16x250x80xi32, #tpu.memory_space<hbm>>, %arg4: memref<10000xf32, #tpu.memory_space<hbm>>, %arg5: memref<10000xf32, #tpu.memory_space<hbm>>, %arg6: memref<2x10000x80xf32, #tpu.memory_space<hbm>>, %arg7: memref<2x10112x80xf32, #tpu.memory_space<hbm>>, %arg8: memref<250x80xi32, #tpu.memory_space<vmem>>, %arg9: memref<250x80xi32, #tpu.memory_space<vmem>>, %arg10: memref<10000xf32, #tpu.memory_space<vmem>>, %arg11: memref<10000xf32, #tpu.memory_space<vmem>>, %arg12: memref<80x80xf32, #tpu.memory_space<vmem>>, %arg13: memref<80x80xf32, #tpu.memory_space<vmem>>, %arg14: memref<10112x80xf32, #tpu.memory_space<vmem_shared>>, %arg15: memref<!tpu.dma_semaphore, #tpu.memory_space<semaphore_mem>>, %arg16: memref<!tpu.dma_semaphore, #tpu.memory_space<semaphore_mem>>, %arg17: memref<!tpu.dma_semaphore, #tpu.memory_space<semaphore_mem>>, %arg18: memref<!tpu.dma_semaphore, #tpu.memory_space<semaphore_mem>>) attributes {dimension_semantics = [#tpu.dimension_semantics<core_parallel>, #tpu.dimension_semantics<subcore_parallel>], iteration_bounds = array<i64: 2, 16>, scalar_prefetch = 0 : i64, scratch_operands = 11 : i64, tpu.core_type = #tpu.core_type<sc_vector_subcore>, window_params = [{transform_indices = #map}, {transform_indices = #map}, {transform_indices = #map1}, {transform_indices = #map1}, {transform_indices = #map}, {transform_indices = #map}]} {
    "tpu.region"() ({
      %run_scoped3A = tpu.sem_alloc : memref<!tpu.dma_semaphore, #tpu.memory_space<semaphore_mem>>
      %dma_start3A_48 = arith.constant 0 : i32
      %dma_start3A_49 = arith.constant 0 : i32
      %dma_start3A_50 = tpu.memref_slice %arg2[%arg1, %dma_start3A_48, %dma_start3A_49] : memref<16x250x80xi32, #tpu.memory_space<hbm>> -> memref<1x250x80xi32, #tpu.memory_space<hbm>>
      %dma_start3A_51 = tpu.memref_squeeze %dma_start3A_50 : memref<1x250x80xi32, #tpu.memory_space<hbm>> -> memref<250x80xi32, #tpu.memory_space<hbm>>
      %dma_start3A_52 = arith.constant 0 : i32
      %dma_start3A_53 = arith.constant 0 : i32
      %dma_start3A_54 = tpu.memref_slice %arg2[%arg1, %dma_start3A_52, %dma_start3A_53] : memref<16x250x80xi32, #tpu.memory_space<hbm>> -> memref<1x250x80xi32, #tpu.memory_space<hbm>>
      %dma_start3A_55 = tpu.memref_squeeze %dma_start3A_54 : memref<1x250x80xi32, #tpu.memory_space<hbm>> -> memref<250x80xi32, #tpu.memory_space<hbm>>
      tpu.enqueue_dma source(%dma_start3A_55 : memref<250x80xi32, #tpu.memory_space<hbm>>) target(%arg8 : memref<250x80xi32, #tpu.memory_space<vmem>>) target_semaphore(%run_scoped3A : memref<!tpu.dma_semaphore, #tpu.memory_space<semaphore_mem>>)
      %dma_wait3A_56 = arith.constant 0 : i32
      %dma_wait3A_57 = arith.constant 0 : i32
      %dma_wait3A_58 = tpu.memref_slice %arg2[%arg1, %dma_wait3A_56, %dma_wait3A_57] : memref<16x250x80xi32, #tpu.memory_space<hbm>> -> memref<1x250x80xi32, #tpu.memory_space<hbm>>
      %dma_wait3A_59 = tpu.memref_squeeze %dma_wait3A_58 : memref<1x250x80xi32, #tpu.memory_space<hbm>> -> memref<250x80xi32, #tpu.memory_space<hbm>>
      %dma_wait3A_60 = arith.constant 0 : i32
      %dma_wait3A_61 = arith.constant 0 : i32
      %dma_wait3A_62 = tpu.memref_slice %arg2[%arg1, %dma_wait3A_60, %dma_wait3A_61] : memref<16x250x80xi32, #tpu.memory_space<hbm>> -> memref<1x250x80xi32, #tpu.memory_space<hbm>>
      %dma_wait3A_63 = tpu.memref_squeeze %dma_wait3A_62 : memref<1x250x80xi32, #tpu.memory_space<hbm>> -> memref<250x80xi32, #tpu.memory_space<hbm>>
      tpu.wait_dma2 semaphore(%run_scoped3A : memref<!tpu.dma_semaphore, #tpu.memory_space<semaphore_mem>>) src(%dma_wait3A_63 : memref<250x80xi32, #tpu.memory_space<hbm>>) dst(%arg8 : memref<250x80xi32, #tpu.memory_space<vmem>>)
      tpu.yield
    }) : () -> ()
    "tpu.region"() ({
      %run_scoped3A = tpu.sem_alloc : memref<!tpu.dma_semaphore, #tpu.memory_space<semaphore_mem>>
      %dma_start3A_48 = arith.constant 0 : i32
      %dma_start3A_49 = arith.constant 0 : i32
      %dma_start3A_50 = tpu.memref_slice %arg3[%arg1, %dma_start3A_48, %dma_start3A_49] : memref<16x250x80xi32, #tpu.memory_space<hbm>> -> memref<1x250x80xi32, #tpu.memory_space<hbm>>
      %dma_start3A_51 = tpu.memref_squeeze %dma_start3A_50 : memref<1x250x80xi32, #tpu.memory_space<hbm>> -> memref<250x80xi32, #tpu.memory_space<hbm>>
      %dma_start3A_52 = arith.constant 0 : i32
      %dma_start3A_53 = arith.constant 0 : i32
      %dma_start3A_54 = tpu.memref_slice %arg3[%arg1, %dma_start3A_52, %dma_start3A_53] : memref<16x250x80xi32, #tpu.memory_space<hbm>> -> memref<1x250x80xi32, #tpu.memory_space<hbm>>
      %dma_start3A_55 = tpu.memref_squeeze %dma_start3A_54 : memref<1x250x80xi32, #tpu.memory_space<hbm>> -> memref<250x80xi32, #tpu.memory_space<hbm>>
      tpu.enqueue_dma source(%dma_start3A_55 : memref<250x80xi32, #tpu.memory_space<hbm>>) target(%arg9 : memref<250x80xi32, #tpu.memory_space<vmem>>) target_semaphore(%run_scoped3A : memref<!tpu.dma_semaphore, #tpu.memory_space<semaphore_mem>>)
      %dma_wait3A_56 = arith.constant 0 : i32
      %dma_wait3A_57 = arith.constant 0 : i32
      %dma_wait3A_58 = tpu.memref_slice %arg3[%arg1, %dma_wait3A_56, %dma_wait3A_57] : memref<16x250x80xi32, #tpu.memory_space<hbm>> -> memref<1x250x80xi32, #tpu.memory_space<hbm>>
      %dma_wait3A_59 = tpu.memref_squeeze %dma_wait3A_58 : memref<1x250x80xi32, #tpu.memory_space<hbm>> -> memref<250x80xi32, #tpu.memory_space<hbm>>
      %dma_wait3A_60 = arith.constant 0 : i32
      %dma_wait3A_61 = arith.constant 0 : i32
      %dma_wait3A_62 = tpu.memref_slice %arg3[%arg1, %dma_wait3A_60, %dma_wait3A_61] : memref<16x250x80xi32, #tpu.memory_space<hbm>> -> memref<1x250x80xi32, #tpu.memory_space<hbm>>
      %dma_wait3A_63 = tpu.memref_squeeze %dma_wait3A_62 : memref<1x250x80xi32, #tpu.memory_space<hbm>> -> memref<250x80xi32, #tpu.memory_space<hbm>>
      tpu.wait_dma2 semaphore(%run_scoped3A : memref<!tpu.dma_semaphore, #tpu.memory_space<semaphore_mem>>) src(%dma_wait3A_63 : memref<250x80xi32, #tpu.memory_space<hbm>>) dst(%arg9 : memref<250x80xi32, #tpu.memory_space<vmem>>)
      tpu.yield
    }) : () -> ()
    "tpu.region"() ({
      %run_scoped3A = tpu.sem_alloc : memref<!tpu.dma_semaphore, #tpu.memory_space<semaphore_mem>>
      tpu.enqueue_dma source(%arg4 : memref<10000xf32, #tpu.memory_space<hbm>>) target(%arg10 : memref<10000xf32, #tpu.memory_space<vmem>>) target_semaphore(%run_scoped3A : memref<!tpu.dma_semaphore, #tpu.memory_space<semaphore_mem>>)
      tpu.wait_dma2 semaphore(%run_scoped3A : memref<!tpu.dma_semaphore, #tpu.memory_space<semaphore_mem>>) src(%arg4 : memref<10000xf32, #tpu.memory_space<hbm>>) dst(%arg10 : memref<10000xf32, #tpu.memory_space<vmem>>)
      tpu.yield
    }) : () -> ()
    "tpu.region"() ({
      %run_scoped3A = tpu.sem_alloc : memref<!tpu.dma_semaphore, #tpu.memory_space<semaphore_mem>>
      tpu.enqueue_dma source(%arg5 : memref<10000xf32, #tpu.memory_space<hbm>>) target(%arg11 : memref<10000xf32, #tpu.memory_space<vmem>>) target_semaphore(%run_scoped3A : memref<!tpu.dma_semaphore, #tpu.memory_space<semaphore_mem>>)
      tpu.wait_dma2 semaphore(%run_scoped3A : memref<!tpu.dma_semaphore, #tpu.memory_space<semaphore_mem>>) src(%arg5 : memref<10000xf32, #tpu.memory_space<hbm>>) dst(%arg11 : memref<10000xf32, #tpu.memory_space<vmem>>)
      tpu.yield
    }) : () -> ()
    %scan3A = arith.constant 0 : i32
    %scan3A_0 = arith.constant 0 : i32
    %scan3A_1 = arith.constant 80 : i32
    %scan3A_2 = arith.addi %scan3A_0, %scan3A_1 : i32
    %scan3A_3 = arith.constant 1 : i32
    scf.for %scan3A_48 = %scan3A_0 to %scan3A_2 step %scan3A_3  : i32 {
      %broadcast_in_dim3A = arith.constant 0.000000e+00 : f32
      %broadcast_in_dim3A_49 = vector.broadcast %broadcast_in_dim3A : f32 to vector<16xf32>
      %swap3A = arith.index_cast %scan3A_48 : i32 to index
      %swap3A_50 = arith.constant 0 : index
      %swap3A_51 = tpu.vector_load %arg12[%swap3A, %swap3A_50] {strides = array<i32>} : memref<80x80xf32, #tpu.memory_space<vmem>>, vector<16xf32>,
      tpu.vector_store %arg12[%swap3A, %swap3A_50], %broadcast_in_dim3A_49 {strides = array<i32>} : memref<80x80xf32, #tpu.memory_space<vmem>>, vector<16xf32>,
      %broadcast_in_dim3A_52 = arith.constant 0.000000e+00 : f32
      %broadcast_in_dim3A_53 = vector.broadcast %broadcast_in_dim3A_52 : f32 to vector<16xf32>
      %swap3A_54 = arith.index_cast %scan3A_48 : i32 to index
      %swap3A_55 = arith.constant 16 : index
      %swap3A_56 = tpu.vector_load %arg12[%swap3A_54, %swap3A_55] {strides = array<i32>} : memref<80x80xf32, #tpu.memory_space<vmem>>, vector<16xf32>,
      tpu.vector_store %arg12[%swap3A_54, %swap3A_55], %broadcast_in_dim3A_53 {strides = array<i32>} : memref<80x80xf32, #tpu.memory_space<vmem>>, vector<16xf32>,
      %broadcast_in_dim3A_57 = arith.constant 0.000000e+00 : f32
      %broadcast_in_dim3A_58 = vector.broadcast %broadcast_in_dim3A_57 : f32 to vector<16xf32>
      %swap3A_59 = arith.index_cast %scan3A_48 : i32 to index
      %swap3A_60 = arith.constant 32 : index
      %swap3A_61 = tpu.vector_load %arg12[%swap3A_59, %swap3A_60] {strides = array<i32>} : memref<80x80xf32, #tpu.memory_space<vmem>>, vector<16xf32>,
      tpu.vector_store %arg12[%swap3A_59, %swap3A_60], %broadcast_in_dim3A_58 {strides = array<i32>} : memref<80x80xf32, #tpu.memory_space<vmem>>, vector<16xf32>,
      %broadcast_in_dim3A_62 = arith.constant 0.000000e+00 : f32
      %broadcast_in_dim3A_63 = vector.broadcast %broadcast_in_dim3A_62 : f32 to vector<16xf32>
      %swap3A_64 = arith.index_cast %scan3A_48 : i32 to index
      %swap3A_65 = arith.constant 48 : index
      %swap3A_66 = tpu.vector_load %arg12[%swap3A_64, %swap3A_65] {strides = array<i32>} : memref<80x80xf32, #tpu.memory_space<vmem>>, vector<16xf32>,
      tpu.vector_store %arg12[%swap3A_64, %swap3A_65], %broadcast_in_dim3A_63 {strides = array<i32>} : memref<80x80xf32, #tpu.memory_space<vmem>>, vector<16xf32>,
      %broadcast_in_dim3A_67 = arith.constant 0.000000e+00 : f32
      %broadcast_in_dim3A_68 = vector.broadcast %broadcast_in_dim3A_67 : f32 to vector<16xf32>
      %swap3A_69 = arith.index_cast %scan3A_48 : i32 to index
      %swap3A_70 = arith.constant 64 : index
      %swap3A_71 = tpu.vector_load %arg12[%swap3A_69, %swap3A_70] {strides = array<i32>} : memref<80x80xf32, #tpu.memory_space<vmem>>, vector<16xf32>,
      tpu.vector_store %arg12[%swap3A_69, %swap3A_70], %broadcast_in_dim3A_68 {strides = array<i32>} : memref<80x80xf32, #tpu.memory_space<vmem>>, vector<16xf32>,
    }
    %scan3A_4 = arith.constant 80 : i32
    %mul3A = arith.constant 632 : i32
    %mul3A_5 = arith.muli %arg1, %mul3A : i32
    %add3A = arith.constant 0 : i32
    %add3A_6 = arith.addi %mul3A_5, %add3A : i32
    "tpu.region"() ({
      %run_scoped3A = tpu.sem_alloc : memref<!tpu.dma_semaphore, #tpu.memory_space<semaphore_mem>>
      %dma_start3A_48 = arith.constant 0 : i32
      %dma_start3A_49 = tpu.memref_slice %arg14[%add3A_6, %dma_start3A_48] : memref<10112x80xf32, #tpu.memory_space<vmem_shared>> -> memref<80x80xf32, #tpu.memory_space<vmem_shared>>
      %dma_start3A_50 = arith.constant 0 : i32
      %dma_start3A_51 = tpu.memref_slice %arg14[%add3A_6, %dma_start3A_50] : memref<10112x80xf32, #tpu.memory_space<vmem_shared>> -> memref<80x80xf32, #tpu.memory_space<vmem_shared>>
      tpu.enqueue_dma source(%arg12 : memref<80x80xf32, #tpu.memory_space<vmem>>) target(%dma_start3A_51 : memref<80x80xf32, #tpu.memory_space<vmem_shared>>) target_semaphore(%run_scoped3A : memref<!tpu.dma_semaphore, #tpu.memory_space<semaphore_mem>>)
      %dma_wait3A_52 = arith.constant 0 : i32
      %dma_wait3A_53 = tpu.memref_slice %arg14[%add3A_6, %dma_wait3A_52] : memref<10112x80xf32, #tpu.memory_space<vmem_shared>> -> memref<80x80xf32, #tpu.memory_space<vmem_shared>>
      %dma_wait3A_54 = arith.constant 0 : i32
      %dma_wait3A_55 = tpu.memref_slice %arg14[%add3A_6, %dma_wait3A_54] : memref<10112x80xf32, #tpu.memory_space<vmem_shared>> -> memref<80x80xf32, #tpu.memory_space<vmem_shared>>
      tpu.wait_dma2 semaphore(%run_scoped3A : memref<!tpu.dma_semaphore, #tpu.memory_space<semaphore_mem>>) src(%arg12 : memref<80x80xf32, #tpu.memory_space<vmem>>) dst(%dma_wait3A_55 : memref<80x80xf32, #tpu.memory_space<vmem_shared>>)
      tpu.yield
    }) : () -> ()
    %add3A_7 = arith.constant 80 : i32
    %add3A_8 = arith.addi %mul3A_5, %add3A_7 : i32
    "tpu.region"() ({
      %run_scoped3A = tpu.sem_alloc : memref<!tpu.dma_semaphore, #tpu.memory_space<semaphore_mem>>
      %dma_start3A_48 = arith.constant 0 : i32
      %dma_start3A_49 = tpu.memref_slice %arg14[%add3A_8, %dma_start3A_48] : memref<10112x80xf32, #tpu.memory_space<vmem_shared>> -> memref<80x80xf32, #tpu.memory_space<vmem_shared>>
      %dma_start3A_50 = arith.constant 0 : i32
      %dma_start3A_51 = tpu.memref_slice %arg14[%add3A_8, %dma_start3A_50] : memref<10112x80xf32, #tpu.memory_space<vmem_shared>> -> memref<80x80xf32, #tpu.memory_space<vmem_shared>>
      tpu.enqueue_dma source(%arg12 : memref<80x80xf32, #tpu.memory_space<vmem>>) target(%dma_start3A_51 : memref<80x80xf32, #tpu.memory_space<vmem_shared>>) target_semaphore(%run_scoped3A : memref<!tpu.dma_semaphore, #tpu.memory_space<semaphore_mem>>)
      %dma_wait3A_52 = arith.constant 0 : i32
      %dma_wait3A_53 = tpu.memref_slice %arg14[%add3A_8, %dma_wait3A_52] : memref<10112x80xf32, #tpu.memory_space<vmem_shared>> -> memref<80x80xf32, #tpu.memory_space<vmem_shared>>
      %dma_wait3A_54 = arith.constant 0 : i32
      %dma_wait3A_55 = tpu.memref_slice %arg14[%add3A_8, %dma_wait3A_54] : memref<10112x80xf32, #tpu.memory_space<vmem_shared>> -> memref<80x80xf32, #tpu.memory_space<vmem_shared>>
      tpu.wait_dma2 semaphore(%run_scoped3A : memref<!tpu.dma_semaphore, #tpu.memory_space<semaphore_mem>>) src(%arg12 : memref<80x80xf32, #tpu.memory_space<vmem>>) dst(%dma_wait3A_55 : memref<80x80xf32, #tpu.memory_space<vmem_shared>>)
      tpu.yield
    }) : () -> ()
    %add3A_9 = arith.constant 160 : i32
    %add3A_10 = arith.addi %mul3A_5, %add3A_9 : i32
    "tpu.region"() ({
      %run_scoped3A = tpu.sem_alloc : memref<!tpu.dma_semaphore, #tpu.memory_space<semaphore_mem>>
      %dma_start3A_48 = arith.constant 0 : i32
      %dma_start3A_49 = tpu.memref_slice %arg14[%add3A_10, %dma_start3A_48] : memref<10112x80xf32, #tpu.memory_space<vmem_shared>> -> memref<80x80xf32, #tpu.memory_space<vmem_shared>>
      %dma_start3A_50 = arith.constant 0 : i32
      %dma_start3A_51 = tpu.memref_slice %arg14[%add3A_10, %dma_start3A_50] : memref<10112x80xf32, #tpu.memory_space<vmem_shared>> -> memref<80x80xf32, #tpu.memory_space<vmem_shared>>
      tpu.enqueue_dma source(%arg12 : memref<80x80xf32, #tpu.memory_space<vmem>>) target(%dma_start3A_51 : memref<80x80xf32, #tpu.memory_space<vmem_shared>>) target_semaphore(%run_scoped3A : memref<!tpu.dma_semaphore, #tpu.memory_space<semaphore_mem>>)
      %dma_wait3A_52 = arith.constant 0 : i32
      %dma_wait3A_53 = tpu.memref_slice %arg14[%add3A_10, %dma_wait3A_52] : memref<10112x80xf32, #tpu.memory_space<vmem_shared>> -> memref<80x80xf32, #tpu.memory_space<vmem_shared>>
      %dma_wait3A_54 = arith.constant 0 : i32
      %dma_wait3A_55 = tpu.memref_slice %arg14[%add3A_10, %dma_wait3A_54] : memref<10112x80xf32, #tpu.memory_space<vmem_shared>> -> memref<80x80xf32, #tpu.memory_space<vmem_shared>>
      tpu.wait_dma2 semaphore(%run_scoped3A : memref<!tpu.dma_semaphore, #tpu.memory_space<semaphore_mem>>) src(%arg12 : memref<80x80xf32, #tpu.memory_space<vmem>>) dst(%dma_wait3A_55 : memref<80x80xf32, #tpu.memory_space<vmem_shared>>)
      tpu.yield
    }) : () -> ()
    %add3A_11 = arith.constant 240 : i32
    %add3A_12 = arith.addi %mul3A_5, %add3A_11 : i32
    "tpu.region"() ({
      %run_scoped3A = tpu.sem_alloc : memref<!tpu.dma_semaphore, #tpu.memory_space<semaphore_mem>>
      %dma_start3A_48 = arith.constant 0 : i32
      %dma_start3A_49 = tpu.memref_slice %arg14[%add3A_12, %dma_start3A_48] : memref<10112x80xf32, #tpu.memory_space<vmem_shared>> -> memref<80x80xf32, #tpu.memory_space<vmem_shared>>
      %dma_start3A_50 = arith.constant 0 : i32
      %dma_start3A_51 = tpu.memref_slice %arg14[%add3A_12, %dma_start3A_50] : memref<10112x80xf32, #tpu.memory_space<vmem_shared>> -> memref<80x80xf32, #tpu.memory_space<vmem_shared>>
      tpu.enqueue_dma source(%arg12 : memref<80x80xf32, #tpu.memory_space<vmem>>) target(%dma_start3A_51 : memref<80x80xf32, #tpu.memory_space<vmem_shared>>) target_semaphore(%run_scoped3A : memref<!tpu.dma_semaphore, #tpu.memory_space<semaphore_mem>>)
      %dma_wait3A_52 = arith.constant 0 : i32
      %dma_wait3A_53 = tpu.memref_slice %arg14[%add3A_12, %dma_wait3A_52] : memref<10112x80xf32, #tpu.memory_space<vmem_shared>> -> memref<80x80xf32, #tpu.memory_space<vmem_shared>>
      %dma_wait3A_54 = arith.constant 0 : i32
      %dma_wait3A_55 = tpu.memref_slice %arg14[%add3A_12, %dma_wait3A_54] : memref<10112x80xf32, #tpu.memory_space<vmem_shared>> -> memref<80x80xf32, #tpu.memory_space<vmem_shared>>
      tpu.wait_dma2 semaphore(%run_scoped3A : memref<!tpu.dma_semaphore, #tpu.memory_space<semaphore_mem>>) src(%arg12 : memref<80x80xf32, #tpu.memory_space<vmem>>) dst(%dma_wait3A_55 : memref<80x80xf32, #tpu.memory_space<vmem_shared>>)
      tpu.yield
    }) : () -> ()
    %add3A_13 = arith.constant 320 : i32
    %add3A_14 = arith.addi %mul3A_5, %add3A_13 : i32
    "tpu.region"() ({
      %run_scoped3A = tpu.sem_alloc : memref<!tpu.dma_semaphore, #tpu.memory_space<semaphore_mem>>
      %dma_start3A_48 = arith.constant 0 : i32
      %dma_start3A_49 = tpu.memref_slice %arg14[%add3A_14, %dma_start3A_48] : memref<10112x80xf32, #tpu.memory_space<vmem_shared>> -> memref<80x80xf32, #tpu.memory_space<vmem_shared>>
      %dma_start3A_50 = arith.constant 0 : i32
      %dma_start3A_51 = tpu.memref_slice %arg14[%add3A_14, %dma_start3A_50] : memref<10112x80xf32, #tpu.memory_space<vmem_shared>> -> memref<80x80xf32, #tpu.memory_space<vmem_shared>>
      tpu.enqueue_dma source(%arg12 : memref<80x80xf32, #tpu.memory_space<vmem>>) target(%dma_start3A_51 : memref<80x80xf32, #tpu.memory_space<vmem_shared>>) target_semaphore(%run_scoped3A : memref<!tpu.dma_semaphore, #tpu.memory_space<semaphore_mem>>)
      %dma_wait3A_52 = arith.constant 0 : i32
      %dma_wait3A_53 = tpu.memref_slice %arg14[%add3A_14, %dma_wait3A_52] : memref<10112x80xf32, #tpu.memory_space<vmem_shared>> -> memref<80x80xf32, #tpu.memory_space<vmem_shared>>
      %dma_wait3A_54 = arith.constant 0 : i32
      %dma_wait3A_55 = tpu.memref_slice %arg14[%add3A_14, %dma_wait3A_54] : memref<10112x80xf32, #tpu.memory_space<vmem_shared>> -> memref<80x80xf32, #tpu.memory_space<vmem_shared>>
      tpu.wait_dma2 semaphore(%run_scoped3A : memref<!tpu.dma_semaphore, #tpu.memory_space<semaphore_mem>>) src(%arg12 : memref<80x80xf32, #tpu.memory_space<vmem>>) dst(%dma_wait3A_55 : memref<80x80xf32, #tpu.memory_space<vmem_shared>>)
      tpu.yield
    }) : () -> ()
    %add3A_15 = arith.constant 400 : i32
    %add3A_16 = arith.addi %mul3A_5, %add3A_15 : i32
    "tpu.region"() ({
      %run_scoped3A = tpu.sem_alloc : memref<!tpu.dma_semaphore, #tpu.memory_space<semaphore_mem>>
      %dma_start3A_48 = arith.constant 0 : i32
      %dma_start3A_49 = tpu.memref_slice %arg14[%add3A_16, %dma_start3A_48] : memref<10112x80xf32, #tpu.memory_space<vmem_shared>> -> memref<80x80xf32, #tpu.memory_space<vmem_shared>>
      %dma_start3A_50 = arith.constant 0 : i32
      %dma_start3A_51 = tpu.memref_slice %arg14[%add3A_16, %dma_start3A_50] : memref<10112x80xf32, #tpu.memory_space<vmem_shared>> -> memref<80x80xf32, #tpu.memory_space<vmem_shared>>
      tpu.enqueue_dma source(%arg12 : memref<80x80xf32, #tpu.memory_space<vmem>>) target(%dma_start3A_51 : memref<80x80xf32, #tpu.memory_space<vmem_shared>>) target_semaphore(%run_scoped3A : memref<!tpu.dma_semaphore, #tpu.memory_space<semaphore_mem>>)
      %dma_wait3A_52 = arith.constant 0 : i32
      %dma_wait3A_53 = tpu.memref_slice %arg14[%add3A_16, %dma_wait3A_52] : memref<10112x80xf32, #tpu.memory_space<vmem_shared>> -> memref<80x80xf32, #tpu.memory_space<vmem_shared>>
      %dma_wait3A_54 = arith.constant 0 : i32
      %dma_wait3A_55 = tpu.memref_slice %arg14[%add3A_16, %dma_wait3A_54] : memref<10112x80xf32, #tpu.memory_space<vmem_shared>> -> memref<80x80xf32, #tpu.memory_space<vmem_shared>>
      tpu.wait_dma2 semaphore(%run_scoped3A : memref<!tpu.dma_semaphore, #tpu.memory_space<semaphore_mem>>) src(%arg12 : memref<80x80xf32, #tpu.memory_space<vmem>>) dst(%dma_wait3A_55 : memref<80x80xf32, #tpu.memory_space<vmem_shared>>)
      tpu.yield
    }) : () -> ()
    %add3A_17 = arith.constant 480 : i32
    %add3A_18 = arith.addi %mul3A_5, %add3A_17 : i32
    "tpu.region"() ({
      %run_scoped3A = tpu.sem_alloc : memref<!tpu.dma_semaphore, #tpu.memory_space<semaphore_mem>>
      %dma_start3A_48 = arith.constant 0 : i32
      %dma_start3A_49 = tpu.memref_slice %arg14[%add3A_18, %dma_start3A_48] : memref<10112x80xf32, #tpu.memory_space<vmem_shared>> -> memref<80x80xf32, #tpu.memory_space<vmem_shared>>
      %dma_start3A_50 = arith.constant 0 : i32
      %dma_start3A_51 = tpu.memref_slice %arg14[%add3A_18, %dma_start3A_50] : memref<10112x80xf32, #tpu.memory_space<vmem_shared>> -> memref<80x80xf32, #tpu.memory_space<vmem_shared>>
      tpu.enqueue_dma source(%arg12 : memref<80x80xf32, #tpu.memory_space<vmem>>) target(%dma_start3A_51 : memref<80x80xf32, #tpu.memory_space<vmem_shared>>) target_semaphore(%run_scoped3A : memref<!tpu.dma_semaphore, #tpu.memory_space<semaphore_mem>>)
      %dma_wait3A_52 = arith.constant 0 : i32
      %dma_wait3A_53 = tpu.memref_slice %arg14[%add3A_18, %dma_wait3A_52] : memref<10112x80xf32, #tpu.memory_space<vmem_shared>> -> memref<80x80xf32, #tpu.memory_space<vmem_shared>>
      %dma_wait3A_54 = arith.constant 0 : i32
      %dma_wait3A_55 = tpu.memref_slice %arg14[%add3A_18, %dma_wait3A_54] : memref<10112x80xf32, #tpu.memory_space<vmem_shared>> -> memref<80x80xf32, #tpu.memory_space<vmem_shared>>
      tpu.wait_dma2 semaphore(%run_scoped3A : memref<!tpu.dma_semaphore, #tpu.memory_space<semaphore_mem>>) src(%arg12 : memref<80x80xf32, #tpu.memory_space<vmem>>) dst(%dma_wait3A_55 : memref<80x80xf32, #tpu.memory_space<vmem_shared>>)
      tpu.yield
    }) : () -> ()
    %add3A_19 = arith.constant 560 : i32
    %add3A_20 = arith.addi %mul3A_5, %add3A_19 : i32
    "tpu.region"() ({
      %run_scoped3A = tpu.sem_alloc : memref<!tpu.dma_semaphore, #tpu.memory_space<semaphore_mem>>
      %dma_start3A_48 = arith.constant 0 : i32
      %dma_start3A_49 = arith.constant 0 : i32
      %dma_start3A_50 = tpu.memref_slice %arg12[%dma_start3A_48, %dma_start3A_49] : memref<80x80xf32, #tpu.memory_space<vmem>> -> memref<72x80xf32, #tpu.memory_space<vmem>>
      %dma_start3A_51 = arith.constant 0 : i32
      %dma_start3A_52 = tpu.memref_slice %arg14[%add3A_20, %dma_start3A_51] : memref<10112x80xf32, #tpu.memory_space<vmem_shared>> -> memref<72x80xf32, #tpu.memory_space<vmem_shared>>
      %dma_start3A_53 = arith.constant 0 : i32
      %dma_start3A_54 = tpu.memref_slice %arg14[%add3A_20, %dma_start3A_53] : memref<10112x80xf32, #tpu.memory_space<vmem_shared>> -> memref<72x80xf32, #tpu.memory_space<vmem_shared>>
      %dma_start3A_55 = arith.constant 0 : i32
      %dma_start3A_56 = arith.constant 0 : i32
      %dma_start3A_57 = tpu.memref_slice %arg12[%dma_start3A_55, %dma_start3A_56] : memref<80x80xf32, #tpu.memory_space<vmem>> -> memref<72x80xf32, #tpu.memory_space<vmem>>
      tpu.enqueue_dma source(%dma_start3A_57 : memref<72x80xf32, #tpu.memory_space<vmem>>) target(%dma_start3A_54 : memref<72x80xf32, #tpu.memory_space<vmem_shared>>) target_semaphore(%run_scoped3A : memref<!tpu.dma_semaphore, #tpu.memory_space<semaphore_mem>>)
      %dma_wait3A_58 = arith.constant 0 : i32
      %dma_wait3A_59 = arith.constant 0 : i32
      %dma_wait3A_60 = tpu.memref_slice %arg12[%dma_wait3A_58, %dma_wait3A_59] : memref<80x80xf32, #tpu.memory_space<vmem>> -> memref<72x80xf32, #tpu.memory_space<vmem>>
      %dma_wait3A_61 = arith.constant 0 : i32
      %dma_wait3A_62 = tpu.memref_slice %arg14[%add3A_20, %dma_wait3A_61] : memref<10112x80xf32, #tpu.memory_space<vmem_shared>> -> memref<72x80xf32, #tpu.memory_space<vmem_shared>>
      %dma_wait3A_63 = arith.constant 0 : i32
      %dma_wait3A_64 = tpu.memref_slice %arg14[%add3A_20, %dma_wait3A_63] : memref<10112x80xf32, #tpu.memory_space<vmem_shared>> -> memref<72x80xf32, #tpu.memory_space<vmem_shared>>
      %dma_wait3A_65 = arith.constant 0 : i32
      %dma_wait3A_66 = arith.constant 0 : i32
      %dma_wait3A_67 = tpu.memref_slice %arg12[%dma_wait3A_65, %dma_wait3A_66] : memref<80x80xf32, #tpu.memory_space<vmem>> -> memref<72x80xf32, #tpu.memory_space<vmem>>
      tpu.wait_dma2 semaphore(%run_scoped3A : memref<!tpu.dma_semaphore, #tpu.memory_space<semaphore_mem>>) src(%dma_wait3A_67 : memref<72x80xf32, #tpu.memory_space<vmem>>) dst(%dma_wait3A_64 : memref<72x80xf32, #tpu.memory_space<vmem_shared>>)
      tpu.yield
    }) : () -> ()
    %barrier3A = arith.constant 0 : index
    tpu.barrier barrier_id(%barrier3A)
    %dma_start3A = arith.constant 0 : i32
    %dma_start3A_21 = arith.constant 0 : i32
    %dma_start3A_22 = tpu.memref_slice %arg8[%dma_start3A, %dma_start3A_21] : memref<250x80xi32, #tpu.memory_space<vmem>> -> memref<1x80xi32, #tpu.memory_space<vmem>>
    %dma_start3A_23 = tpu.memref_squeeze %dma_start3A_22 : memref<1x80xi32, #tpu.memory_space<vmem>> -> memref<80xi32, #tpu.memory_space<vmem>>
    %dma_start3A_24 = arith.constant 0 : i32
    %dma_start3A_25 = arith.constant 0 : i32
    %dma_start3A_26 = tpu.memref_slice %arg6[%arg0, %dma_start3A_24, %dma_start3A_25] : memref<2x10000x80xf32, #tpu.memory_space<hbm>> -> memref<1x10000x80xf32, #tpu.memory_space<hbm>>
    %dma_start3A_27 = tpu.memref_squeeze %dma_start3A_26 : memref<1x10000x80xf32, #tpu.memory_space<hbm>> -> memref<10000x80xf32, #tpu.memory_space<hbm>>
    %dma_start3A_28 = arith.constant 0 : i32
    %dma_start3A_29 = arith.constant 0 : i32
    %dma_start3A_30 = tpu.memref_slice %dma_start3A_27[%dma_start3A_28, %dma_start3A_29] : memref<10000x80xf32, #tpu.memory_space<hbm>> -> memref<10000x80xf32, #tpu.memory_space<hbm>>
    tpu.enqueue_indirect_dma source(%dma_start3A_30 : memref<10000x80xf32, #tpu.memory_space<hbm>>) target(%arg12 : memref<80x80xf32, #tpu.memory_space<vmem>>) offsets(%dma_start3A_23 : memref<80xi32, #tpu.memory_space<vmem>>) semaphore(%arg15 : memref<!tpu.dma_semaphore, #tpu.memory_space<semaphore_mem>>)
    %scan3A_31 = arith.constant 0 : i32
    %scan3A_32 = arith.constant 0 : i32
    %scan3A_33 = arith.constant 125 : i32
    %scan3A_34 = arith.addi %scan3A_32, %scan3A_33 : i32
    %scan3A_35 = arith.constant 1 : i32
    scf.for %scan3A_48 = %scan3A_32 to %scan3A_34 step %scan3A_35  : i32 {
      %mul3A_49 = arith.constant 2 : i32
      %mul3A_50 = arith.muli %mul3A_49, %scan3A_48 : i32
      %add3A_51 = arith.constant 1 : i32
      %add3A_52 = arith.addi %mul3A_50, %add3A_51 : i32
      %dma_wait3A_53 = arith.constant 0 : i32
      %dma_wait3A_54 = arith.constant 0 : i32
      %dma_wait3A_55 = tpu.memref_slice %arg8[%dma_wait3A_53, %dma_wait3A_54] : memref<250x80xi32, #tpu.memory_space<vmem>> -> memref<1x80xi32, #tpu.memory_space<vmem>>
      %dma_wait3A_56 = tpu.memref_squeeze %dma_wait3A_55 : memref<1x80xi32, #tpu.memory_space<vmem>> -> memref<80xi32, #tpu.memory_space<vmem>>
      %dma_wait3A_57 = arith.constant 0 : i32
      %dma_wait3A_58 = arith.constant 0 : i32
      %dma_wait3A_59 = tpu.memref_slice %arg6[%arg0, %dma_wait3A_57, %dma_wait3A_58] : memref<2x10000x80xf32, #tpu.memory_space<hbm>> -> memref<1x10000x80xf32, #tpu.memory_space<hbm>>
      %dma_wait3A_60 = tpu.memref_squeeze %dma_wait3A_59 : memref<1x10000x80xf32, #tpu.memory_space<hbm>> -> memref<10000x80xf32, #tpu.memory_space<hbm>>
      %dma_wait3A_61 = arith.constant 0 : i32
      %dma_wait3A_62 = arith.constant 0 : i32
      %dma_wait3A_63 = tpu.memref_slice %dma_wait3A_60[%dma_wait3A_61, %dma_wait3A_62] : memref<10000x80xf32, #tpu.memory_space<hbm>> -> memref<10000x80xf32, #tpu.memory_space<hbm>>
      tpu.wait_indirect_dma semaphore(%arg15 : memref<!tpu.dma_semaphore, #tpu.memory_space<semaphore_mem>>) src(%dma_wait3A_63 : memref<10000x80xf32, #tpu.memory_space<hbm>>) dst(%arg12 : memref<80x80xf32, #tpu.memory_space<vmem>>)
      %gt3A = arith.constant 0 : i32
      %gt3A_64 = arith.cmpi sgt, %scan3A_48, %gt3A : i32
      %convert_element_type3A = arith.extui %gt3A_64 : i1 to i32
      %cond3A = arith.constant 0 : i32
      %cond3A_65 = arith.cmpi ne, %convert_element_type3A, %cond3A : i32
      scf.if %cond3A_65 {
        %dma_wait3A_128 = arith.constant 0 : i32
        %dma_wait3A_129 = arith.constant 0 : i32
        %dma_wait3A_130 = tpu.memref_slice %arg8[%dma_wait3A_128, %dma_wait3A_129] : memref<250x80xi32, #tpu.memory_space<vmem>> -> memref<1x80xi32, #tpu.memory_space<vmem>>
        %dma_wait3A_131 = tpu.memref_squeeze %dma_wait3A_130 : memref<1x80xi32, #tpu.memory_space<vmem>> -> memref<80xi32, #tpu.memory_space<vmem>>
        %dma_wait3A_132 = arith.constant 0 : i32
        %dma_wait3A_133 = arith.constant 0 : i32
        %dma_wait3A_134 = tpu.memref_slice %arg6[%arg0, %dma_wait3A_132, %dma_wait3A_133] : memref<2x10000x80xf32, #tpu.memory_space<hbm>> -> memref<1x10000x80xf32, #tpu.memory_space<hbm>>
        %dma_wait3A_135 = tpu.memref_squeeze %dma_wait3A_134 : memref<1x10000x80xf32, #tpu.memory_space<hbm>> -> memref<10000x80xf32, #tpu.memory_space<hbm>>
        %dma_wait3A_136 = arith.constant 0 : i32
        %dma_wait3A_137 = arith.constant 0 : i32
        %dma_wait3A_138 = tpu.memref_slice %dma_wait3A_135[%dma_wait3A_136, %dma_wait3A_137] : memref<10000x80xf32, #tpu.memory_space<hbm>> -> memref<10000x80xf32, #tpu.memory_space<hbm>>
        tpu.wait_indirect_dma semaphore(%arg18 : memref<!tpu.dma_semaphore, #tpu.memory_space<semaphore_mem>>) src(%dma_wait3A_138 : memref<10000x80xf32, #tpu.memory_space<hbm>>) dst(%arg13 : memref<80x80xf32, #tpu.memory_space<vmem>>)
      } else {
      }
      %dma_start3A_66 = arith.constant 0 : i32
      %dma_start3A_67 = tpu.memref_slice %arg8[%add3A_52, %dma_start3A_66] : memref<250x80xi32, #tpu.memory_space<vmem>> -> memref<1x80xi32, #tpu.memory_space<vmem>>
      %dma_start3A_68 = tpu.memref_squeeze %dma_start3A_67 : memref<1x80xi32, #tpu.memory_space<vmem>> -> memref<80xi32, #tpu.memory_space<vmem>>
      %dma_start3A_69 = arith.constant 0 : i32
      %dma_start3A_70 = arith.constant 0 : i32
      %dma_start3A_71 = tpu.memref_slice %arg6[%arg0, %dma_start3A_69, %dma_start3A_70] : memref<2x10000x80xf32, #tpu.memory_space<hbm>> -> memref<1x10000x80xf32, #tpu.memory_space<hbm>>
      %dma_start3A_72 = tpu.memref_squeeze %dma_start3A_71 : memref<1x10000x80xf32, #tpu.memory_space<hbm>> -> memref<10000x80xf32, #tpu.memory_space<hbm>>
      %dma_start3A_73 = arith.constant 0 : i32
      %dma_start3A_74 = arith.constant 0 : i32
      %dma_start3A_75 = tpu.memref_slice %dma_start3A_72[%dma_start3A_73, %dma_start3A_74] : memref<10000x80xf32, #tpu.memory_space<hbm>> -> memref<10000x80xf32, #tpu.memory_space<hbm>>
      tpu.enqueue_indirect_dma source(%dma_start3A_75 : memref<10000x80xf32, #tpu.memory_space<hbm>>) target(%arg13 : memref<80x80xf32, #tpu.memory_space<vmem>>) offsets(%dma_start3A_68 : memref<80xi32, #tpu.memory_space<vmem>>) semaphore(%arg16 : memref<!tpu.dma_semaphore, #tpu.memory_space<semaphore_mem>>)
      %scan3A_76 = arith.constant 0 : i32
      %scan3A_77 = arith.constant 0 : i32
      %scan3A_78 = arith.constant 5 : i32
      %scan3A_79 = arith.addi %scan3A_77, %scan3A_78 : i32
      %scan3A_80 = arith.constant 1 : i32
      scf.for %scan3A_128 = %scan3A_77 to %scan3A_79 step %scan3A_80  : i32 {
        %mul3A_129 = arith.constant 16 : i32
        %mul3A_130 = arith.muli %scan3A_128, %mul3A_129 : i32
        %get3A = arith.index_cast %mul3A_50 : i32 to index
        %get3A_131 = arith.index_cast %mul3A_130 : i32 to index
        %get3A_132 = tpu.vector_load %arg8[%get3A, %get3A_131] {strides = array<i32>} : memref<250x80xi32, #tpu.memory_space<vmem>>, vector<16xi32>,
        %mul3A_133 = arith.constant 16 : i32
        %mul3A_134 = arith.muli %scan3A_128, %mul3A_133 : i32
        %get3A_135 = arith.index_cast %mul3A_50 : i32 to index
        %get3A_136 = arith.index_cast %mul3A_134 : i32 to index
        %get3A_137 = tpu.vector_load %arg9[%get3A_135, %get3A_136] {strides = array<i32>} : memref<250x80xi32, #tpu.memory_space<vmem>>, vector<16xi32>,
        %gather3A = tpu.vector_load_idx %arg10[%get3A_132] : memref<10000xf32, #tpu.memory_space<vmem>>[vector<16xi32>], vector<16xf32>,
        %gather3A_138 = tpu.vector_load_idx %arg11[%get3A_137] : memref<10000xf32, #tpu.memory_space<vmem>>[vector<16xi32>], vector<16xf32>,
        %add3A_139 = arith.addf %gather3A, %gather3A_138 : vector<16xf32>
        %gt3A_140 = arith.constant 0.000000e+00 : f32
        %gt3A_141 = vector.broadcast %gt3A_140 : f32 to vector<16xf32>
        %gt3A_142 = arith.cmpf ogt, %add3A_139, %gt3A_141 : vector<16xf32>
        %mul3A_143 = arith.constant 2.000000e-01 : f32
        %mul3A_144 = vector.broadcast %mul3A_143 : f32 to vector<16xf32>
        %mul3A_145 = arith.mulf %mul3A_144, %add3A_139 : vector<16xf32>
        %select_n3A = arith.select %gt3A_142, %add3A_139, %mul3A_145 : vector<16xi1>, vector<16xf32>
        %exp3A = math.exp %select_n3A : vector<16xf32>
        %broadcast_in_dim3A = arith.constant 0 : i32
        %broadcast_in_dim3A_146 = vector.broadcast %broadcast_in_dim3A : i32 to vector<16xi32>
        %lt3A_147 = arith.constant 0 : i32
        %lt3A_148 = vector.broadcast %lt3A_147 : i32 to vector<16xi32>
        %lt3A_149 = arith.cmpi slt, %broadcast_in_dim3A_146, %lt3A_148 : vector<16xi32>
        %add3A_150 = arith.constant 16 : i32
        %add3A_151 = vector.broadcast %add3A_150 : i32 to vector<16xi32>
        %add3A_152 = arith.addi %broadcast_in_dim3A_146, %add3A_151 : vector<16xi32>
        %select_n3A_153 = arith.select %lt3A_149, %add3A_152, %broadcast_in_dim3A_146 : vector<16xi1>, vector<16xi32>
        %reshape3A = vector.shape_cast %select_n3A_153 : vector<16xi32> to vector<16x1xi32>
        %gather3A_154 = vector.shape_cast %reshape3A : vector<16x1xi32> to vector<16xi32>
        %gather3A_155 = tpu.dynamic_gather %exp3A[%gather3A_154] in [0] : vector<16xf32>, vector<16xi32> -> vector<16xf32>
        %mul3A_156 = arith.constant 16 : i32
        %mul3A_157 = arith.muli %scan3A_128, %mul3A_156 : i32
        %add3A_158 = arith.constant 0 : i32
        %add3A_159 = arith.addi %mul3A_157, %add3A_158 : i32
        %get3A_160 = arith.index_cast %add3A_159 : i32 to index
        %get3A_161 = arith.constant 0 : index
        %get3A_162 = tpu.vector_load %arg12[%get3A_160, %get3A_161] {strides = array<i32>} : memref<80x80xf32, #tpu.memory_space<vmem>>, vector<16xf32>,
        %mul3A_163 = arith.mulf %get3A_162, %gather3A_155 : vector<16xf32>
        %swap3A = arith.index_cast %add3A_159 : i32 to index
        %swap3A_164 = arith.constant 0 : index
        %swap3A_165 = tpu.vector_load %arg12[%swap3A, %swap3A_164] {strides = array<i32>} : memref<80x80xf32, #tpu.memory_space<vmem>>, vector<16xf32>,
        tpu.vector_store %arg12[%swap3A, %swap3A_164], %mul3A_163 {strides = array<i32>} : memref<80x80xf32, #tpu.memory_space<vmem>>, vector<16xf32>,
        %get3A_166 = arith.index_cast %add3A_159 : i32 to index
        %get3A_167 = arith.constant 16 : index
        %get3A_168 = tpu.vector_load %arg12[%get3A_166, %get3A_167] {strides = array<i32>} : memref<80x80xf32, #tpu.memory_space<vmem>>, vector<16xf32>,
        %mul3A_169 = arith.mulf %get3A_168, %gather3A_155 : vector<16xf32>
        %swap3A_170 = arith.index_cast %add3A_159 : i32 to index
        %swap3A_171 = arith.constant 16 : index
        %swap3A_172 = tpu.vector_load %arg12[%swap3A_170, %swap3A_171] {strides = array<i32>} : memref<80x80xf32, #tpu.memory_space<vmem>>, vector<16xf32>,
        tpu.vector_store %arg12[%swap3A_170, %swap3A_171], %mul3A_169 {strides = array<i32>} : memref<80x80xf32, #tpu.memory_space<vmem>>, vector<16xf32>,
        %get3A_173 = arith.index_cast %add3A_159 : i32 to index
        %get3A_174 = arith.constant 32 : index
        %get3A_175 = tpu.vector_load %arg12[%get3A_173, %get3A_174] {strides = array<i32>} : memref<80x80xf32, #tpu.memory_space<vmem>>, vector<16xf32>,
        %mul3A_176 = arith.mulf %get3A_175, %gather3A_155 : vector<16xf32>
        %swap3A_177 = arith.index_cast %add3A_159 : i32 to index
        %swap3A_178 = arith.constant 32 : index
        %swap3A_179 = tpu.vector_load %arg12[%swap3A_177, %swap3A_178] {strides = array<i32>} : memref<80x80xf32, #tpu.memory_space<vmem>>, vector<16xf32>,
        tpu.vector_store %arg12[%swap3A_177, %swap3A_178], %mul3A_176 {strides = array<i32>} : memref<80x80xf32, #tpu.memory_space<vmem>>, vector<16xf32>,
        %get3A_180 = arith.index_cast %add3A_159 : i32 to index
        %get3A_181 = arith.constant 48 : index
        %get3A_182 = tpu.vector_load %arg12[%get3A_180, %get3A_181] {strides = array<i32>} : memref<80x80xf32, #tpu.memory_space<vmem>>, vector<16xf32>,
        %mul3A_183 = arith.mulf %get3A_182, %gather3A_155 : vector<16xf32>
        %swap3A_184 = arith.index_cast %add3A_159 : i32 to index
        %swap3A_185 = arith.constant 48 : index
        %swap3A_186 = tpu.vector_load %arg12[%swap3A_184, %swap3A_185] {strides = array<i32>} : memref<80x80xf32, #tpu.memory_space<vmem>>, vector<16xf32>,
        tpu.vector_store %arg12[%swap3A_184, %swap3A_185], %mul3A_183 {strides = array<i32>} : memref<80x80xf32, #tpu.memory_space<vmem>>, vector<16xf32>,
        %get3A_187 = arith.index_cast %add3A_159 : i32 to index
        %get3A_188 = arith.constant 64 : index
        %get3A_189 = tpu.vector_load %arg12[%get3A_187, %get3A_188] {strides = array<i32>} : memref<80x80xf32, #tpu.memory_space<vmem>>, vector<16xf32>,
        %mul3A_190 = arith.mulf %get3A_189, %gather3A_155 : vector<16xf32>
        %swap3A_191 = arith.index_cast %add3A_159 : i32 to index
        %swap3A_192 = arith.constant 64 : index
        %swap3A_193 = tpu.vector_load %arg12[%swap3A_191, %swap3A_192] {strides = array<i32>} : memref<80x80xf32, #tpu.memory_space<vmem>>, vector<16xf32>,
        tpu.vector_store %arg12[%swap3A_191, %swap3A_192], %mul3A_190 {strides = array<i32>} : memref<80x80xf32, #tpu.memory_space<vmem>>, vector<16xf32>,
        %broadcast_in_dim3A_194 = arith.constant 1 : i32
        %broadcast_in_dim3A_195 = vector.broadcast %broadcast_in_dim3A_194 : i32 to vector<16xi32>
        %lt3A_196 = arith.constant 0 : i32
        %lt3A_197 = vector.broadcast %lt3A_196 : i32 to vector<16xi32>
        %lt3A_198 = arith.cmpi slt, %broadcast_in_dim3A_195, %lt3A_197 : vector<16xi32>
        %add3A_199 = arith.constant 16 : i32
        %add3A_200 = vector.broadcast %add3A_199 : i32 to vector<16xi32>
        %add3A_201 = arith.addi %broadcast_in_dim3A_195, %add3A_200 : vector<16xi32>
        %select_n3A_202 = arith.select %lt3A_198, %add3A_201, %broadcast_in_dim3A_195 : vector<16xi1>, vector<16xi32>
        %reshape3A_203 = vector.shape_cast %select_n3A_202 : vector<16xi32> to vector<16x1xi32>
        %gather3A_204 = vector.shape_cast %reshape3A_203 : vector<16x1xi32> to vector<16xi32>
        %gather3A_205 = tpu.dynamic_gather %exp3A[%gather3A_204] in [0] : vector<16xf32>, vector<16xi32> -> vector<16xf32>
        %mul3A_206 = arith.constant 16 : i32
        %mul3A_207 = arith.muli %scan3A_128, %mul3A_206 : i32
        %add3A_208 = arith.constant 1 : i32
        %add3A_209 = arith.addi %mul3A_207, %add3A_208 : i32
        %get3A_210 = arith.index_cast %add3A_209 : i32 to index
        %get3A_211 = arith.constant 0 : index
        %get3A_212 = tpu.vector_load %arg12[%get3A_210, %get3A_211] {strides = array<i32>} : memref<80x80xf32, #tpu.memory_space<vmem>>, vector<16xf32>,
        %mul3A_213 = arith.mulf %get3A_212, %gather3A_205 : vector<16xf32>
        %swap3A_214 = arith.index_cast %add3A_209 : i32 to index
        %swap3A_215 = arith.constant 0 : index
        %swap3A_216 = tpu.vector_load %arg12[%swap3A_214, %swap3A_215] {strides = array<i32>} : memref<80x80xf32, #tpu.memory_space<vmem>>, vector<16xf32>,
        tpu.vector_store %arg12[%swap3A_214, %swap3A_215], %mul3A_213 {strides = array<i32>} : memref<80x80xf32, #tpu.memory_space<vmem>>, vector<16xf32>,
        %get3A_217 = arith.index_cast %add3A_209 : i32 to index
        %get3A_218 = arith.constant 16 : index
        %get3A_219 = tpu.vector_load %arg12[%get3A_217, %get3A_218] {strides = array<i32>} : memref<80x80xf32, #tpu.memory_space<vmem>>, vector<16xf32>,
        %mul3A_220 = arith.mulf %get3A_219, %gather3A_205 : vector<16xf32>
        %swap3A_221 = arith.index_cast %add3A_209 : i32 to index
        %swap3A_222 = arith.constant 16 : index
        %swap3A_223 = tpu.vector_load %arg12[%swap3A_221, %swap3A_222] {strides = array<i32>} : memref<80x80xf32, #tpu.memory_space<vmem>>, vector<16xf32>,
        tpu.vector_store %arg12[%swap3A_221, %swap3A_222], %mul3A_220 {strides = array<i32>} : memref<80x80xf32, #tpu.memory_space<vmem>>, vector<16xf32>,
        %get3A_224 = arith.index_cast %add3A_209 : i32 to index
        %get3A_225 = arith.constant 32 : index
        %get3A_226 = tpu.vector_load %arg12[%get3A_224, %get3A_225] {strides = array<i32>} : memref<80x80xf32, #tpu.memory_space<vmem>>, vector<16xf32>,
        %mul3A_227 = arith.mulf %get3A_226, %gather3A_205 : vector<16xf32>
        %swap3A_228 = arith.index_cast %add3A_209 : i32 to index
        %swap3A_229 = arith.constant 32 : index
        %swap3A_230 = tpu.vector_load %arg12[%swap3A_228, %swap3A_229] {strides = array<i32>} : memref<80x80xf32, #tpu.memory_space<vmem>>, vector<16xf32>,
        tpu.vector_store %arg12[%swap3A_228, %swap3A_229], %mul3A_227 {strides = array<i32>} : memref<80x80xf32, #tpu.memory_space<vmem>>, vector<16xf32>,
        %get3A_231 = arith.index_cast %add3A_209 : i32 to index
        %get3A_232 = arith.constant 48 : index
        %get3A_233 = tpu.vector_load %arg12[%get3A_231, %get3A_232] {strides = array<i32>} : memref<80x80xf32, #tpu.memory_space<vmem>>, vector<16xf32>,
        %mul3A_234 = arith.mulf %get3A_233, %gather3A_205 : vector<16xf32>
        %swap3A_235 = arith.index_cast %add3A_209 : i32 to index
        %swap3A_236 = arith.constant 48 : index
        %swap3A_237 = tpu.vector_load %arg12[%swap3A_235, %swap3A_236] {strides = array<i32>} : memref<80x80xf32, #tpu.memory_space<vmem>>, vector<16xf32>,
        tpu.vector_store %arg12[%swap3A_235, %swap3A_236], %mul3A_234 {strides = array<i32>} : memref<80x80xf32, #tpu.memory_space<vmem>>, vector<16xf32>,
        %get3A_238 = arith.index_cast %add3A_209 : i32 to index
        %get3A_239 = arith.constant 64 : index
        %get3A_240 = tpu.vector_load %arg12[%get3A_238, %get3A_239] {strides = array<i32>} : memref<80x80xf32, #tpu.memory_space<vmem>>, vector<16xf32>,
        %mul3A_241 = arith.mulf %get3A_240, %gather3A_205 : vector<16xf32>
        %swap3A_242 = arith.index_cast %add3A_209 : i32 to index
        %swap3A_243 = arith.constant 64 : index
        %swap3A_244 = tpu.vector_load %arg12[%swap3A_242, %swap3A_243] {strides = array<i32>} : memref<80x80xf32, #tpu.memory_space<vmem>>, vector<16xf32>,
        tpu.vector_store %arg12[%swap3A_242, %swap3A_243], %mul3A_241 {strides = array<i32>} : memref<80x80xf32, #tpu.memory_space<vmem>>, vector<16xf32>,
        %broadcast_in_dim3A_245 = arith.constant 2 : i32
        %broadcast_in_dim3A_246 = vector.broadcast %broadcast_in_dim3A_245 : i32 to vector<16xi32>
        %lt3A_247 = arith.constant 0 : i32
        %lt3A_248 = vector.broadcast %lt3A_247 : i32 to vector<16xi32>
        %lt3A_249 = arith.cmpi slt, %broadcast_in_dim3A_246, %lt3A_248 : vector<16xi32>
        %add3A_250 = arith.constant 16 : i32
        %add3A_251 = vector.broadcast %add3A_250 : i32 to vector<16xi32>
        %add3A_252 = arith.addi %broadcast_in_dim3A_246, %add3A_251 : vector<16xi32>
        %select_n3A_253 = arith.select %lt3A_249, %add3A_252, %broadcast_in_dim3A_246 : vector<16xi1>, vector<16xi32>
        %reshape3A_254 = vector.shape_cast %select_n3A_253 : vector<16xi32> to vector<16x1xi32>
        %gather3A_255 = vector.shape_cast %reshape3A_254 : vector<16x1xi32> to vector<16xi32>
        %gather3A_256 = tpu.dynamic_gather %exp3A[%gather3A_255] in [0] : vector<16xf32>, vector<16xi32> -> vector<16xf32>
        %mul3A_257 = arith.constant 16 : i32
        %mul3A_258 = arith.muli %scan3A_128, %mul3A_257 : i32
        %add3A_259 = arith.constant 2 : i32
        %add3A_260 = arith.addi %mul3A_258, %add3A_259 : i32
        %get3A_261 = arith.index_cast %add3A_260 : i32 to index
        %get3A_262 = arith.constant 0 : index
        %get3A_263 = tpu.vector_load %arg12[%get3A_261, %get3A_262] {strides = array<i32>} : memref<80x80xf32, #tpu.memory_space<vmem>>, vector<16xf32>,
        %mul3A_264 = arith.mulf %get3A_263, %gather3A_256 : vector<16xf32>
        %swap3A_265 = arith.index_cast %add3A_260 : i32 to index
        %swap3A_266 = arith.constant 0 : index
        %swap3A_267 = tpu.vector_load %arg12[%swap3A_265, %swap3A_266] {strides = array<i32>} : memref<80x80xf32, #tpu.memory_space<vmem>>, vector<16xf32>,
        tpu.vector_store %arg12[%swap3A_265, %swap3A_266], %mul3A_264 {strides = array<i32>} : memref<80x80xf32, #tpu.memory_space<vmem>>, vector<16xf32>,
        %get3A_268 = arith.index_cast %add3A_260 : i32 to index
        %get3A_269 = arith.constant 16 : index
        %get3A_270 = tpu.vector_load %arg12[%get3A_268, %get3A_269] {strides = array<i32>} : memref<80x80xf32, #tpu.memory_space<vmem>>, vector<16xf32>,
        %mul3A_271 = arith.mulf %get3A_270, %gather3A_256 : vector<16xf32>
        %swap3A_272 = arith.index_cast %add3A_260 : i32 to index
        %swap3A_273 = arith.constant 16 : index
        %swap3A_274 = tpu.vector_load %arg12[%swap3A_272, %swap3A_273] {strides = array<i32>} : memref<80x80xf32, #tpu.memory_space<vmem>>, vector<16xf32>,
        tpu.vector_store %arg12[%swap3A_272, %swap3A_273], %mul3A_271 {strides = array<i32>} : memref<80x80xf32, #tpu.memory_space<vmem>>, vector<16xf32>,
        %get3A_275 = arith.index_cast %add3A_260 : i32 to index
        %get3A_276 = arith.constant 32 : index
        %get3A_277 = tpu.vector_load %arg12[%get3A_275, %get3A_276] {strides = array<i32>} : memref<80x80xf32, #tpu.memory_space<vmem>>, vector<16xf32>,
        %mul3A_278 = arith.mulf %get3A_277, %gather3A_256 : vector<16xf32>
        %swap3A_279 = arith.index_cast %add3A_260 : i32 to index
        %swap3A_280 = arith.constant 32 : index
        %swap3A_281 = tpu.vector_load %arg12[%swap3A_279, %swap3A_280] {strides = array<i32>} : memref<80x80xf32, #tpu.memory_space<vmem>>, vector<16xf32>,
        tpu.vector_store %arg12[%swap3A_279, %swap3A_280], %mul3A_278 {strides = array<i32>} : memref<80x80xf32, #tpu.memory_space<vmem>>, vector<16xf32>,
        %get3A_282 = arith.index_cast %add3A_260 : i32 to index
        %get3A_283 = arith.constant 48 : index
        %get3A_284 = tpu.vector_load %arg12[%get3A_282, %get3A_283] {strides = array<i32>} : memref<80x80xf32, #tpu.memory_space<vmem>>, vector<16xf32>,
        %mul3A_285 = arith.mulf %get3A_284, %gather3A_256 : vector<16xf32>
        %swap3A_286 = arith.index_cast %add3A_260 : i32 to index
        %swap3A_287 = arith.constant 48 : index
        %swap3A_288 = tpu.vector_load %arg12[%swap3A_286, %swap3A_287] {strides = array<i32>} : memref<80x80xf32, #tpu.memory_space<vmem>>, vector<16xf32>,
        tpu.vector_store %arg12[%swap3A_286, %swap3A_287], %mul3A_285 {strides = array<i32>} : memref<80x80xf32, #tpu.memory_space<vmem>>, vector<16xf32>,
        %get3A_289 = arith.index_cast %add3A_260 : i32 to index
        %get3A_290 = arith.constant 64 : index
        %get3A_291 = tpu.vector_load %arg12[%get3A_289, %get3A_290] {strides = array<i32>} : memref<80x80xf32, #tpu.memory_space<vmem>>, vector<16xf32>,
        %mul3A_292 = arith.mulf %get3A_291, %gather3A_256 : vector<16xf32>
        %swap3A_293 = arith.index_cast %add3A_260 : i32 to index
        %swap3A_294 = arith.constant 64 : index
        %swap3A_295 = tpu.vector_load %arg12[%swap3A_293, %swap3A_294] {strides = array<i32>} : memref<80x80xf32, #tpu.memory_space<vmem>>, vector<16xf32>,
        tpu.vector_store %arg12[%swap3A_293, %swap3A_294], %mul3A_292 {strides = array<i32>} : memref<80x80xf32, #tpu.memory_space<vmem>>, vector<16xf32>,
        %broadcast_in_dim3A_296 = arith.constant 3 : i32
        %broadcast_in_dim3A_297 = vector.broadcast %broadcast_in_dim3A_296 : i32 to vector<16xi32>
        %lt3A_298 = arith.constant 0 : i32
        %lt3A_299 = vector.broadcast %lt3A_298 : i32 to vector<16xi32>
        %lt3A_300 = arith.cmpi slt, %broadcast_in_dim3A_297, %lt3A_299 : vector<16xi32>
        %add3A_301 = arith.constant 16 : i32
        %add3A_302 = vector.broadcast %add3A_301 : i32 to vector<16xi32>
        %add3A_303 = arith.addi %broadcast_in_dim3A_297, %add3A_302 : vector<16xi32>
        %select_n3A_304 = arith.select %lt3A_300, %add3A_303, %broadcast_in_dim3A_297 : vector<16xi1>, vector<16xi32>
        %reshape3A_305 = vector.shape_cast %select_n3A_304 : vector<16xi32> to vector<16x1xi32>
        %gather3A_306 = vector.shape_cast %reshape3A_305 : vector<16x1xi32> to vector<16xi32>
        %gather3A_307 = tpu.dynamic_gather %exp3A[%gather3A_306] in [0] : vector<16xf32>, vector<16xi32> -> vector<16xf32>
        %mul3A_308 = arith.constant 16 : i32
        %mul3A_309 = arith.muli %scan3A_128, %mul3A_308 : i32
        %add3A_310 = arith.constant 3 : i32
        %add3A_311 = arith.addi %mul3A_309, %add3A_310 : i32
        %get3A_312 = arith.index_cast %add3A_311 : i32 to index
        %get3A_313 = arith.constant 0 : index
        %get3A_314 = tpu.vector_load %arg12[%get3A_312, %get3A_313] {strides = array<i32>} : memref<80x80xf32, #tpu.memory_space<vmem>>, vector<16xf32>,
        %mul3A_315 = arith.mulf %get3A_314, %gather3A_307 : vector<16xf32>
        %swap3A_316 = arith.index_cast %add3A_311 : i32 to index
        %swap3A_317 = arith.constant 0 : index
        %swap3A_318 = tpu.vector_load %arg12[%swap3A_316, %swap3A_317] {strides = array<i32>} : memref<80x80xf32, #tpu.memory_space<vmem>>, vector<16xf32>,
        tpu.vector_store %arg12[%swap3A_316, %swap3A_317], %mul3A_315 {strides = array<i32>} : memref<80x80xf32, #tpu.memory_space<vmem>>, vector<16xf32>,
        %get3A_319 = arith.index_cast %add3A_311 : i32 to index
        %get3A_320 = arith.constant 16 : index
        %get3A_321 = tpu.vector_load %arg12[%get3A_319, %get3A_320] {strides = array<i32>} : memref<80x80xf32, #tpu.memory_space<vmem>>, vector<16xf32>,
        %mul3A_322 = arith.mulf %get3A_321, %gather3A_307 : vector<16xf32>
        %swap3A_323 = arith.index_cast %add3A_311 : i32 to index
        %swap3A_324 = arith.constant 16 : index
        %swap3A_325 = tpu.vector_load %arg12[%swap3A_323, %swap3A_324] {strides = array<i32>} : memref<80x80xf32, #tpu.memory_space<vmem>>, vector<16xf32>,
        tpu.vector_store %arg12[%swap3A_323, %swap3A_324], %mul3A_322 {strides = array<i32>} : memref<80x80xf32, #tpu.memory_space<vmem>>, vector<16xf32>,
        %get3A_326 = arith.index_cast %add3A_311 : i32 to index
        %get3A_327 = arith.constant 32 : index
        %get3A_328 = tpu.vector_load %arg12[%get3A_326, %get3A_327] {strides = array<i32>} : memref<80x80xf32, #tpu.memory_space<vmem>>, vector<16xf32>,
        %mul3A_329 = arith.mulf %get3A_328, %gather3A_307 : vector<16xf32>
        %swap3A_330 = arith.index_cast %add3A_311 : i32 to index
        %swap3A_331 = arith.constant 32 : index
        %swap3A_332 = tpu.vector_load %arg12[%swap3A_330, %swap3A_331] {strides = array<i32>} : memref<80x80xf32, #tpu.memory_space<vmem>>, vector<16xf32>,
        tpu.vector_store %arg12[%swap3A_330, %swap3A_331], %mul3A_329 {strides = array<i32>} : memref<80x80xf32, #tpu.memory_space<vmem>>, vector<16xf32>,
        %get3A_333 = arith.index_cast %add3A_311 : i32 to index
        %get3A_334 = arith.constant 48 : index
        %get3A_335 = tpu.vector_load %arg12[%get3A_333, %get3A_334] {strides = array<i32>} : memref<80x80xf32, #tpu.memory_space<vmem>>, vector<16xf32>,
        %mul3A_336 = arith.mulf %get3A_335, %gather3A_307 : vector<16xf32>
        %swap3A_337 = arith.index_cast %add3A_311 : i32 to index
        %swap3A_338 = arith.constant 48 : index
        %swap3A_339 = tpu.vector_load %arg12[%swap3A_337, %swap3A_338] {strides = array<i32>} : memref<80x80xf32, #tpu.memory_space<vmem>>, vector<16xf32>,
        tpu.vector_store %arg12[%swap3A_337, %swap3A_338], %mul3A_336 {strides = array<i32>} : memref<80x80xf32, #tpu.memory_space<vmem>>, vector<16xf32>,
        %get3A_340 = arith.index_cast %add3A_311 : i32 to index
        %get3A_341 = arith.constant 64 : index
        %get3A_342 = tpu.vector_load %arg12[%get3A_340, %get3A_341] {strides = array<i32>} : memref<80x80xf32, #tpu.memory_space<vmem>>, vector<16xf32>,
        %mul3A_343 = arith.mulf %get3A_342, %gather3A_307 : vector<16xf32>
        %swap3A_344 = arith.index_cast %add3A_311 : i32 to index
        %swap3A_345 = arith.constant 64 : index
        %swap3A_346 = tpu.vector_load %arg12[%swap3A_344, %swap3A_345] {strides = array<i32>} : memref<80x80xf32, #tpu.memory_space<vmem>>, vector<16xf32>,
        tpu.vector_store %arg12[%swap3A_344, %swap3A_345], %mul3A_343 {strides = array<i32>} : memref<80x80xf32, #tpu.memory_space<vmem>>, vector<16xf32>,
        %broadcast_in_dim3A_347 = arith.constant 4 : i32
        %broadcast_in_dim3A_348 = vector.broadcast %broadcast_in_dim3A_347 : i32 to vector<16xi32>
        %lt3A_349 = arith.constant 0 : i32
        %lt3A_350 = vector.broadcast %lt3A_349 : i32 to vector<16xi32>
        %lt3A_351 = arith.cmpi slt, %broadcast_in_dim3A_348, %lt3A_350 : vector<16xi32>
        %add3A_352 = arith.constant 16 : i32
        %add3A_353 = vector.broadcast %add3A_352 : i32 to vector<16xi32>
        %add3A_354 = arith.addi %broadcast_in_dim3A_348, %add3A_353 : vector<16xi32>
        %select_n3A_355 = arith.select %lt3A_351, %add3A_354, %broadcast_in_dim3A_348 : vector<16xi1>, vector<16xi32>
        %reshape3A_356 = vector.shape_cast %select_n3A_355 : vector<16xi32> to vector<16x1xi32>
        %gather3A_357 = vector.shape_cast %reshape3A_356 : vector<16x1xi32> to vector<16xi32>
        %gather3A_358 = tpu.dynamic_gather %exp3A[%gather3A_357] in [0] : vector<16xf32>, vector<16xi32> -> vector<16xf32>
        %mul3A_359 = arith.constant 16 : i32
        %mul3A_360 = arith.muli %scan3A_128, %mul3A_359 : i32
        %add3A_361 = arith.constant 4 : i32
        %add3A_362 = arith.addi %mul3A_360, %add3A_361 : i32
        %get3A_363 = arith.index_cast %add3A_362 : i32 to index
        %get3A_364 = arith.constant 0 : index
        %get3A_365 = tpu.vector_load %arg12[%get3A_363, %get3A_364] {strides = array<i32>} : memref<80x80xf32, #tpu.memory_space<vmem>>, vector<16xf32>,
        %mul3A_366 = arith.mulf %get3A_365, %gather3A_358 : vector<16xf32>
        %swap3A_367 = arith.index_cast %add3A_362 : i32 to index
        %swap3A_368 = arith.constant 0 : index
        %swap3A_369 = tpu.vector_load %arg12[%swap3A_367, %swap3A_368] {strides = array<i32>} : memref<80x80xf32, #tpu.memory_space<vmem>>, vector<16xf32>,
        tpu.vector_store %arg12[%swap3A_367, %swap3A_368], %mul3A_366 {strides = array<i32>} : memref<80x80xf32, #tpu.memory_space<vmem>>, vector<16xf32>,
        %get3A_370 = arith.index_cast %add3A_362 : i32 to index
        %get3A_371 = arith.constant 16 : index
        %get3A_372 = tpu.vector_load %arg12[%get3A_370, %get3A_371] {strides = array<i32>} : memref<80x80xf32, #tpu.memory_space<vmem>>, vector<16xf32>,
        %mul3A_373 = arith.mulf %get3A_372, %gather3A_358 : vector<16xf32>
        %swap3A_374 = arith.index_cast %add3A_362 : i32 to index
        %swap3A_375 = arith.constant 16 : index
        %swap3A_376 = tpu.vector_load %arg12[%swap3A_374, %swap3A_375] {strides = array<i32>} : memref<80x80xf32, #tpu.memory_space<vmem>>, vector<16xf32>,
        tpu.vector_store %arg12[%swap3A_374, %swap3A_375], %mul3A_373 {strides = array<i32>} : memref<80x80xf32, #tpu.memory_space<vmem>>, vector<16xf32>,
        %get3A_377 = arith.index_cast %add3A_362 : i32 to index
        %get3A_378 = arith.constant 32 : index
        %get3A_379 = tpu.vector_load %arg12[%get3A_377, %get3A_378] {strides = array<i32>} : memref<80x80xf32, #tpu.memory_space<vmem>>, vector<16xf32>,
        %mul3A_380 = arith.mulf %get3A_379, %gather3A_358 : vector<16xf32>
        %swap3A_381 = arith.index_cast %add3A_362 : i32 to index
        %swap3A_382 = arith.constant 32 : index
        %swap3A_383 = tpu.vector_load %arg12[%swap3A_381, %swap3A_382] {strides = array<i32>} : memref<80x80xf32, #tpu.memory_space<vmem>>, vector<16xf32>,
        tpu.vector_store %arg12[%swap3A_381, %swap3A_382], %mul3A_380 {strides = array<i32>} : memref<80x80xf32, #tpu.memory_space<vmem>>, vector<16xf32>,
        %get3A_384 = arith.index_cast %add3A_362 : i32 to index
        %get3A_385 = arith.constant 48 : index
        %get3A_386 = tpu.vector_load %arg12[%get3A_384, %get3A_385] {strides = array<i32>} : memref<80x80xf32, #tpu.memory_space<vmem>>, vector<16xf32>,
        %mul3A_387 = arith.mulf %get3A_386, %gather3A_358 : vector<16xf32>
        %swap3A_388 = arith.index_cast %add3A_362 : i32 to index
        %swap3A_389 = arith.constant 48 : index
        %swap3A_390 = tpu.vector_load %arg12[%swap3A_388, %swap3A_389] {strides = array<i32>} : memref<80x80xf32, #tpu.memory_space<vmem>>, vector<16xf32>,
        tpu.vector_store %arg12[%swap3A_388, %swap3A_389], %mul3A_387 {strides = array<i32>} : memref<80x80xf32, #tpu.memory_space<vmem>>, vector<16xf32>,
        %get3A_391 = arith.index_cast %add3A_362 : i32 to index
        %get3A_392 = arith.constant 64 : index
        %get3A_393 = tpu.vector_load %arg12[%get3A_391, %get3A_392] {strides = array<i32>} : memref<80x80xf32, #tpu.memory_space<vmem>>, vector<16xf32>,
        %mul3A_394 = arith.mulf %get3A_393, %gather3A_358 : vector<16xf32>
        %swap3A_395 = arith.index_cast %add3A_362 : i32 to index
        %swap3A_396 = arith.constant 64 : index
        %swap3A_397 = tpu.vector_load %arg12[%swap3A_395, %swap3A_396] {strides = array<i32>} : memref<80x80xf32, #tpu.memory_space<vmem>>, vector<16xf32>,
        tpu.vector_store %arg12[%swap3A_395, %swap3A_396], %mul3A_394 {strides = array<i32>} : memref<80x80xf32, #tpu.memory_space<vmem>>, vector<16xf32>,
        %broadcast_in_dim3A_398 = arith.constant 5 : i32
        %broadcast_in_dim3A_399 = vector.broadcast %broadcast_in_dim3A_398 : i32 to vector<16xi32>
        %lt3A_400 = arith.constant 0 : i32
        %lt3A_401 = vector.broadcast %lt3A_400 : i32 to vector<16xi32>
        %lt3A_402 = arith.cmpi slt, %broadcast_in_dim3A_399, %lt3A_401 : vector<16xi32>
        %add3A_403 = arith.constant 16 : i32
        %add3A_404 = vector.broadcast %add3A_403 : i32 to vector<16xi32>
        %add3A_405 = arith.addi %broadcast_in_dim3A_399, %add3A_404 : vector<16xi32>
        %select_n3A_406 = arith.select %lt3A_402, %add3A_405, %broadcast_in_dim3A_399 : vector<16xi1>, vector<16xi32>
        %reshape3A_407 = vector.shape_cast %select_n3A_406 : vector<16xi32> to vector<16x1xi32>
        %gather3A_408 = vector.shape_cast %reshape3A_407 : vector<16x1xi32> to vector<16xi32>
        %gather3A_409 = tpu.dynamic_gather %exp3A[%gather3A_408] in [0] : vector<16xf32>, vector<16xi32> -> vector<16xf32>
        %mul3A_410 = arith.constant 16 : i32
        %mul3A_411 = arith.muli %scan3A_128, %mul3A_410 : i32
        %add3A_412 = arith.constant 5 : i32
        %add3A_413 = arith.addi %mul3A_411, %add3A_412 : i32
        %get3A_414 = arith.index_cast %add3A_413 : i32 to index
        %get3A_415 = arith.constant 0 : index
        %get3A_416 = tpu.vector_load %arg12[%get3A_414, %get3A_415] {strides = array<i32>} : memref<80x80xf32, #tpu.memory_space<vmem>>, vector<16xf32>,
        %mul3A_417 = arith.mulf %get3A_416, %gather3A_409 : vector<16xf32>
        %swap3A_418 = arith.index_cast %add3A_413 : i32 to index
        %swap3A_419 = arith.constant 0 : index
        %swap3A_420 = tpu.vector_load %arg12[%swap3A_418, %swap3A_419] {strides = array<i32>} : memref<80x80xf32, #tpu.memory_space<vmem>>, vector<16xf32>,
        tpu.vector_store %arg12[%swap3A_418, %swap3A_419], %mul3A_417 {strides = array<i32>} : memref<80x80xf32, #tpu.memory_space<vmem>>, vector<16xf32>,
        %get3A_421 = arith.index_cast %add3A_413 : i32 to index
        %get3A_422 = arith.constant 16 : index
        %get3A_423 = tpu.vector_load %arg12[%get3A_421, %get3A_422] {strides = array<i32>} : memref<80x80xf32, #tpu.memory_space<vmem>>, vector<16xf32>,
        %mul3A_424 = arith.mulf %get3A_423, %gather3A_409 : vector<16xf32>
        %swap3A_425 = arith.index_cast %add3A_413 : i32 to index
        %swap3A_426 = arith.constant 16 : index
        %swap3A_427 = tpu.vector_load %arg12[%swap3A_425, %swap3A_426] {strides = array<i32>} : memref<80x80xf32, #tpu.memory_space<vmem>>, vector<16xf32>,
        tpu.vector_store %arg12[%swap3A_425, %swap3A_426], %mul3A_424 {strides = array<i32>} : memref<80x80xf32, #tpu.memory_space<vmem>>, vector<16xf32>,
        %get3A_428 = arith.index_cast %add3A_413 : i32 to index
        %get3A_429 = arith.constant 32 : index
        %get3A_430 = tpu.vector_load %arg12[%get3A_428, %get3A_429] {strides = array<i32>} : memref<80x80xf32, #tpu.memory_space<vmem>>, vector<16xf32>,
        %mul3A_431 = arith.mulf %get3A_430, %gather3A_409 : vector<16xf32>
        %swap3A_432 = arith.index_cast %add3A_413 : i32 to index
        %swap3A_433 = arith.constant 32 : index
        %swap3A_434 = tpu.vector_load %arg12[%swap3A_432, %swap3A_433] {strides = array<i32>} : memref<80x80xf32, #tpu.memory_space<vmem>>, vector<16xf32>,
        tpu.vector_store %arg12[%swap3A_432, %swap3A_433], %mul3A_431 {strides = array<i32>} : memref<80x80xf32, #tpu.memory_space<vmem>>, vector<16xf32>,
        %get3A_435 = arith.index_cast %add3A_413 : i32 to index
        %get3A_436 = arith.constant 48 : index
        %get3A_437 = tpu.vector_load %arg12[%get3A_435, %get3A_436] {strides = array<i32>} : memref<80x80xf32, #tpu.memory_space<vmem>>, vector<16xf32>,
        %mul3A_438 = arith.mulf %get3A_437, %gather3A_409 : vector<16xf32>
        %swap3A_439 = arith.index_cast %add3A_413 : i32 to index
        %swap3A_440 = arith.constant 48 : index
        %swap3A_441 = tpu.vector_load %arg12[%swap3A_439, %swap3A_440] {strides = array<i32>} : memref<80x80xf32, #tpu.memory_space<vmem>>, vector<16xf32>,
        tpu.vector_store %arg12[%swap3A_439, %swap3A_440], %mul3A_438 {strides = array<i32>} : memref<80x80xf32, #tpu.memory_space<vmem>>, vector<16xf32>,
        %get3A_442 = arith.index_cast %add3A_413 : i32 to index
        %get3A_443 = arith.constant 64 : index
        %get3A_444 = tpu.vector_load %arg12[%get3A_442, %get3A_443] {strides = array<i32>} : memref<80x80xf32, #tpu.memory_space<vmem>>, vector<16xf32>,
        %mul3A_445 = arith.mulf %get3A_444, %gather3A_409 : vector<16xf32>
        %swap3A_446 = arith.index_cast %add3A_413 : i32 to index
        %swap3A_447 = arith.constant 64 : index
        %swap3A_448 = tpu.vector_load %arg12[%swap3A_446, %swap3A_447] {strides = array<i32>} : memref<80x80xf32, #tpu.memory_space<vmem>>, vector<16xf32>,
        tpu.vector_store %arg12[%swap3A_446, %swap3A_447], %mul3A_445 {strides = array<i32>} : memref<80x80xf32, #tpu.memory_space<vmem>>, vector<16xf32>,
        %broadcast_in_dim3A_449 = arith.constant 6 : i32
        %broadcast_in_dim3A_450 = vector.broadcast %broadcast_in_dim3A_449 : i32 to vector<16xi32>
        %lt3A_451 = arith.constant 0 : i32
        %lt3A_452 = vector.broadcast %lt3A_451 : i32 to vector<16xi32>
        %lt3A_453 = arith.cmpi slt, %broadcast_in_dim3A_450, %lt3A_452 : vector<16xi32>
        %add3A_454 = arith.constant 16 : i32
        %add3A_455 = vector.broadcast %add3A_454 : i32 to vector<16xi32>
        %add3A_456 = arith.addi %broadcast_in_dim3A_450, %add3A_455 : vector<16xi32>
        %select_n3A_457 = arith.select %lt3A_453, %add3A_456, %broadcast_in_dim3A_450 : vector<16xi1>, vector<16xi32>
        %reshape3A_458 = vector.shape_cast %select_n3A_457 : vector<16xi32> to vector<16x1xi32>
        %gather3A_459 = vector.shape_cast %reshape3A_458 : vector<16x1xi32> to vector<16xi32>
        %gather3A_460 = tpu.dynamic_gather %exp3A[%gather3A_459] in [0] : vector<16xf32>, vector<16xi32> -> vector<16xf32>
        %mul3A_461 = arith.constant 16 : i32
        %mul3A_462 = arith.muli %scan3A_128, %mul3A_461 : i32
        %add3A_463 = arith.constant 6 : i32
        %add3A_464 = arith.addi %mul3A_462, %add3A_463 : i32
        %get3A_465 = arith.index_cast %add3A_464 : i32 to index
        %get3A_466 = arith.constant 0 : index
        %get3A_467 = tpu.vector_load %arg12[%get3A_465, %get3A_466] {strides = array<i32>} : memref<80x80xf32, #tpu.memory_space<vmem>>, vector<16xf32>,
        %mul3A_468 = arith.mulf %get3A_467, %gather3A_460 : vector<16xf32>
        %swap3A_469 = arith.index_cast %add3A_464 : i32 to index
        %swap3A_470 = arith.constant 0 : index
        %swap3A_471 = tpu.vector_load %arg12[%swap3A_469, %swap3A_470] {strides = array<i32>} : memref<80x80xf32, #tpu.memory_space<vmem>>, vector<16xf32>,
        tpu.vector_store %arg12[%swap3A_469, %swap3A_470], %mul3A_468 {strides = array<i32>} : memref<80x80xf32, #tpu.memory_space<vmem>>, vector<16xf32>,
        %get3A_472 = arith.index_cast %add3A_464 : i32 to index
        %get3A_473 = arith.constant 16 : index
        %get3A_474 = tpu.vector_load %arg12[%get3A_472, %get3A_473] {strides = array<i32>} : memref<80x80xf32, #tpu.memory_space<vmem>>, vector<16xf32>,
        %mul3A_475 = arith.mulf %get3A_474, %gather3A_460 : vector<16xf32>
        %swap3A_476 = arith.index_cast %add3A_464 : i32 to index
        %swap3A_477 = arith.constant 16 : index
        %swap3A_478 = tpu.vector_load %arg12[%swap3A_476, %swap3A_477] {strides = array<i32>} : memref<80x80xf32, #tpu.memory_space<vmem>>, vector<16xf32>,
        tpu.vector_store %arg12[%swap3A_476, %swap3A_477], %mul3A_475 {strides = array<i32>} : memref<80x80xf32, #tpu.memory_space<vmem>>, vector<16xf32>,
        %get3A_479 = arith.index_cast %add3A_464 : i32 to index
        %get3A_480 = arith.constant 32 : index
        %get3A_481 = tpu.vector_load %arg12[%get3A_479, %get3A_480] {strides = array<i32>} : memref<80x80xf32, #tpu.memory_space<vmem>>, vector<16xf32>,
        %mul3A_482 = arith.mulf %get3A_481, %gather3A_460 : vector<16xf32>
        %swap3A_483 = arith.index_cast %add3A_464 : i32 to index
        %swap3A_484 = arith.constant 32 : index
        %swap3A_485 = tpu.vector_load %arg12[%swap3A_483, %swap3A_484] {strides = array<i32>} : memref<80x80xf32, #tpu.memory_space<vmem>>, vector<16xf32>,
        tpu.vector_store %arg12[%swap3A_483, %swap3A_484], %mul3A_482 {strides = array<i32>} : memref<80x80xf32, #tpu.memory_space<vmem>>, vector<16xf32>,
        %get3A_486 = arith.index_cast %add3A_464 : i32 to index
        %get3A_487 = arith.constant 48 : index
        %get3A_488 = tpu.vector_load %arg12[%get3A_486, %get3A_487] {strides = array<i32>} : memref<80x80xf32, #tpu.memory_space<vmem>>, vector<16xf32>,
        %mul3A_489 = arith.mulf %get3A_488, %gather3A_460 : vector<16xf32>
        %swap3A_490 = arith.index_cast %add3A_464 : i32 to index
        %swap3A_491 = arith.constant 48 : index
        %swap3A_492 = tpu.vector_load %arg12[%swap3A_490, %swap3A_491] {strides = array<i32>} : memref<80x80xf32, #tpu.memory_space<vmem>>, vector<16xf32>,
        tpu.vector_store %arg12[%swap3A_490, %swap3A_491], %mul3A_489 {strides = array<i32>} : memref<80x80xf32, #tpu.memory_space<vmem>>, vector<16xf32>,
        %get3A_493 = arith.index_cast %add3A_464 : i32 to index
        %get3A_494 = arith.constant 64 : index
        %get3A_495 = tpu.vector_load %arg12[%get3A_493, %get3A_494] {strides = array<i32>} : memref<80x80xf32, #tpu.memory_space<vmem>>, vector<16xf32>,
        %mul3A_496 = arith.mulf %get3A_495, %gather3A_460 : vector<16xf32>
        %swap3A_497 = arith.index_cast %add3A_464 : i32 to index
        %swap3A_498 = arith.constant 64 : index
        %swap3A_499 = tpu.vector_load %arg12[%swap3A_497, %swap3A_498] {strides = array<i32>} : memref<80x80xf32, #tpu.memory_space<vmem>>, vector<16xf32>,
        tpu.vector_store %arg12[%swap3A_497, %swap3A_498], %mul3A_496 {strides = array<i32>} : memref<80x80xf32, #tpu.memory_space<vmem>>, vector<16xf32>,
        %broadcast_in_dim3A_500 = arith.constant 7 : i32
        %broadcast_in_dim3A_501 = vector.broadcast %broadcast_in_dim3A_500 : i32 to vector<16xi32>
        %lt3A_502 = arith.constant 0 : i32
        %lt3A_503 = vector.broadcast %lt3A_502 : i32 to vector<16xi32>
        %lt3A_504 = arith.cmpi slt, %broadcast_in_dim3A_501, %lt3A_503 : vector<16xi32>
        %add3A_505 = arith.constant 16 : i32
        %add3A_506 = vector.broadcast %add3A_505 : i32 to vector<16xi32>
        %add3A_507 = arith.addi %broadcast_in_dim3A_501, %add3A_506 : vector<16xi32>
        %select_n3A_508 = arith.select %lt3A_504, %add3A_507, %broadcast_in_dim3A_501 : vector<16xi1>, vector<16xi32>
        %reshape3A_509 = vector.shape_cast %select_n3A_508 : vector<16xi32> to vector<16x1xi32>
        %gather3A_510 = vector.shape_cast %reshape3A_509 : vector<16x1xi32> to vector<16xi32>
        %gather3A_511 = tpu.dynamic_gather %exp3A[%gather3A_510] in [0] : vector<16xf32>, vector<16xi32> -> vector<16xf32>
        %mul3A_512 = arith.constant 16 : i32
        %mul3A_513 = arith.muli %scan3A_128, %mul3A_512 : i32
        %add3A_514 = arith.constant 7 : i32
        %add3A_515 = arith.addi %mul3A_513, %add3A_514 : i32
        %get3A_516 = arith.index_cast %add3A_515 : i32 to index
        %get3A_517 = arith.constant 0 : index
        %get3A_518 = tpu.vector_load %arg12[%get3A_516, %get3A_517] {strides = array<i32>} : memref<80x80xf32, #tpu.memory_space<vmem>>, vector<16xf32>,
        %mul3A_519 = arith.mulf %get3A_518, %gather3A_511 : vector<16xf32>
        %swap3A_520 = arith.index_cast %add3A_515 : i32 to index
        %swap3A_521 = arith.constant 0 : index
        %swap3A_522 = tpu.vector_load %arg12[%swap3A_520, %swap3A_521] {strides = array<i32>} : memref<80x80xf32, #tpu.memory_space<vmem>>, vector<16xf32>,
        tpu.vector_store %arg12[%swap3A_520, %swap3A_521], %mul3A_519 {strides = array<i32>} : memref<80x80xf32, #tpu.memory_space<vmem>>, vector<16xf32>,
        %get3A_523 = arith.index_cast %add3A_515 : i32 to index
        %get3A_524 = arith.constant 16 : index
        %get3A_525 = tpu.vector_load %arg12[%get3A_523, %get3A_524] {strides = array<i32>} : memref<80x80xf32, #tpu.memory_space<vmem>>, vector<16xf32>,
        %mul3A_526 = arith.mulf %get3A_525, %gather3A_511 : vector<16xf32>
        %swap3A_527 = arith.index_cast %add3A_515 : i32 to index
        %swap3A_528 = arith.constant 16 : index
        %swap3A_529 = tpu.vector_load %arg12[%swap3A_527, %swap3A_528] {strides = array<i32>} : memref<80x80xf32, #tpu.memory_space<vmem>>, vector<16xf32>,
        tpu.vector_store %arg12[%swap3A_527, %swap3A_528], %mul3A_526 {strides = array<i32>} : memref<80x80xf32, #tpu.memory_space<vmem>>, vector<16xf32>,
        %get3A_530 = arith.index_cast %add3A_515 : i32 to index
        %get3A_531 = arith.constant 32 : index
        %get3A_532 = tpu.vector_load %arg12[%get3A_530, %get3A_531] {strides = array<i32>} : memref<80x80xf32, #tpu.memory_space<vmem>>, vector<16xf32>,
        %mul3A_533 = arith.mulf %get3A_532, %gather3A_511 : vector<16xf32>
        %swap3A_534 = arith.index_cast %add3A_515 : i32 to index
        %swap3A_535 = arith.constant 32 : index
        %swap3A_536 = tpu.vector_load %arg12[%swap3A_534, %swap3A_535] {strides = array<i32>} : memref<80x80xf32, #tpu.memory_space<vmem>>, vector<16xf32>,
        tpu.vector_store %arg12[%swap3A_534, %swap3A_535], %mul3A_533 {strides = array<i32>} : memref<80x80xf32, #tpu.memory_space<vmem>>, vector<16xf32>,
        %get3A_537 = arith.index_cast %add3A_515 : i32 to index
        %get3A_538 = arith.constant 48 : index
        %get3A_539 = tpu.vector_load %arg12[%get3A_537, %get3A_538] {strides = array<i32>} : memref<80x80xf32, #tpu.memory_space<vmem>>, vector<16xf32>,
        %mul3A_540 = arith.mulf %get3A_539, %gather3A_511 : vector<16xf32>
        %swap3A_541 = arith.index_cast %add3A_515 : i32 to index
        %swap3A_542 = arith.constant 48 : index
        %swap3A_543 = tpu.vector_load %arg12[%swap3A_541, %swap3A_542] {strides = array<i32>} : memref<80x80xf32, #tpu.memory_space<vmem>>, vector<16xf32>,
        tpu.vector_store %arg12[%swap3A_541, %swap3A_542], %mul3A_540 {strides = array<i32>} : memref<80x80xf32, #tpu.memory_space<vmem>>, vector<16xf32>,
        %get3A_544 = arith.index_cast %add3A_515 : i32 to index
        %get3A_545 = arith.constant 64 : index
        %get3A_546 = tpu.vector_load %arg12[%get3A_544, %get3A_545] {strides = array<i32>} : memref<80x80xf32, #tpu.memory_space<vmem>>, vector<16xf32>,
        %mul3A_547 = arith.mulf %get3A_546, %gather3A_511 : vector<16xf32>
        %swap3A_548 = arith.index_cast %add3A_515 : i32 to index
        %swap3A_549 = arith.constant 64 : index
        %swap3A_550 = tpu.vector_load %arg12[%swap3A_548, %swap3A_549] {strides = array<i32>} : memref<80x80xf32, #tpu.memory_space<vmem>>, vector<16xf32>,
        tpu.vector_store %arg12[%swap3A_548, %swap3A_549], %mul3A_547 {strides = array<i32>} : memref<80x80xf32, #tpu.memory_space<vmem>>, vector<16xf32>,
        %broadcast_in_dim3A_551 = arith.constant 8 : i32
        %broadcast_in_dim3A_552 = vector.broadcast %broadcast_in_dim3A_551 : i32 to vector<16xi32>
        %lt3A_553 = arith.constant 0 : i32
        %lt3A_554 = vector.broadcast %lt3A_553 : i32 to vector<16xi32>
        %lt3A_555 = arith.cmpi slt, %broadcast_in_dim3A_552, %lt3A_554 : vector<16xi32>
        %add3A_556 = arith.constant 16 : i32
        %add3A_557 = vector.broadcast %add3A_556 : i32 to vector<16xi32>
        %add3A_558 = arith.addi %broadcast_in_dim3A_552, %add3A_557 : vector<16xi32>
        %select_n3A_559 = arith.select %lt3A_555, %add3A_558, %broadcast_in_dim3A_552 : vector<16xi1>, vector<16xi32>
        %reshape3A_560 = vector.shape_cast %select_n3A_559 : vector<16xi32> to vector<16x1xi32>
        %gather3A_561 = vector.shape_cast %reshape3A_560 : vector<16x1xi32> to vector<16xi32>
        %gather3A_562 = tpu.dynamic_gather %exp3A[%gather3A_561] in [0] : vector<16xf32>, vector<16xi32> -> vector<16xf32>
        %mul3A_563 = arith.constant 16 : i32
        %mul3A_564 = arith.muli %scan3A_128, %mul3A_563 : i32
        %add3A_565 = arith.constant 8 : i32
        %add3A_566 = arith.addi %mul3A_564, %add3A_565 : i32
        %get3A_567 = arith.index_cast %add3A_566 : i32 to index
        %get3A_568 = arith.constant 0 : index
        %get3A_569 = tpu.vector_load %arg12[%get3A_567, %get3A_568] {strides = array<i32>} : memref<80x80xf32, #tpu.memory_space<vmem>>, vector<16xf32>,
        %mul3A_570 = arith.mulf %get3A_569, %gather3A_562 : vector<16xf32>
        %swap3A_571 = arith.index_cast %add3A_566 : i32 to index
        %swap3A_572 = arith.constant 0 : index
        %swap3A_573 = tpu.vector_load %arg12[%swap3A_571, %swap3A_572] {strides = array<i32>} : memref<80x80xf32, #tpu.memory_space<vmem>>, vector<16xf32>,
        tpu.vector_store %arg12[%swap3A_571, %swap3A_572], %mul3A_570 {strides = array<i32>} : memref<80x80xf32, #tpu.memory_space<vmem>>, vector<16xf32>,
        %get3A_574 = arith.index_cast %add3A_566 : i32 to index
        %get3A_575 = arith.constant 16 : index
        %get3A_576 = tpu.vector_load %arg12[%get3A_574, %get3A_575] {strides = array<i32>} : memref<80x80xf32, #tpu.memory_space<vmem>>, vector<16xf32>,
        %mul3A_577 = arith.mulf %get3A_576, %gather3A_562 : vector<16xf32>
        %swap3A_578 = arith.index_cast %add3A_566 : i32 to index
        %swap3A_579 = arith.constant 16 : index
        %swap3A_580 = tpu.vector_load %arg12[%swap3A_578, %swap3A_579] {strides = array<i32>} : memref<80x80xf32, #tpu.memory_space<vmem>>, vector<16xf32>,
        tpu.vector_store %arg12[%swap3A_578, %swap3A_579], %mul3A_577 {strides = array<i32>} : memref<80x80xf32, #tpu.memory_space<vmem>>, vector<16xf32>,
        %get3A_581 = arith.index_cast %add3A_566 : i32 to index
        %get3A_582 = arith.constant 32 : index
        %get3A_583 = tpu.vector_load %arg12[%get3A_581, %get3A_582] {strides = array<i32>} : memref<80x80xf32, #tpu.memory_space<vmem>>, vector<16xf32>,
        %mul3A_584 = arith.mulf %get3A_583, %gather3A_562 : vector<16xf32>
        %swap3A_585 = arith.index_cast %add3A_566 : i32 to index
        %swap3A_586 = arith.constant 32 : index
        %swap3A_587 = tpu.vector_load %arg12[%swap3A_585, %swap3A_586] {strides = array<i32>} : memref<80x80xf32, #tpu.memory_space<vmem>>, vector<16xf32>,
        tpu.vector_store %arg12[%swap3A_585, %swap3A_586], %mul3A_584 {strides = array<i32>} : memref<80x80xf32, #tpu.memory_space<vmem>>, vector<16xf32>,
        %get3A_588 = arith.index_cast %add3A_566 : i32 to index
        %get3A_589 = arith.constant 48 : index
        %get3A_590 = tpu.vector_load %arg12[%get3A_588, %get3A_589] {strides = array<i32>} : memref<80x80xf32, #tpu.memory_space<vmem>>, vector<16xf32>,
        %mul3A_591 = arith.mulf %get3A_590, %gather3A_562 : vector<16xf32>
        %swap3A_592 = arith.index_cast %add3A_566 : i32 to index
        %swap3A_593 = arith.constant 48 : index
        %swap3A_594 = tpu.vector_load %arg12[%swap3A_592, %swap3A_593] {strides = array<i32>} : memref<80x80xf32, #tpu.memory_space<vmem>>, vector<16xf32>,
        tpu.vector_store %arg12[%swap3A_592, %swap3A_593], %mul3A_591 {strides = array<i32>} : memref<80x80xf32, #tpu.memory_space<vmem>>, vector<16xf32>,
        %get3A_595 = arith.index_cast %add3A_566 : i32 to index
        %get3A_596 = arith.constant 64 : index
        %get3A_597 = tpu.vector_load %arg12[%get3A_595, %get3A_596] {strides = array<i32>} : memref<80x80xf32, #tpu.memory_space<vmem>>, vector<16xf32>,
        %mul3A_598 = arith.mulf %get3A_597, %gather3A_562 : vector<16xf32>
        %swap3A_599 = arith.index_cast %add3A_566 : i32 to index
        %swap3A_600 = arith.constant 64 : index
        %swap3A_601 = tpu.vector_load %arg12[%swap3A_599, %swap3A_600] {strides = array<i32>} : memref<80x80xf32, #tpu.memory_space<vmem>>, vector<16xf32>,
        tpu.vector_store %arg12[%swap3A_599, %swap3A_600], %mul3A_598 {strides = array<i32>} : memref<80x80xf32, #tpu.memory_space<vmem>>, vector<16xf32>,
        %broadcast_in_dim3A_602 = arith.constant 9 : i32
        %broadcast_in_dim3A_603 = vector.broadcast %broadcast_in_dim3A_602 : i32 to vector<16xi32>
        %lt3A_604 = arith.constant 0 : i32
        %lt3A_605 = vector.broadcast %lt3A_604 : i32 to vector<16xi32>
        %lt3A_606 = arith.cmpi slt, %broadcast_in_dim3A_603, %lt3A_605 : vector<16xi32>
        %add3A_607 = arith.constant 16 : i32
        %add3A_608 = vector.broadcast %add3A_607 : i32 to vector<16xi32>
        %add3A_609 = arith.addi %broadcast_in_dim3A_603, %add3A_608 : vector<16xi32>
        %select_n3A_610 = arith.select %lt3A_606, %add3A_609, %broadcast_in_dim3A_603 : vector<16xi1>, vector<16xi32>
        %reshape3A_611 = vector.shape_cast %select_n3A_610 : vector<16xi32> to vector<16x1xi32>
        %gather3A_612 = vector.shape_cast %reshape3A_611 : vector<16x1xi32> to vector<16xi32>
        %gather3A_613 = tpu.dynamic_gather %exp3A[%gather3A_612] in [0] : vector<16xf32>, vector<16xi32> -> vector<16xf32>
        %mul3A_614 = arith.constant 16 : i32
        %mul3A_615 = arith.muli %scan3A_128, %mul3A_614 : i32
        %add3A_616 = arith.constant 9 : i32
        %add3A_617 = arith.addi %mul3A_615, %add3A_616 : i32
        %get3A_618 = arith.index_cast %add3A_617 : i32 to index
        %get3A_619 = arith.constant 0 : index
        %get3A_620 = tpu.vector_load %arg12[%get3A_618, %get3A_619] {strides = array<i32>} : memref<80x80xf32, #tpu.memory_space<vmem>>, vector<16xf32>,
        %mul3A_621 = arith.mulf %get3A_620, %gather3A_613 : vector<16xf32>
        %swap3A_622 = arith.index_cast %add3A_617 : i32 to index
        %swap3A_623 = arith.constant 0 : index
        %swap3A_624 = tpu.vector_load %arg12[%swap3A_622, %swap3A_623] {strides = array<i32>} : memref<80x80xf32, #tpu.memory_space<vmem>>, vector<16xf32>,
        tpu.vector_store %arg12[%swap3A_622, %swap3A_623], %mul3A_621 {strides = array<i32>} : memref<80x80xf32, #tpu.memory_space<vmem>>, vector<16xf32>,
        %get3A_625 = arith.index_cast %add3A_617 : i32 to index
        %get3A_626 = arith.constant 16 : index
        %get3A_627 = tpu.vector_load %arg12[%get3A_625, %get3A_626] {strides = array<i32>} : memref<80x80xf32, #tpu.memory_space<vmem>>, vector<16xf32>,
        %mul3A_628 = arith.mulf %get3A_627, %gather3A_613 : vector<16xf32>
        %swap3A_629 = arith.index_cast %add3A_617 : i32 to index
        %swap3A_630 = arith.constant 16 : index
        %swap3A_631 = tpu.vector_load %arg12[%swap3A_629, %swap3A_630] {strides = array<i32>} : memref<80x80xf32, #tpu.memory_space<vmem>>, vector<16xf32>,
        tpu.vector_store %arg12[%swap3A_629, %swap3A_630], %mul3A_628 {strides = array<i32>} : memref<80x80xf32, #tpu.memory_space<vmem>>, vector<16xf32>,
        %get3A_632 = arith.index_cast %add3A_617 : i32 to index
        %get3A_633 = arith.constant 32 : index
        %get3A_634 = tpu.vector_load %arg12[%get3A_632, %get3A_633] {strides = array<i32>} : memref<80x80xf32, #tpu.memory_space<vmem>>, vector<16xf32>,
        %mul3A_635 = arith.mulf %get3A_634, %gather3A_613 : vector<16xf32>
        %swap3A_636 = arith.index_cast %add3A_617 : i32 to index
        %swap3A_637 = arith.constant 32 : index
        %swap3A_638 = tpu.vector_load %arg12[%swap3A_636, %swap3A_637] {strides = array<i32>} : memref<80x80xf32, #tpu.memory_space<vmem>>, vector<16xf32>,
        tpu.vector_store %arg12[%swap3A_636, %swap3A_637], %mul3A_635 {strides = array<i32>} : memref<80x80xf32, #tpu.memory_space<vmem>>, vector<16xf32>,
        %get3A_639 = arith.index_cast %add3A_617 : i32 to index
        %get3A_640 = arith.constant 48 : index
        %get3A_641 = tpu.vector_load %arg12[%get3A_639, %get3A_640] {strides = array<i32>} : memref<80x80xf32, #tpu.memory_space<vmem>>, vector<16xf32>,
        %mul3A_642 = arith.mulf %get3A_641, %gather3A_613 : vector<16xf32>
        %swap3A_643 = arith.index_cast %add3A_617 : i32 to index
        %swap3A_644 = arith.constant 48 : index
        %swap3A_645 = tpu.vector_load %arg12[%swap3A_643, %swap3A_644] {strides = array<i32>} : memref<80x80xf32, #tpu.memory_space<vmem>>, vector<16xf32>,
        tpu.vector_store %arg12[%swap3A_643, %swap3A_644], %mul3A_642 {strides = array<i32>} : memref<80x80xf32, #tpu.memory_space<vmem>>, vector<16xf32>,
        %get3A_646 = arith.index_cast %add3A_617 : i32 to index
        %get3A_647 = arith.constant 64 : index
        %get3A_648 = tpu.vector_load %arg12[%get3A_646, %get3A_647] {strides = array<i32>} : memref<80x80xf32, #tpu.memory_space<vmem>>, vector<16xf32>,
        %mul3A_649 = arith.mulf %get3A_648, %gather3A_613 : vector<16xf32>
        %swap3A_650 = arith.index_cast %add3A_617 : i32 to index
        %swap3A_651 = arith.constant 64 : index
        %swap3A_652 = tpu.vector_load %arg12[%swap3A_650, %swap3A_651] {strides = array<i32>} : memref<80x80xf32, #tpu.memory_space<vmem>>, vector<16xf32>,
        tpu.vector_store %arg12[%swap3A_650, %swap3A_651], %mul3A_649 {strides = array<i32>} : memref<80x80xf32, #tpu.memory_space<vmem>>, vector<16xf32>,
        %broadcast_in_dim3A_653 = arith.constant 10 : i32
        %broadcast_in_dim3A_654 = vector.broadcast %broadcast_in_dim3A_653 : i32 to vector<16xi32>
        %lt3A_655 = arith.constant 0 : i32
        %lt3A_656 = vector.broadcast %lt3A_655 : i32 to vector<16xi32>
        %lt3A_657 = arith.cmpi slt, %broadcast_in_dim3A_654, %lt3A_656 : vector<16xi32>
        %add3A_658 = arith.constant 16 : i32
        %add3A_659 = vector.broadcast %add3A_658 : i32 to vector<16xi32>
        %add3A_660 = arith.addi %broadcast_in_dim3A_654, %add3A_659 : vector<16xi32>
        %select_n3A_661 = arith.select %lt3A_657, %add3A_660, %broadcast_in_dim3A_654 : vector<16xi1>, vector<16xi32>
        %reshape3A_662 = vector.shape_cast %select_n3A_661 : vector<16xi32> to vector<16x1xi32>
        %gather3A_663 = vector.shape_cast %reshape3A_662 : vector<16x1xi32> to vector<16xi32>
        %gather3A_664 = tpu.dynamic_gather %exp3A[%gather3A_663] in [0] : vector<16xf32>, vector<16xi32> -> vector<16xf32>
        %mul3A_665 = arith.constant 16 : i32
        %mul3A_666 = arith.muli %scan3A_128, %mul3A_665 : i32
        %add3A_667 = arith.constant 10 : i32
        %add3A_668 = arith.addi %mul3A_666, %add3A_667 : i32
        %get3A_669 = arith.index_cast %add3A_668 : i32 to index
        %get3A_670 = arith.constant 0 : index
        %get3A_671 = tpu.vector_load %arg12[%get3A_669, %get3A_670] {strides = array<i32>} : memref<80x80xf32, #tpu.memory_space<vmem>>, vector<16xf32>,
        %mul3A_672 = arith.mulf %get3A_671, %gather3A_664 : vector<16xf32>
        %swap3A_673 = arith.index_cast %add3A_668 : i32 to index
        %swap3A_674 = arith.constant 0 : index
        %swap3A_675 = tpu.vector_load %arg12[%swap3A_673, %swap3A_674] {strides = array<i32>} : memref<80x80xf32, #tpu.memory_space<vmem>>, vector<16xf32>,
        tpu.vector_store %arg12[%swap3A_673, %swap3A_674], %mul3A_672 {strides = array<i32>} : memref<80x80xf32, #tpu.memory_space<vmem>>, vector<16xf32>,
        %get3A_676 = arith.index_cast %add3A_668 : i32 to index
        %get3A_677 = arith.constant 16 : index
        %get3A_678 = tpu.vector_load %arg12[%get3A_676, %get3A_677] {strides = array<i32>} : memref<80x80xf32, #tpu.memory_space<vmem>>, vector<16xf32>,
        %mul3A_679 = arith.mulf %get3A_678, %gather3A_664 : vector<16xf32>
        %swap3A_680 = arith.index_cast %add3A_668 : i32 to index
        %swap3A_681 = arith.constant 16 : index
        %swap3A_682 = tpu.vector_load %arg12[%swap3A_680, %swap3A_681] {strides = array<i32>} : memref<80x80xf32, #tpu.memory_space<vmem>>, vector<16xf32>,
        tpu.vector_store %arg12[%swap3A_680, %swap3A_681], %mul3A_679 {strides = array<i32>} : memref<80x80xf32, #tpu.memory_space<vmem>>, vector<16xf32>,
        %get3A_683 = arith.index_cast %add3A_668 : i32 to index
        %get3A_684 = arith.constant 32 : index
        %get3A_685 = tpu.vector_load %arg12[%get3A_683, %get3A_684] {strides = array<i32>} : memref<80x80xf32, #tpu.memory_space<vmem>>, vector<16xf32>,
        %mul3A_686 = arith.mulf %get3A_685, %gather3A_664 : vector<16xf32>
        %swap3A_687 = arith.index_cast %add3A_668 : i32 to index
        %swap3A_688 = arith.constant 32 : index
        %swap3A_689 = tpu.vector_load %arg12[%swap3A_687, %swap3A_688] {strides = array<i32>} : memref<80x80xf32, #tpu.memory_space<vmem>>, vector<16xf32>,
        tpu.vector_store %arg12[%swap3A_687, %swap3A_688], %mul3A_686 {strides = array<i32>} : memref<80x80xf32, #tpu.memory_space<vmem>>, vector<16xf32>,
        %get3A_690 = arith.index_cast %add3A_668 : i32 to index
        %get3A_691 = arith.constant 48 : index
        %get3A_692 = tpu.vector_load %arg12[%get3A_690, %get3A_691] {strides = array<i32>} : memref<80x80xf32, #tpu.memory_space<vmem>>, vector<16xf32>,
        %mul3A_693 = arith.mulf %get3A_692, %gather3A_664 : vector<16xf32>
        %swap3A_694 = arith.index_cast %add3A_668 : i32 to index
        %swap3A_695 = arith.constant 48 : index
        %swap3A_696 = tpu.vector_load %arg12[%swap3A_694, %swap3A_695] {strides = array<i32>} : memref<80x80xf32, #tpu.memory_space<vmem>>, vector<16xf32>,
        tpu.vector_store %arg12[%swap3A_694, %swap3A_695], %mul3A_693 {strides = array<i32>} : memref<80x80xf32, #tpu.memory_space<vmem>>, vector<16xf32>,
        %get3A_697 = arith.index_cast %add3A_668 : i32 to index
        %get3A_698 = arith.constant 64 : index
        %get3A_699 = tpu.vector_load %arg12[%get3A_697, %get3A_698] {strides = array<i32>} : memref<80x80xf32, #tpu.memory_space<vmem>>, vector<16xf32>,
        %mul3A_700 = arith.mulf %get3A_699, %gather3A_664 : vector<16xf32>
        %swap3A_701 = arith.index_cast %add3A_668 : i32 to index
        %swap3A_702 = arith.constant 64 : index
        %swap3A_703 = tpu.vector_load %arg12[%swap3A_701, %swap3A_702] {strides = array<i32>} : memref<80x80xf32, #tpu.memory_space<vmem>>, vector<16xf32>,
        tpu.vector_store %arg12[%swap3A_701, %swap3A_702], %mul3A_700 {strides = array<i32>} : memref<80x80xf32, #tpu.memory_space<vmem>>, vector<16xf32>,
        %broadcast_in_dim3A_704 = arith.constant 11 : i32
        %broadcast_in_dim3A_705 = vector.broadcast %broadcast_in_dim3A_704 : i32 to vector<16xi32>
        %lt3A_706 = arith.constant 0 : i32
        %lt3A_707 = vector.broadcast %lt3A_706 : i32 to vector<16xi32>
        %lt3A_708 = arith.cmpi slt, %broadcast_in_dim3A_705, %lt3A_707 : vector<16xi32>
        %add3A_709 = arith.constant 16 : i32
        %add3A_710 = vector.broadcast %add3A_709 : i32 to vector<16xi32>
        %add3A_711 = arith.addi %broadcast_in_dim3A_705, %add3A_710 : vector<16xi32>
        %select_n3A_712 = arith.select %lt3A_708, %add3A_711, %broadcast_in_dim3A_705 : vector<16xi1>, vector<16xi32>
        %reshape3A_713 = vector.shape_cast %select_n3A_712 : vector<16xi32> to vector<16x1xi32>
        %gather3A_714 = vector.shape_cast %reshape3A_713 : vector<16x1xi32> to vector<16xi32>
        %gather3A_715 = tpu.dynamic_gather %exp3A[%gather3A_714] in [0] : vector<16xf32>, vector<16xi32> -> vector<16xf32>
        %mul3A_716 = arith.constant 16 : i32
        %mul3A_717 = arith.muli %scan3A_128, %mul3A_716 : i32
        %add3A_718 = arith.constant 11 : i32
        %add3A_719 = arith.addi %mul3A_717, %add3A_718 : i32
        %get3A_720 = arith.index_cast %add3A_719 : i32 to index
        %get3A_721 = arith.constant 0 : index
        %get3A_722 = tpu.vector_load %arg12[%get3A_720, %get3A_721] {strides = array<i32>} : memref<80x80xf32, #tpu.memory_space<vmem>>, vector<16xf32>,
        %mul3A_723 = arith.mulf %get3A_722, %gather3A_715 : vector<16xf32>
        %swap3A_724 = arith.index_cast %add3A_719 : i32 to index
        %swap3A_725 = arith.constant 0 : index
        %swap3A_726 = tpu.vector_load %arg12[%swap3A_724, %swap3A_725] {strides = array<i32>} : memref<80x80xf32, #tpu.memory_space<vmem>>, vector<16xf32>,
        tpu.vector_store %arg12[%swap3A_724, %swap3A_725], %mul3A_723 {strides = array<i32>} : memref<80x80xf32, #tpu.memory_space<vmem>>, vector<16xf32>,
        %get3A_727 = arith.index_cast %add3A_719 : i32 to index
        %get3A_728 = arith.constant 16 : index
        %get3A_729 = tpu.vector_load %arg12[%get3A_727, %get3A_728] {strides = array<i32>} : memref<80x80xf32, #tpu.memory_space<vmem>>, vector<16xf32>,
        %mul3A_730 = arith.mulf %get3A_729, %gather3A_715 : vector<16xf32>
        %swap3A_731 = arith.index_cast %add3A_719 : i32 to index
        %swap3A_732 = arith.constant 16 : index
        %swap3A_733 = tpu.vector_load %arg12[%swap3A_731, %swap3A_732] {strides = array<i32>} : memref<80x80xf32, #tpu.memory_space<vmem>>, vector<16xf32>,
        tpu.vector_store %arg12[%swap3A_731, %swap3A_732], %mul3A_730 {strides = array<i32>} : memref<80x80xf32, #tpu.memory_space<vmem>>, vector<16xf32>,
        %get3A_734 = arith.index_cast %add3A_719 : i32 to index
        %get3A_735 = arith.constant 32 : index
        %get3A_736 = tpu.vector_load %arg12[%get3A_734, %get3A_735] {strides = array<i32>} : memref<80x80xf32, #tpu.memory_space<vmem>>, vector<16xf32>,
        %mul3A_737 = arith.mulf %get3A_736, %gather3A_715 : vector<16xf32>
        %swap3A_738 = arith.index_cast %add3A_719 : i32 to index
        %swap3A_739 = arith.constant 32 : index
        %swap3A_740 = tpu.vector_load %arg12[%swap3A_738, %swap3A_739] {strides = array<i32>} : memref<80x80xf32, #tpu.memory_space<vmem>>, vector<16xf32>,
        tpu.vector_store %arg12[%swap3A_738, %swap3A_739], %mul3A_737 {strides = array<i32>} : memref<80x80xf32, #tpu.memory_space<vmem>>, vector<16xf32>,
        %get3A_741 = arith.index_cast %add3A_719 : i32 to index
        %get3A_742 = arith.constant 48 : index
        %get3A_743 = tpu.vector_load %arg12[%get3A_741, %get3A_742] {strides = array<i32>} : memref<80x80xf32, #tpu.memory_space<vmem>>, vector<16xf32>,
        %mul3A_744 = arith.mulf %get3A_743, %gather3A_715 : vector<16xf32>
        %swap3A_745 = arith.index_cast %add3A_719 : i32 to index
        %swap3A_746 = arith.constant 48 : index
        %swap3A_747 = tpu.vector_load %arg12[%swap3A_745, %swap3A_746] {strides = array<i32>} : memref<80x80xf32, #tpu.memory_space<vmem>>, vector<16xf32>,
        tpu.vector_store %arg12[%swap3A_745, %swap3A_746], %mul3A_744 {strides = array<i32>} : memref<80x80xf32, #tpu.memory_space<vmem>>, vector<16xf32>,
        %get3A_748 = arith.index_cast %add3A_719 : i32 to index
        %get3A_749 = arith.constant 64 : index
        %get3A_750 = tpu.vector_load %arg12[%get3A_748, %get3A_749] {strides = array<i32>} : memref<80x80xf32, #tpu.memory_space<vmem>>, vector<16xf32>,
        %mul3A_751 = arith.mulf %get3A_750, %gather3A_715 : vector<16xf32>
        %swap3A_752 = arith.index_cast %add3A_719 : i32 to index
        %swap3A_753 = arith.constant 64 : index
        %swap3A_754 = tpu.vector_load %arg12[%swap3A_752, %swap3A_753] {strides = array<i32>} : memref<80x80xf32, #tpu.memory_space<vmem>>, vector<16xf32>,
        tpu.vector_store %arg12[%swap3A_752, %swap3A_753], %mul3A_751 {strides = array<i32>} : memref<80x80xf32, #tpu.memory_space<vmem>>, vector<16xf32>,
        %broadcast_in_dim3A_755 = arith.constant 12 : i32
        %broadcast_in_dim3A_756 = vector.broadcast %broadcast_in_dim3A_755 : i32 to vector<16xi32>
        %lt3A_757 = arith.constant 0 : i32
        %lt3A_758 = vector.broadcast %lt3A_757 : i32 to vector<16xi32>
        %lt3A_759 = arith.cmpi slt, %broadcast_in_dim3A_756, %lt3A_758 : vector<16xi32>
        %add3A_760 = arith.constant 16 : i32
        %add3A_761 = vector.broadcast %add3A_760 : i32 to vector<16xi32>
        %add3A_762 = arith.addi %broadcast_in_dim3A_756, %add3A_761 : vector<16xi32>
        %select_n3A_763 = arith.select %lt3A_759, %add3A_762, %broadcast_in_dim3A_756 : vector<16xi1>, vector<16xi32>
        %reshape3A_764 = vector.shape_cast %select_n3A_763 : vector<16xi32> to vector<16x1xi32>
        %gather3A_765 = vector.shape_cast %reshape3A_764 : vector<16x1xi32> to vector<16xi32>
        %gather3A_766 = tpu.dynamic_gather %exp3A[%gather3A_765] in [0] : vector<16xf32>, vector<16xi32> -> vector<16xf32>
        %mul3A_767 = arith.constant 16 : i32
        %mul3A_768 = arith.muli %scan3A_128, %mul3A_767 : i32
        %add3A_769 = arith.constant 12 : i32
        %add3A_770 = arith.addi %mul3A_768, %add3A_769 : i32
        %get3A_771 = arith.index_cast %add3A_770 : i32 to index
        %get3A_772 = arith.constant 0 : index
        %get3A_773 = tpu.vector_load %arg12[%get3A_771, %get3A_772] {strides = array<i32>} : memref<80x80xf32, #tpu.memory_space<vmem>>, vector<16xf32>,
        %mul3A_774 = arith.mulf %get3A_773, %gather3A_766 : vector<16xf32>
        %swap3A_775 = arith.index_cast %add3A_770 : i32 to index
        %swap3A_776 = arith.constant 0 : index
        %swap3A_777 = tpu.vector_load %arg12[%swap3A_775, %swap3A_776] {strides = array<i32>} : memref<80x80xf32, #tpu.memory_space<vmem>>, vector<16xf32>,
        tpu.vector_store %arg12[%swap3A_775, %swap3A_776], %mul3A_774 {strides = array<i32>} : memref<80x80xf32, #tpu.memory_space<vmem>>, vector<16xf32>,
        %get3A_778 = arith.index_cast %add3A_770 : i32 to index
        %get3A_779 = arith.constant 16 : index
        %get3A_780 = tpu.vector_load %arg12[%get3A_778, %get3A_779] {strides = array<i32>} : memref<80x80xf32, #tpu.memory_space<vmem>>, vector<16xf32>,
        %mul3A_781 = arith.mulf %get3A_780, %gather3A_766 : vector<16xf32>
        %swap3A_782 = arith.index_cast %add3A_770 : i32 to index
        %swap3A_783 = arith.constant 16 : index
        %swap3A_784 = tpu.vector_load %arg12[%swap3A_782, %swap3A_783] {strides = array<i32>} : memref<80x80xf32, #tpu.memory_space<vmem>>, vector<16xf32>,
        tpu.vector_store %arg12[%swap3A_782, %swap3A_783], %mul3A_781 {strides = array<i32>} : memref<80x80xf32, #tpu.memory_space<vmem>>, vector<16xf32>,
        %get3A_785 = arith.index_cast %add3A_770 : i32 to index
        %get3A_786 = arith.constant 32 : index
        %get3A_787 = tpu.vector_load %arg12[%get3A_785, %get3A_786] {strides = array<i32>} : memref<80x80xf32, #tpu.memory_space<vmem>>, vector<16xf32>,
        %mul3A_788 = arith.mulf %get3A_787, %gather3A_766 : vector<16xf32>
        %swap3A_789 = arith.index_cast %add3A_770 : i32 to index
        %swap3A_790 = arith.constant 32 : index
        %swap3A_791 = tpu.vector_load %arg12[%swap3A_789, %swap3A_790] {strides = array<i32>} : memref<80x80xf32, #tpu.memory_space<vmem>>, vector<16xf32>,
        tpu.vector_store %arg12[%swap3A_789, %swap3A_790], %mul3A_788 {strides = array<i32>} : memref<80x80xf32, #tpu.memory_space<vmem>>, vector<16xf32>,
        %get3A_792 = arith.index_cast %add3A_770 : i32 to index
        %get3A_793 = arith.constant 48 : index
        %get3A_794 = tpu.vector_load %arg12[%get3A_792, %get3A_793] {strides = array<i32>} : memref<80x80xf32, #tpu.memory_space<vmem>>, vector<16xf32>,
        %mul3A_795 = arith.mulf %get3A_794, %gather3A_766 : vector<16xf32>
        %swap3A_796 = arith.index_cast %add3A_770 : i32 to index
        %swap3A_797 = arith.constant 48 : index
        %swap3A_798 = tpu.vector_load %arg12[%swap3A_796, %swap3A_797] {strides = array<i32>} : memref<80x80xf32, #tpu.memory_space<vmem>>, vector<16xf32>,
        tpu.vector_store %arg12[%swap3A_796, %swap3A_797], %mul3A_795 {strides = array<i32>} : memref<80x80xf32, #tpu.memory_space<vmem>>, vector<16xf32>,
        %get3A_799 = arith.index_cast %add3A_770 : i32 to index
        %get3A_800 = arith.constant 64 : index
        %get3A_801 = tpu.vector_load %arg12[%get3A_799, %get3A_800] {strides = array<i32>} : memref<80x80xf32, #tpu.memory_space<vmem>>, vector<16xf32>,
        %mul3A_802 = arith.mulf %get3A_801, %gather3A_766 : vector<16xf32>
        %swap3A_803 = arith.index_cast %add3A_770 : i32 to index
        %swap3A_804 = arith.constant 64 : index
        %swap3A_805 = tpu.vector_load %arg12[%swap3A_803, %swap3A_804] {strides = array<i32>} : memref<80x80xf32, #tpu.memory_space<vmem>>, vector<16xf32>,
        tpu.vector_store %arg12[%swap3A_803, %swap3A_804], %mul3A_802 {strides = array<i32>} : memref<80x80xf32, #tpu.memory_space<vmem>>, vector<16xf32>,
        %broadcast_in_dim3A_806 = arith.constant 13 : i32
        %broadcast_in_dim3A_807 = vector.broadcast %broadcast_in_dim3A_806 : i32 to vector<16xi32>
        %lt3A_808 = arith.constant 0 : i32
        %lt3A_809 = vector.broadcast %lt3A_808 : i32 to vector<16xi32>
        %lt3A_810 = arith.cmpi slt, %broadcast_in_dim3A_807, %lt3A_809 : vector<16xi32>
        %add3A_811 = arith.constant 16 : i32
        %add3A_812 = vector.broadcast %add3A_811 : i32 to vector<16xi32>
        %add3A_813 = arith.addi %broadcast_in_dim3A_807, %add3A_812 : vector<16xi32>
        %select_n3A_814 = arith.select %lt3A_810, %add3A_813, %broadcast_in_dim3A_807 : vector<16xi1>, vector<16xi32>
        %reshape3A_815 = vector.shape_cast %select_n3A_814 : vector<16xi32> to vector<16x1xi32>
        %gather3A_816 = vector.shape_cast %reshape3A_815 : vector<16x1xi32> to vector<16xi32>
        %gather3A_817 = tpu.dynamic_gather %exp3A[%gather3A_816] in [0] : vector<16xf32>, vector<16xi32> -> vector<16xf32>
        %mul3A_818 = arith.constant 16 : i32
        %mul3A_819 = arith.muli %scan3A_128, %mul3A_818 : i32
        %add3A_820 = arith.constant 13 : i32
        %add3A_821 = arith.addi %mul3A_819, %add3A_820 : i32
        %get3A_822 = arith.index_cast %add3A_821 : i32 to index
        %get3A_823 = arith.constant 0 : index
        %get3A_824 = tpu.vector_load %arg12[%get3A_822, %get3A_823] {strides = array<i32>} : memref<80x80xf32, #tpu.memory_space<vmem>>, vector<16xf32>,
        %mul3A_825 = arith.mulf %get3A_824, %gather3A_817 : vector<16xf32>
        %swap3A_826 = arith.index_cast %add3A_821 : i32 to index
        %swap3A_827 = arith.constant 0 : index
        %swap3A_828 = tpu.vector_load %arg12[%swap3A_826, %swap3A_827] {strides = array<i32>} : memref<80x80xf32, #tpu.memory_space<vmem>>, vector<16xf32>,
        tpu.vector_store %arg12[%swap3A_826, %swap3A_827], %mul3A_825 {strides = array<i32>} : memref<80x80xf32, #tpu.memory_space<vmem>>, vector<16xf32>,
        %get3A_829 = arith.index_cast %add3A_821 : i32 to index
        %get3A_830 = arith.constant 16 : index
        %get3A_831 = tpu.vector_load %arg12[%get3A_829, %get3A_830] {strides = array<i32>} : memref<80x80xf32, #tpu.memory_space<vmem>>, vector<16xf32>,
        %mul3A_832 = arith.mulf %get3A_831, %gather3A_817 : vector<16xf32>
        %swap3A_833 = arith.index_cast %add3A_821 : i32 to index
        %swap3A_834 = arith.constant 16 : index
        %swap3A_835 = tpu.vector_load %arg12[%swap3A_833, %swap3A_834] {strides = array<i32>} : memref<80x80xf32, #tpu.memory_space<vmem>>, vector<16xf32>,
        tpu.vector_store %arg12[%swap3A_833, %swap3A_834], %mul3A_832 {strides = array<i32>} : memref<80x80xf32, #tpu.memory_space<vmem>>, vector<16xf32>,
        %get3A_836 = arith.index_cast %add3A_821 : i32 to index
        %get3A_837 = arith.constant 32 : index
        %get3A_838 = tpu.vector_load %arg12[%get3A_836, %get3A_837] {strides = array<i32>} : memref<80x80xf32, #tpu.memory_space<vmem>>, vector<16xf32>,
        %mul3A_839 = arith.mulf %get3A_838, %gather3A_817 : vector<16xf32>
        %swap3A_840 = arith.index_cast %add3A_821 : i32 to index
        %swap3A_841 = arith.constant 32 : index
        %swap3A_842 = tpu.vector_load %arg12[%swap3A_840, %swap3A_841] {strides = array<i32>} : memref<80x80xf32, #tpu.memory_space<vmem>>, vector<16xf32>,
        tpu.vector_store %arg12[%swap3A_840, %swap3A_841], %mul3A_839 {strides = array<i32>} : memref<80x80xf32, #tpu.memory_space<vmem>>, vector<16xf32>,
        %get3A_843 = arith.index_cast %add3A_821 : i32 to index
        %get3A_844 = arith.constant 48 : index
        %get3A_845 = tpu.vector_load %arg12[%get3A_843, %get3A_844] {strides = array<i32>} : memref<80x80xf32, #tpu.memory_space<vmem>>, vector<16xf32>,
        %mul3A_846 = arith.mulf %get3A_845, %gather3A_817 : vector<16xf32>
        %swap3A_847 = arith.index_cast %add3A_821 : i32 to index
        %swap3A_848 = arith.constant 48 : index
        %swap3A_849 = tpu.vector_load %arg12[%swap3A_847, %swap3A_848] {strides = array<i32>} : memref<80x80xf32, #tpu.memory_space<vmem>>, vector<16xf32>,
        tpu.vector_store %arg12[%swap3A_847, %swap3A_848], %mul3A_846 {strides = array<i32>} : memref<80x80xf32, #tpu.memory_space<vmem>>, vector<16xf32>,
        %get3A_850 = arith.index_cast %add3A_821 : i32 to index
        %get3A_851 = arith.constant 64 : index
        %get3A_852 = tpu.vector_load %arg12[%get3A_850, %get3A_851] {strides = array<i32>} : memref<80x80xf32, #tpu.memory_space<vmem>>, vector<16xf32>,
        %mul3A_853 = arith.mulf %get3A_852, %gather3A_817 : vector<16xf32>
        %swap3A_854 = arith.index_cast %add3A_821 : i32 to index
        %swap3A_855 = arith.constant 64 : index
        %swap3A_856 = tpu.vector_load %arg12[%swap3A_854, %swap3A_855] {strides = array<i32>} : memref<80x80xf32, #tpu.memory_space<vmem>>, vector<16xf32>,
        tpu.vector_store %arg12[%swap3A_854, %swap3A_855], %mul3A_853 {strides = array<i32>} : memref<80x80xf32, #tpu.memory_space<vmem>>, vector<16xf32>,
        %broadcast_in_dim3A_857 = arith.constant 14 : i32
        %broadcast_in_dim3A_858 = vector.broadcast %broadcast_in_dim3A_857 : i32 to vector<16xi32>
        %lt3A_859 = arith.constant 0 : i32
        %lt3A_860 = vector.broadcast %lt3A_859 : i32 to vector<16xi32>
        %lt3A_861 = arith.cmpi slt, %broadcast_in_dim3A_858, %lt3A_860 : vector<16xi32>
        %add3A_862 = arith.constant 16 : i32
        %add3A_863 = vector.broadcast %add3A_862 : i32 to vector<16xi32>
        %add3A_864 = arith.addi %broadcast_in_dim3A_858, %add3A_863 : vector<16xi32>
        %select_n3A_865 = arith.select %lt3A_861, %add3A_864, %broadcast_in_dim3A_858 : vector<16xi1>, vector<16xi32>
        %reshape3A_866 = vector.shape_cast %select_n3A_865 : vector<16xi32> to vector<16x1xi32>
        %gather3A_867 = vector.shape_cast %reshape3A_866 : vector<16x1xi32> to vector<16xi32>
        %gather3A_868 = tpu.dynamic_gather %exp3A[%gather3A_867] in [0] : vector<16xf32>, vector<16xi32> -> vector<16xf32>
        %mul3A_869 = arith.constant 16 : i32
        %mul3A_870 = arith.muli %scan3A_128, %mul3A_869 : i32
        %add3A_871 = arith.constant 14 : i32
        %add3A_872 = arith.addi %mul3A_870, %add3A_871 : i32
        %get3A_873 = arith.index_cast %add3A_872 : i32 to index
        %get3A_874 = arith.constant 0 : index
        %get3A_875 = tpu.vector_load %arg12[%get3A_873, %get3A_874] {strides = array<i32>} : memref<80x80xf32, #tpu.memory_space<vmem>>, vector<16xf32>,
        %mul3A_876 = arith.mulf %get3A_875, %gather3A_868 : vector<16xf32>
        %swap3A_877 = arith.index_cast %add3A_872 : i32 to index
        %swap3A_878 = arith.constant 0 : index
        %swap3A_879 = tpu.vector_load %arg12[%swap3A_877, %swap3A_878] {strides = array<i32>} : memref<80x80xf32, #tpu.memory_space<vmem>>, vector<16xf32>,
        tpu.vector_store %arg12[%swap3A_877, %swap3A_878], %mul3A_876 {strides = array<i32>} : memref<80x80xf32, #tpu.memory_space<vmem>>, vector<16xf32>,
        %get3A_880 = arith.index_cast %add3A_872 : i32 to index
        %get3A_881 = arith.constant 16 : index
        %get3A_882 = tpu.vector_load %arg12[%get3A_880, %get3A_881] {strides = array<i32>} : memref<80x80xf32, #tpu.memory_space<vmem>>, vector<16xf32>,
        %mul3A_883 = arith.mulf %get3A_882, %gather3A_868 : vector<16xf32>
        %swap3A_884 = arith.index_cast %add3A_872 : i32 to index
        %swap3A_885 = arith.constant 16 : index
        %swap3A_886 = tpu.vector_load %arg12[%swap3A_884, %swap3A_885] {strides = array<i32>} : memref<80x80xf32, #tpu.memory_space<vmem>>, vector<16xf32>,
        tpu.vector_store %arg12[%swap3A_884, %swap3A_885], %mul3A_883 {strides = array<i32>} : memref<80x80xf32, #tpu.memory_space<vmem>>, vector<16xf32>,
        %get3A_887 = arith.index_cast %add3A_872 : i32 to index
        %get3A_888 = arith.constant 32 : index
        %get3A_889 = tpu.vector_load %arg12[%get3A_887, %get3A_888] {strides = array<i32>} : memref<80x80xf32, #tpu.memory_space<vmem>>, vector<16xf32>,
        %mul3A_890 = arith.mulf %get3A_889, %gather3A_868 : vector<16xf32>
        %swap3A_891 = arith.index_cast %add3A_872 : i32 to index
        %swap3A_892 = arith.constant 32 : index
        %swap3A_893 = tpu.vector_load %arg12[%swap3A_891, %swap3A_892] {strides = array<i32>} : memref<80x80xf32, #tpu.memory_space<vmem>>, vector<16xf32>,
        tpu.vector_store %arg12[%swap3A_891, %swap3A_892], %mul3A_890 {strides = array<i32>} : memref<80x80xf32, #tpu.memory_space<vmem>>, vector<16xf32>,
        %get3A_894 = arith.index_cast %add3A_872 : i32 to index
        %get3A_895 = arith.constant 48 : index
        %get3A_896 = tpu.vector_load %arg12[%get3A_894, %get3A_895] {strides = array<i32>} : memref<80x80xf32, #tpu.memory_space<vmem>>, vector<16xf32>,
        %mul3A_897 = arith.mulf %get3A_896, %gather3A_868 : vector<16xf32>
        %swap3A_898 = arith.index_cast %add3A_872 : i32 to index
        %swap3A_899 = arith.constant 48 : index
        %swap3A_900 = tpu.vector_load %arg12[%swap3A_898, %swap3A_899] {strides = array<i32>} : memref<80x80xf32, #tpu.memory_space<vmem>>, vector<16xf32>,
        tpu.vector_store %arg12[%swap3A_898, %swap3A_899], %mul3A_897 {strides = array<i32>} : memref<80x80xf32, #tpu.memory_space<vmem>>, vector<16xf32>,
        %get3A_901 = arith.index_cast %add3A_872 : i32 to index
        %get3A_902 = arith.constant 64 : index
        %get3A_903 = tpu.vector_load %arg12[%get3A_901, %get3A_902] {strides = array<i32>} : memref<80x80xf32, #tpu.memory_space<vmem>>, vector<16xf32>,
        %mul3A_904 = arith.mulf %get3A_903, %gather3A_868 : vector<16xf32>
        %swap3A_905 = arith.index_cast %add3A_872 : i32 to index
        %swap3A_906 = arith.constant 64 : index
        %swap3A_907 = tpu.vector_load %arg12[%swap3A_905, %swap3A_906] {strides = array<i32>} : memref<80x80xf32, #tpu.memory_space<vmem>>, vector<16xf32>,
        tpu.vector_store %arg12[%swap3A_905, %swap3A_906], %mul3A_904 {strides = array<i32>} : memref<80x80xf32, #tpu.memory_space<vmem>>, vector<16xf32>,
        %broadcast_in_dim3A_908 = arith.constant 15 : i32
        %broadcast_in_dim3A_909 = vector.broadcast %broadcast_in_dim3A_908 : i32 to vector<16xi32>
        %lt3A_910 = arith.constant 0 : i32
        %lt3A_911 = vector.broadcast %lt3A_910 : i32 to vector<16xi32>
        %lt3A_912 = arith.cmpi slt, %broadcast_in_dim3A_909, %lt3A_911 : vector<16xi32>
        %add3A_913 = arith.constant 16 : i32
        %add3A_914 = vector.broadcast %add3A_913 : i32 to vector<16xi32>
        %add3A_915 = arith.addi %broadcast_in_dim3A_909, %add3A_914 : vector<16xi32>
        %select_n3A_916 = arith.select %lt3A_912, %add3A_915, %broadcast_in_dim3A_909 : vector<16xi1>, vector<16xi32>
        %reshape3A_917 = vector.shape_cast %select_n3A_916 : vector<16xi32> to vector<16x1xi32>
        %gather3A_918 = vector.shape_cast %reshape3A_917 : vector<16x1xi32> to vector<16xi32>
        %gather3A_919 = tpu.dynamic_gather %exp3A[%gather3A_918] in [0] : vector<16xf32>, vector<16xi32> -> vector<16xf32>
        %mul3A_920 = arith.constant 16 : i32
        %mul3A_921 = arith.muli %scan3A_128, %mul3A_920 : i32
        %add3A_922 = arith.constant 15 : i32
        %add3A_923 = arith.addi %mul3A_921, %add3A_922 : i32
        %get3A_924 = arith.index_cast %add3A_923 : i32 to index
        %get3A_925 = arith.constant 0 : index
        %get3A_926 = tpu.vector_load %arg12[%get3A_924, %get3A_925] {strides = array<i32>} : memref<80x80xf32, #tpu.memory_space<vmem>>, vector<16xf32>,
        %mul3A_927 = arith.mulf %get3A_926, %gather3A_919 : vector<16xf32>
        %swap3A_928 = arith.index_cast %add3A_923 : i32 to index
        %swap3A_929 = arith.constant 0 : index
        %swap3A_930 = tpu.vector_load %arg12[%swap3A_928, %swap3A_929] {strides = array<i32>} : memref<80x80xf32, #tpu.memory_space<vmem>>, vector<16xf32>,
        tpu.vector_store %arg12[%swap3A_928, %swap3A_929], %mul3A_927 {strides = array<i32>} : memref<80x80xf32, #tpu.memory_space<vmem>>, vector<16xf32>,
        %get3A_931 = arith.index_cast %add3A_923 : i32 to index
        %get3A_932 = arith.constant 16 : index
        %get3A_933 = tpu.vector_load %arg12[%get3A_931, %get3A_932] {strides = array<i32>} : memref<80x80xf32, #tpu.memory_space<vmem>>, vector<16xf32>,
        %mul3A_934 = arith.mulf %get3A_933, %gather3A_919 : vector<16xf32>
        %swap3A_935 = arith.index_cast %add3A_923 : i32 to index
        %swap3A_936 = arith.constant 16 : index
        %swap3A_937 = tpu.vector_load %arg12[%swap3A_935, %swap3A_936] {strides = array<i32>} : memref<80x80xf32, #tpu.memory_space<vmem>>, vector<16xf32>,
        tpu.vector_store %arg12[%swap3A_935, %swap3A_936], %mul3A_934 {strides = array<i32>} : memref<80x80xf32, #tpu.memory_space<vmem>>, vector<16xf32>,
        %get3A_938 = arith.index_cast %add3A_923 : i32 to index
        %get3A_939 = arith.constant 32 : index
        %get3A_940 = tpu.vector_load %arg12[%get3A_938, %get3A_939] {strides = array<i32>} : memref<80x80xf32, #tpu.memory_space<vmem>>, vector<16xf32>,
        %mul3A_941 = arith.mulf %get3A_940, %gather3A_919 : vector<16xf32>
        %swap3A_942 = arith.index_cast %add3A_923 : i32 to index
        %swap3A_943 = arith.constant 32 : index
        %swap3A_944 = tpu.vector_load %arg12[%swap3A_942, %swap3A_943] {strides = array<i32>} : memref<80x80xf32, #tpu.memory_space<vmem>>, vector<16xf32>,
        tpu.vector_store %arg12[%swap3A_942, %swap3A_943], %mul3A_941 {strides = array<i32>} : memref<80x80xf32, #tpu.memory_space<vmem>>, vector<16xf32>,
        %get3A_945 = arith.index_cast %add3A_923 : i32 to index
        %get3A_946 = arith.constant 48 : index
        %get3A_947 = tpu.vector_load %arg12[%get3A_945, %get3A_946] {strides = array<i32>} : memref<80x80xf32, #tpu.memory_space<vmem>>, vector<16xf32>,
        %mul3A_948 = arith.mulf %get3A_947, %gather3A_919 : vector<16xf32>
        %swap3A_949 = arith.index_cast %add3A_923 : i32 to index
        %swap3A_950 = arith.constant 48 : index
        %swap3A_951 = tpu.vector_load %arg12[%swap3A_949, %swap3A_950] {strides = array<i32>} : memref<80x80xf32, #tpu.memory_space<vmem>>, vector<16xf32>,
        tpu.vector_store %arg12[%swap3A_949, %swap3A_950], %mul3A_948 {strides = array<i32>} : memref<80x80xf32, #tpu.memory_space<vmem>>, vector<16xf32>,
        %get3A_952 = arith.index_cast %add3A_923 : i32 to index
        %get3A_953 = arith.constant 64 : index
        %get3A_954 = tpu.vector_load %arg12[%get3A_952, %get3A_953] {strides = array<i32>} : memref<80x80xf32, #tpu.memory_space<vmem>>, vector<16xf32>,
        %mul3A_955 = arith.mulf %get3A_954, %gather3A_919 : vector<16xf32>
        %swap3A_956 = arith.index_cast %add3A_923 : i32 to index
        %swap3A_957 = arith.constant 64 : index
        %swap3A_958 = tpu.vector_load %arg12[%swap3A_956, %swap3A_957] {strides = array<i32>} : memref<80x80xf32, #tpu.memory_space<vmem>>, vector<16xf32>,
        tpu.vector_store %arg12[%swap3A_956, %swap3A_957], %mul3A_955 {strides = array<i32>} : memref<80x80xf32, #tpu.memory_space<vmem>>, vector<16xf32>,
      }
      %scan3A_81 = arith.constant 5 : i32
      %dma_start3A_82 = arith.constant 0 : i32
      %dma_start3A_83 = tpu.memref_slice %arg9[%mul3A_50, %dma_start3A_82] : memref<250x80xi32, #tpu.memory_space<vmem>> -> memref<1x80xi32, #tpu.memory_space<vmem>>
      %dma_start3A_84 = tpu.memref_squeeze %dma_start3A_83 : memref<1x80xi32, #tpu.memory_space<vmem>> -> memref<80xi32, #tpu.memory_space<vmem>>
      %dma_start3A_85 = arith.constant 0 : i32
      %dma_start3A_86 = arith.constant 0 : i32
      %dma_start3A_87 = tpu.memref_slice %arg14[%dma_start3A_85, %dma_start3A_86] : memref<10112x80xf32, #tpu.memory_space<vmem_shared>> -> memref<10112x80xf32, #tpu.memory_space<vmem_shared>>
      tpu.enqueue_indirect_dma source(%arg12 : memref<80x80xf32, #tpu.memory_space<vmem>>) target(%dma_start3A_87 : memref<10112x80xf32, #tpu.memory_space<vmem_shared>>) offsets(%dma_start3A_84 : memref<80xi32, #tpu.memory_space<vmem>>) semaphore(%arg17 : memref<!tpu.dma_semaphore, #tpu.memory_space<semaphore_mem>>) {add = true}
      %dma_wait3A_88 = arith.constant 0 : i32
      %dma_wait3A_89 = arith.constant 0 : i32
      %dma_wait3A_90 = tpu.memref_slice %arg8[%dma_wait3A_88, %dma_wait3A_89] : memref<250x80xi32, #tpu.memory_space<vmem>> -> memref<1x80xi32, #tpu.memory_space<vmem>>
      %dma_wait3A_91 = tpu.memref_squeeze %dma_wait3A_90 : memref<1x80xi32, #tpu.memory_space<vmem>> -> memref<80xi32, #tpu.memory_space<vmem>>
      %dma_wait3A_92 = arith.constant 0 : i32
      %dma_wait3A_93 = arith.constant 0 : i32
      %dma_wait3A_94 = tpu.memref_slice %arg6[%arg0, %dma_wait3A_92, %dma_wait3A_93] : memref<2x10000x80xf32, #tpu.memory_space<hbm>> -> memref<1x10000x80xf32, #tpu.memory_space<hbm>>
      %dma_wait3A_95 = tpu.memref_squeeze %dma_wait3A_94 : memref<1x10000x80xf32, #tpu.memory_space<hbm>> -> memref<10000x80xf32, #tpu.memory_space<hbm>>
      %dma_wait3A_96 = arith.constant 0 : i32
      %dma_wait3A_97 = arith.constant 0 : i32
      %dma_wait3A_98 = tpu.memref_slice %dma_wait3A_95[%dma_wait3A_96, %dma_wait3A_97] : memref<10000x80xf32, #tpu.memory_space<hbm>> -> memref<10000x80xf32, #tpu.memory_space<hbm>>
      tpu.wait_indirect_dma semaphore(%arg16 : memref<!tpu.dma_semaphore, #tpu.memory_space<semaphore_mem>>) src(%dma_wait3A_98 : memref<10000x80xf32, #tpu.memory_space<hbm>>) dst(%arg13 : memref<80x80xf32, #tpu.memory_space<vmem>>)
      %scan3A_99 = arith.constant 0 : i32
      %scan3A_100 = arith.constant 0 : i32
      %scan3A_101 = arith.constant 5 : i32
      %scan3A_102 = arith.addi %scan3A_100, %scan3A_101 : i32
      %scan3A_103 = arith.constant 1 : i32
      scf.for %scan3A_128 = %scan3A_100 to %scan3A_102 step %scan3A_103  : i32 {
        %mul3A_129 = arith.constant 16 : i32
        %mul3A_130 = arith.muli %scan3A_128, %mul3A_129 : i32
        %get3A = arith.index_cast %add3A_52 : i32 to index
        %get3A_131 = arith.index_cast %mul3A_130 : i32 to index
        %get3A_132 = tpu.vector_load %arg8[%get3A, %get3A_131] {strides = array<i32>} : memref<250x80xi32, #tpu.memory_space<vmem>>, vector<16xi32>,
        %mul3A_133 = arith.constant 16 : i32
        %mul3A_134 = arith.muli %scan3A_128, %mul3A_133 : i32
        %get3A_135 = arith.index_cast %add3A_52 : i32 to index
        %get3A_136 = arith.index_cast %mul3A_134 : i32 to index
        %get3A_137 = tpu.vector_load %arg9[%get3A_135, %get3A_136] {strides = array<i32>} : memref<250x80xi32, #tpu.memory_space<vmem>>, vector<16xi32>,
        %gather3A = tpu.vector_load_idx %arg10[%get3A_132] : memref<10000xf32, #tpu.memory_space<vmem>>[vector<16xi32>], vector<16xf32>,
        %gather3A_138 = tpu.vector_load_idx %arg11[%get3A_137] : memref<10000xf32, #tpu.memory_space<vmem>>[vector<16xi32>], vector<16xf32>,
        %add3A_139 = arith.addf %gather3A, %gather3A_138 : vector<16xf32>
        %gt3A_140 = arith.constant 0.000000e+00 : f32
        %gt3A_141 = vector.broadcast %gt3A_140 : f32 to vector<16xf32>
        %gt3A_142 = arith.cmpf ogt, %add3A_139, %gt3A_141 : vector<16xf32>
        %mul3A_143 = arith.constant 2.000000e-01 : f32
        %mul3A_144 = vector.broadcast %mul3A_143 : f32 to vector<16xf32>
        %mul3A_145 = arith.mulf %mul3A_144, %add3A_139 : vector<16xf32>
        %select_n3A = arith.select %gt3A_142, %add3A_139, %mul3A_145 : vector<16xi1>, vector<16xf32>
        %exp3A = math.exp %select_n3A : vector<16xf32>
        %broadcast_in_dim3A = arith.constant 0 : i32
        %broadcast_in_dim3A_146 = vector.broadcast %broadcast_in_dim3A : i32 to vector<16xi32>
        %lt3A_147 = arith.constant 0 : i32
        %lt3A_148 = vector.broadcast %lt3A_147 : i32 to vector<16xi32>
        %lt3A_149 = arith.cmpi slt, %broadcast_in_dim3A_146, %lt3A_148 : vector<16xi32>
        %add3A_150 = arith.constant 16 : i32
        %add3A_151 = vector.broadcast %add3A_150 : i32 to vector<16xi32>
        %add3A_152 = arith.addi %broadcast_in_dim3A_146, %add3A_151 : vector<16xi32>
        %select_n3A_153 = arith.select %lt3A_149, %add3A_152, %broadcast_in_dim3A_146 : vector<16xi1>, vector<16xi32>
        %reshape3A = vector.shape_cast %select_n3A_153 : vector<16xi32> to vector<16x1xi32>
        %gather3A_154 = vector.shape_cast %reshape3A : vector<16x1xi32> to vector<16xi32>
        %gather3A_155 = tpu.dynamic_gather %exp3A[%gather3A_154] in [0] : vector<16xf32>, vector<16xi32> -> vector<16xf32>
        %mul3A_156 = arith.constant 16 : i32
        %mul3A_157 = arith.muli %scan3A_128, %mul3A_156 : i32
        %add3A_158 = arith.constant 0 : i32
        %add3A_159 = arith.addi %mul3A_157, %add3A_158 : i32
        %get3A_160 = arith.index_cast %add3A_159 : i32 to index
        %get3A_161 = arith.constant 0 : index
        %get3A_162 = tpu.vector_load %arg13[%get3A_160, %get3A_161] {strides = array<i32>} : memref<80x80xf32, #tpu.memory_space<vmem>>, vector<16xf32>,
        %mul3A_163 = arith.mulf %get3A_162, %gather3A_155 : vector<16xf32>
        %swap3A = arith.index_cast %add3A_159 : i32 to index
        %swap3A_164 = arith.constant 0 : index
        %swap3A_165 = tpu.vector_load %arg13[%swap3A, %swap3A_164] {strides = array<i32>} : memref<80x80xf32, #tpu.memory_space<vmem>>, vector<16xf32>,
        tpu.vector_store %arg13[%swap3A, %swap3A_164], %mul3A_163 {strides = array<i32>} : memref<80x80xf32, #tpu.memory_space<vmem>>, vector<16xf32>,
        %get3A_166 = arith.index_cast %add3A_159 : i32 to index
        %get3A_167 = arith.constant 16 : index
        %get3A_168 = tpu.vector_load %arg13[%get3A_166, %get3A_167] {strides = array<i32>} : memref<80x80xf32, #tpu.memory_space<vmem>>, vector<16xf32>,
        %mul3A_169 = arith.mulf %get3A_168, %gather3A_155 : vector<16xf32>
        %swap3A_170 = arith.index_cast %add3A_159 : i32 to index
        %swap3A_171 = arith.constant 16 : index
        %swap3A_172 = tpu.vector_load %arg13[%swap3A_170, %swap3A_171] {strides = array<i32>} : memref<80x80xf32, #tpu.memory_space<vmem>>, vector<16xf32>,
        tpu.vector_store %arg13[%swap3A_170, %swap3A_171], %mul3A_169 {strides = array<i32>} : memref<80x80xf32, #tpu.memory_space<vmem>>, vector<16xf32>,
        %get3A_173 = arith.index_cast %add3A_159 : i32 to index
        %get3A_174 = arith.constant 32 : index
        %get3A_175 = tpu.vector_load %arg13[%get3A_173, %get3A_174] {strides = array<i32>} : memref<80x80xf32, #tpu.memory_space<vmem>>, vector<16xf32>,
        %mul3A_176 = arith.mulf %get3A_175, %gather3A_155 : vector<16xf32>
        %swap3A_177 = arith.index_cast %add3A_159 : i32 to index
        %swap3A_178 = arith.constant 32 : index
        %swap3A_179 = tpu.vector_load %arg13[%swap3A_177, %swap3A_178] {strides = array<i32>} : memref<80x80xf32, #tpu.memory_space<vmem>>, vector<16xf32>,
        tpu.vector_store %arg13[%swap3A_177, %swap3A_178], %mul3A_176 {strides = array<i32>} : memref<80x80xf32, #tpu.memory_space<vmem>>, vector<16xf32>,
        %get3A_180 = arith.index_cast %add3A_159 : i32 to index
        %get3A_181 = arith.constant 48 : index
        %get3A_182 = tpu.vector_load %arg13[%get3A_180, %get3A_181] {strides = array<i32>} : memref<80x80xf32, #tpu.memory_space<vmem>>, vector<16xf32>,
        %mul3A_183 = arith.mulf %get3A_182, %gather3A_155 : vector<16xf32>
        %swap3A_184 = arith.index_cast %add3A_159 : i32 to index
        %swap3A_185 = arith.constant 48 : index
        %swap3A_186 = tpu.vector_load %arg13[%swap3A_184, %swap3A_185] {strides = array<i32>} : memref<80x80xf32, #tpu.memory_space<vmem>>, vector<16xf32>,
        tpu.vector_store %arg13[%swap3A_184, %swap3A_185], %mul3A_183 {strides = array<i32>} : memref<80x80xf32, #tpu.memory_space<vmem>>, vector<16xf32>,
        %get3A_187 = arith.index_cast %add3A_159 : i32 to index
        %get3A_188 = arith.constant 64 : index
        %get3A_189 = tpu.vector_load %arg13[%get3A_187, %get3A_188] {strides = array<i32>} : memref<80x80xf32, #tpu.memory_space<vmem>>, vector<16xf32>,
        %mul3A_190 = arith.mulf %get3A_189, %gather3A_155 : vector<16xf32>
        %swap3A_191 = arith.index_cast %add3A_159 : i32 to index
        %swap3A_192 = arith.constant 64 : index
        %swap3A_193 = tpu.vector_load %arg13[%swap3A_191, %swap3A_192] {strides = array<i32>} : memref<80x80xf32, #tpu.memory_space<vmem>>, vector<16xf32>,
        tpu.vector_store %arg13[%swap3A_191, %swap3A_192], %mul3A_190 {strides = array<i32>} : memref<80x80xf32, #tpu.memory_space<vmem>>, vector<16xf32>,
        %broadcast_in_dim3A_194 = arith.constant 1 : i32
        %broadcast_in_dim3A_195 = vector.broadcast %broadcast_in_dim3A_194 : i32 to vector<16xi32>
        %lt3A_196 = arith.constant 0 : i32
        %lt3A_197 = vector.broadcast %lt3A_196 : i32 to vector<16xi32>
        %lt3A_198 = arith.cmpi slt, %broadcast_in_dim3A_195, %lt3A_197 : vector<16xi32>
        %add3A_199 = arith.constant 16 : i32
        %add3A_200 = vector.broadcast %add3A_199 : i32 to vector<16xi32>
        %add3A_201 = arith.addi %broadcast_in_dim3A_195, %add3A_200 : vector<16xi32>
        %select_n3A_202 = arith.select %lt3A_198, %add3A_201, %broadcast_in_dim3A_195 : vector<16xi1>, vector<16xi32>
        %reshape3A_203 = vector.shape_cast %select_n3A_202 : vector<16xi32> to vector<16x1xi32>
        %gather3A_204 = vector.shape_cast %reshape3A_203 : vector<16x1xi32> to vector<16xi32>
        %gather3A_205 = tpu.dynamic_gather %exp3A[%gather3A_204] in [0] : vector<16xf32>, vector<16xi32> -> vector<16xf32>
        %mul3A_206 = arith.constant 16 : i32
        %mul3A_207 = arith.muli %scan3A_128, %mul3A_206 : i32
        %add3A_208 = arith.constant 1 : i32
        %add3A_209 = arith.addi %mul3A_207, %add3A_208 : i32
        %get3A_210 = arith.index_cast %add3A_209 : i32 to index
        %get3A_211 = arith.constant 0 : index
        %get3A_212 = tpu.vector_load %arg13[%get3A_210, %get3A_211] {strides = array<i32>} : memref<80x80xf32, #tpu.memory_space<vmem>>, vector<16xf32>,
        %mul3A_213 = arith.mulf %get3A_212, %gather3A_205 : vector<16xf32>
        %swap3A_214 = arith.index_cast %add3A_209 : i32 to index
        %swap3A_215 = arith.constant 0 : index
        %swap3A_216 = tpu.vector_load %arg13[%swap3A_214, %swap3A_215] {strides = array<i32>} : memref<80x80xf32, #tpu.memory_space<vmem>>, vector<16xf32>,
        tpu.vector_store %arg13[%swap3A_214, %swap3A_215], %mul3A_213 {strides = array<i32>} : memref<80x80xf32, #tpu.memory_space<vmem>>, vector<16xf32>,
        %get3A_217 = arith.index_cast %add3A_209 : i32 to index
        %get3A_218 = arith.constant 16 : index
        %get3A_219 = tpu.vector_load %arg13[%get3A_217, %get3A_218] {strides = array<i32>} : memref<80x80xf32, #tpu.memory_space<vmem>>, vector<16xf32>,
        %mul3A_220 = arith.mulf %get3A_219, %gather3A_205 : vector<16xf32>
        %swap3A_221 = arith.index_cast %add3A_209 : i32 to index
        %swap3A_222 = arith.constant 16 : index
        %swap3A_223 = tpu.vector_load %arg13[%swap3A_221, %swap3A_222] {strides = array<i32>} : memref<80x80xf32, #tpu.memory_space<vmem>>, vector<16xf32>,
        tpu.vector_store %arg13[%swap3A_221, %swap3A_222], %mul3A_220 {strides = array<i32>} : memref<80x80xf32, #tpu.memory_space<vmem>>, vector<16xf32>,
        %get3A_224 = arith.index_cast %add3A_209 : i32 to index
        %get3A_225 = arith.constant 32 : index
        %get3A_226 = tpu.vector_load %arg13[%get3A_224, %get3A_225] {strides = array<i32>} : memref<80x80xf32, #tpu.memory_space<vmem>>, vector<16xf32>,
        %mul3A_227 = arith.mulf %get3A_226, %gather3A_205 : vector<16xf32>
        %swap3A_228 = arith.index_cast %add3A_209 : i32 to index
        %swap3A_229 = arith.constant 32 : index
        %swap3A_230 = tpu.vector_load %arg13[%swap3A_228, %swap3A_229] {strides = array<i32>} : memref<80x80xf32, #tpu.memory_space<vmem>>, vector<16xf32>,
        tpu.vector_store %arg13[%swap3A_228, %swap3A_229], %mul3A_227 {strides = array<i32>} : memref<80x80xf32, #tpu.memory_space<vmem>>, vector<16xf32>,
        %get3A_231 = arith.index_cast %add3A_209 : i32 to index
        %get3A_232 = arith.constant 48 : index
        %get3A_233 = tpu.vector_load %arg13[%get3A_231, %get3A_232] {strides = array<i32>} : memref<80x80xf32, #tpu.memory_space<vmem>>, vector<16xf32>,
        %mul3A_234 = arith.mulf %get3A_233, %gather3A_205 : vector<16xf32>
        %swap3A_235 = arith.index_cast %add3A_209 : i32 to index
        %swap3A_236 = arith.constant 48 : index
        %swap3A_237 = tpu.vector_load %arg13[%swap3A_235, %swap3A_236] {strides = array<i32>} : memref<80x80xf32, #tpu.memory_space<vmem>>, vector<16xf32>,
        tpu.vector_store %arg13[%swap3A_235, %swap3A_236], %mul3A_234 {strides = array<i32>} : memref<80x80xf32, #tpu.memory_space<vmem>>, vector<16xf32>,
        %get3A_238 = arith.index_cast %add3A_209 : i32 to index
        %get3A_239 = arith.constant 64 : index
        %get3A_240 = tpu.vector_load %arg13[%get3A_238, %get3A_239] {strides = array<i32>} : memref<80x80xf32, #tpu.memory_space<vmem>>, vector<16xf32>,
        %mul3A_241 = arith.mulf %get3A_240, %gather3A_205 : vector<16xf32>
        %swap3A_242 = arith.index_cast %add3A_209 : i32 to index
        %swap3A_243 = arith.constant 64 : index
        %swap3A_244 = tpu.vector_load %arg13[%swap3A_242, %swap3A_243] {strides = array<i32>} : memref<80x80xf32, #tpu.memory_space<vmem>>, vector<16xf32>,
        tpu.vector_store %arg13[%swap3A_242, %swap3A_243], %mul3A_241 {strides = array<i32>} : memref<80x80xf32, #tpu.memory_space<vmem>>, vector<16xf32>,
        %broadcast_in_dim3A_245 = arith.constant 2 : i32
        %broadcast_in_dim3A_246 = vector.broadcast %broadcast_in_dim3A_245 : i32 to vector<16xi32>
        %lt3A_247 = arith.constant 0 : i32
        %lt3A_248 = vector.broadcast %lt3A_247 : i32 to vector<16xi32>
        %lt3A_249 = arith.cmpi slt, %broadcast_in_dim3A_246, %lt3A_248 : vector<16xi32>
        %add3A_250 = arith.constant 16 : i32
        %add3A_251 = vector.broadcast %add3A_250 : i32 to vector<16xi32>
        %add3A_252 = arith.addi %broadcast_in_dim3A_246, %add3A_251 : vector<16xi32>
        %select_n3A_253 = arith.select %lt3A_249, %add3A_252, %broadcast_in_dim3A_246 : vector<16xi1>, vector<16xi32>
        %reshape3A_254 = vector.shape_cast %select_n3A_253 : vector<16xi32> to vector<16x1xi32>
        %gather3A_255 = vector.shape_cast %reshape3A_254 : vector<16x1xi32> to vector<16xi32>
        %gather3A_256 = tpu.dynamic_gather %exp3A[%gather3A_255] in [0] : vector<16xf32>, vector<16xi32> -> vector<16xf32>
        %mul3A_257 = arith.constant 16 : i32
        %mul3A_258 = arith.muli %scan3A_128, %mul3A_257 : i32
        %add3A_259 = arith.constant 2 : i32
        %add3A_260 = arith.addi %mul3A_258, %add3A_259 : i32
        %get3A_261 = arith.index_cast %add3A_260 : i32 to index
        %get3A_262 = arith.constant 0 : index
        %get3A_263 = tpu.vector_load %arg13[%get3A_261, %get3A_262] {strides = array<i32>} : memref<80x80xf32, #tpu.memory_space<vmem>>, vector<16xf32>,
        %mul3A_264 = arith.mulf %get3A_263, %gather3A_256 : vector<16xf32>
        %swap3A_265 = arith.index_cast %add3A_260 : i32 to index
        %swap3A_266 = arith.constant 0 : index
        %swap3A_267 = tpu.vector_load %arg13[%swap3A_265, %swap3A_266] {strides = array<i32>} : memref<80x80xf32, #tpu.memory_space<vmem>>, vector<16xf32>,
        tpu.vector_store %arg13[%swap3A_265, %swap3A_266], %mul3A_264 {strides = array<i32>} : memref<80x80xf32, #tpu.memory_space<vmem>>, vector<16xf32>,
        %get3A_268 = arith.index_cast %add3A_260 : i32 to index
        %get3A_269 = arith.constant 16 : index
        %get3A_270 = tpu.vector_load %arg13[%get3A_268, %get3A_269] {strides = array<i32>} : memref<80x80xf32, #tpu.memory_space<vmem>>, vector<16xf32>,
        %mul3A_271 = arith.mulf %get3A_270, %gather3A_256 : vector<16xf32>
        %swap3A_272 = arith.index_cast %add3A_260 : i32 to index
        %swap3A_273 = arith.constant 16 : index
        %swap3A_274 = tpu.vector_load %arg13[%swap3A_272, %swap3A_273] {strides = array<i32>} : memref<80x80xf32, #tpu.memory_space<vmem>>, vector<16xf32>,
        tpu.vector_store %arg13[%swap3A_272, %swap3A_273], %mul3A_271 {strides = array<i32>} : memref<80x80xf32, #tpu.memory_space<vmem>>, vector<16xf32>,
        %get3A_275 = arith.index_cast %add3A_260 : i32 to index
        %get3A_276 = arith.constant 32 : index
        %get3A_277 = tpu.vector_load %arg13[%get3A_275, %get3A_276] {strides = array<i32>} : memref<80x80xf32, #tpu.memory_space<vmem>>, vector<16xf32>,
        %mul3A_278 = arith.mulf %get3A_277, %gather3A_256 : vector<16xf32>
        %swap3A_279 = arith.index_cast %add3A_260 : i32 to index
        %swap3A_280 = arith.constant 32 : index
        %swap3A_281 = tpu.vector_load %arg13[%swap3A_279, %swap3A_280] {strides = array<i32>} : memref<80x80xf32, #tpu.memory_space<vmem>>, vector<16xf32>,
        tpu.vector_store %arg13[%swap3A_279, %swap3A_280], %mul3A_278 {strides = array<i32>} : memref<80x80xf32, #tpu.memory_space<vmem>>, vector<16xf32>,
        %get3A_282 = arith.index_cast %add3A_260 : i32 to index
        %get3A_283 = arith.constant 48 : index
        %get3A_284 = tpu.vector_load %arg13[%get3A_282, %get3A_283] {strides = array<i32>} : memref<80x80xf32, #tpu.memory_space<vmem>>, vector<16xf32>,
        %mul3A_285 = arith.mulf %get3A_284, %gather3A_256 : vector<16xf32>
        %swap3A_286 = arith.index_cast %add3A_260 : i32 to index
        %swap3A_287 = arith.constant 48 : index
        %swap3A_288 = tpu.vector_load %arg13[%swap3A_286, %swap3A_287] {strides = array<i32>} : memref<80x80xf32, #tpu.memory_space<vmem>>, vector<16xf32>,
        tpu.vector_store %arg13[%swap3A_286, %swap3A_287], %mul3A_285 {strides = array<i32>} : memref<80x80xf32, #tpu.memory_space<vmem>>, vector<16xf32>,
        %get3A_289 = arith.index_cast %add3A_260 : i32 to index
        %get3A_290 = arith.constant 64 : index
        %get3A_291 = tpu.vector_load %arg13[%get3A_289, %get3A_290] {strides = array<i32>} : memref<80x80xf32, #tpu.memory_space<vmem>>, vector<16xf32>,
        %mul3A_292 = arith.mulf %get3A_291, %gather3A_256 : vector<16xf32>
        %swap3A_293 = arith.index_cast %add3A_260 : i32 to index
        %swap3A_294 = arith.constant 64 : index
        %swap3A_295 = tpu.vector_load %arg13[%swap3A_293, %swap3A_294] {strides = array<i32>} : memref<80x80xf32, #tpu.memory_space<vmem>>, vector<16xf32>,
        tpu.vector_store %arg13[%swap3A_293, %swap3A_294], %mul3A_292 {strides = array<i32>} : memref<80x80xf32, #tpu.memory_space<vmem>>, vector<16xf32>,
        %broadcast_in_dim3A_296 = arith.constant 3 : i32
        %broadcast_in_dim3A_297 = vector.broadcast %broadcast_in_dim3A_296 : i32 to vector<16xi32>
        %lt3A_298 = arith.constant 0 : i32
        %lt3A_299 = vector.broadcast %lt3A_298 : i32 to vector<16xi32>
        %lt3A_300 = arith.cmpi slt, %broadcast_in_dim3A_297, %lt3A_299 : vector<16xi32>
        %add3A_301 = arith.constant 16 : i32
        %add3A_302 = vector.broadcast %add3A_301 : i32 to vector<16xi32>
        %add3A_303 = arith.addi %broadcast_in_dim3A_297, %add3A_302 : vector<16xi32>
        %select_n3A_304 = arith.select %lt3A_300, %add3A_303, %broadcast_in_dim3A_297 : vector<16xi1>, vector<16xi32>
        %reshape3A_305 = vector.shape_cast %select_n3A_304 : vector<16xi32> to vector<16x1xi32>
        %gather3A_306 = vector.shape_cast %reshape3A_305 : vector<16x1xi32> to vector<16xi32>
        %gather3A_307 = tpu.dynamic_gather %exp3A[%gather3A_306] in [0] : vector<16xf32>, vector<16xi32> -> vector<16xf32>
        %mul3A_308 = arith.constant 16 : i32
        %mul3A_309 = arith.muli %scan3A_128, %mul3A_308 : i32
        %add3A_310 = arith.constant 3 : i32
        %add3A_311 = arith.addi %mul3A_309, %add3A_310 : i32
        %get3A_312 = arith.index_cast %add3A_311 : i32 to index
        %get3A_313 = arith.constant 0 : index
        %get3A_314 = tpu.vector_load %arg13[%get3A_312, %get3A_313] {strides = array<i32>} : memref<80x80xf32, #tpu.memory_space<vmem>>, vector<16xf32>,
        %mul3A_315 = arith.mulf %get3A_314, %gather3A_307 : vector<16xf32>
        %swap3A_316 = arith.index_cast %add3A_311 : i32 to index
        %swap3A_317 = arith.constant 0 : index
        %swap3A_318 = tpu.vector_load %arg13[%swap3A_316, %swap3A_317] {strides = array<i32>} : memref<80x80xf32, #tpu.memory_space<vmem>>, vector<16xf32>,
        tpu.vector_store %arg13[%swap3A_316, %swap3A_317], %mul3A_315 {strides = array<i32>} : memref<80x80xf32, #tpu.memory_space<vmem>>, vector<16xf32>,
        %get3A_319 = arith.index_cast %add3A_311 : i32 to index
        %get3A_320 = arith.constant 16 : index
        %get3A_321 = tpu.vector_load %arg13[%get3A_319, %get3A_320] {strides = array<i32>} : memref<80x80xf32, #tpu.memory_space<vmem>>, vector<16xf32>,
        %mul3A_322 = arith.mulf %get3A_321, %gather3A_307 : vector<16xf32>
        %swap3A_323 = arith.index_cast %add3A_311 : i32 to index
        %swap3A_324 = arith.constant 16 : index
        %swap3A_325 = tpu.vector_load %arg13[%swap3A_323, %swap3A_324] {strides = array<i32>} : memref<80x80xf32, #tpu.memory_space<vmem>>, vector<16xf32>,
        tpu.vector_store %arg13[%swap3A_323, %swap3A_324], %mul3A_322 {strides = array<i32>} : memref<80x80xf32, #tpu.memory_space<vmem>>, vector<16xf32>,
        %get3A_326 = arith.index_cast %add3A_311 : i32 to index
        %get3A_327 = arith.constant 32 : index
        %get3A_328 = tpu.vector_load %arg13[%get3A_326, %get3A_327] {strides = array<i32>} : memref<80x80xf32, #tpu.memory_space<vmem>>, vector<16xf32>,
        %mul3A_329 = arith.mulf %get3A_328, %gather3A_307 : vector<16xf32>
        %swap3A_330 = arith.index_cast %add3A_311 : i32 to index
        %swap3A_331 = arith.constant 32 : index
        %swap3A_332 = tpu.vector_load %arg13[%swap3A_330, %swap3A_331] {strides = array<i32>} : memref<80x80xf32, #tpu.memory_space<vmem>>, vector<16xf32>,
        tpu.vector_store %arg13[%swap3A_330, %swap3A_331], %mul3A_329 {strides = array<i32>} : memref<80x80xf32, #tpu.memory_space<vmem>>, vector<16xf32>,
        %get3A_333 = arith.index_cast %add3A_311 : i32 to index
        %get3A_334 = arith.constant 48 : index
        %get3A_335 = tpu.vector_load %arg13[%get3A_333, %get3A_334] {strides = array<i32>} : memref<80x80xf32, #tpu.memory_space<vmem>>, vector<16xf32>,
        %mul3A_336 = arith.mulf %get3A_335, %gather3A_307 : vector<16xf32>
        %swap3A_337 = arith.index_cast %add3A_311 : i32 to index
        %swap3A_338 = arith.constant 48 : index
        %swap3A_339 = tpu.vector_load %arg13[%swap3A_337, %swap3A_338] {strides = array<i32>} : memref<80x80xf32, #tpu.memory_space<vmem>>, vector<16xf32>,
        tpu.vector_store %arg13[%swap3A_337, %swap3A_338], %mul3A_336 {strides = array<i32>} : memref<80x80xf32, #tpu.memory_space<vmem>>, vector<16xf32>,
        %get3A_340 = arith.index_cast %add3A_311 : i32 to index
        %get3A_341 = arith.constant 64 : index
        %get3A_342 = tpu.vector_load %arg13[%get3A_340, %get3A_341] {strides = array<i32>} : memref<80x80xf32, #tpu.memory_space<vmem>>, vector<16xf32>,
        %mul3A_343 = arith.mulf %get3A_342, %gather3A_307 : vector<16xf32>
        %swap3A_344 = arith.index_cast %add3A_311 : i32 to index
        %swap3A_345 = arith.constant 64 : index
        %swap3A_346 = tpu.vector_load %arg13[%swap3A_344, %swap3A_345] {strides = array<i32>} : memref<80x80xf32, #tpu.memory_space<vmem>>, vector<16xf32>,
        tpu.vector_store %arg13[%swap3A_344, %swap3A_345], %mul3A_343 {strides = array<i32>} : memref<80x80xf32, #tpu.memory_space<vmem>>, vector<16xf32>,
        %broadcast_in_dim3A_347 = arith.constant 4 : i32
        %broadcast_in_dim3A_348 = vector.broadcast %broadcast_in_dim3A_347 : i32 to vector<16xi32>
        %lt3A_349 = arith.constant 0 : i32
        %lt3A_350 = vector.broadcast %lt3A_349 : i32 to vector<16xi32>
        %lt3A_351 = arith.cmpi slt, %broadcast_in_dim3A_348, %lt3A_350 : vector<16xi32>
        %add3A_352 = arith.constant 16 : i32
        %add3A_353 = vector.broadcast %add3A_352 : i32 to vector<16xi32>
        %add3A_354 = arith.addi %broadcast_in_dim3A_348, %add3A_353 : vector<16xi32>
        %select_n3A_355 = arith.select %lt3A_351, %add3A_354, %broadcast_in_dim3A_348 : vector<16xi1>, vector<16xi32>
        %reshape3A_356 = vector.shape_cast %select_n3A_355 : vector<16xi32> to vector<16x1xi32>
        %gather3A_357 = vector.shape_cast %reshape3A_356 : vector<16x1xi32> to vector<16xi32>
        %gather3A_358 = tpu.dynamic_gather %exp3A[%gather3A_357] in [0] : vector<16xf32>, vector<16xi32> -> vector<16xf32>
        %mul3A_359 = arith.constant 16 : i32
        %mul3A_360 = arith.muli %scan3A_128, %mul3A_359 : i32
        %add3A_361 = arith.constant 4 : i32
        %add3A_362 = arith.addi %mul3A_360, %add3A_361 : i32
        %get3A_363 = arith.index_cast %add3A_362 : i32 to index
        %get3A_364 = arith.constant 0 : index
        %get3A_365 = tpu.vector_load %arg13[%get3A_363, %get3A_364] {strides = array<i32>} : memref<80x80xf32, #tpu.memory_space<vmem>>, vector<16xf32>,
        %mul3A_366 = arith.mulf %get3A_365, %gather3A_358 : vector<16xf32>
        %swap3A_367 = arith.index_cast %add3A_362 : i32 to index
        %swap3A_368 = arith.constant 0 : index
        %swap3A_369 = tpu.vector_load %arg13[%swap3A_367, %swap3A_368] {strides = array<i32>} : memref<80x80xf32, #tpu.memory_space<vmem>>, vector<16xf32>,
        tpu.vector_store %arg13[%swap3A_367, %swap3A_368], %mul3A_366 {strides = array<i32>} : memref<80x80xf32, #tpu.memory_space<vmem>>, vector<16xf32>,
        %get3A_370 = arith.index_cast %add3A_362 : i32 to index
        %get3A_371 = arith.constant 16 : index
        %get3A_372 = tpu.vector_load %arg13[%get3A_370, %get3A_371] {strides = array<i32>} : memref<80x80xf32, #tpu.memory_space<vmem>>, vector<16xf32>,
        %mul3A_373 = arith.mulf %get3A_372, %gather3A_358 : vector<16xf32>
        %swap3A_374 = arith.index_cast %add3A_362 : i32 to index
        %swap3A_375 = arith.constant 16 : index
        %swap3A_376 = tpu.vector_load %arg13[%swap3A_374, %swap3A_375] {strides = array<i32>} : memref<80x80xf32, #tpu.memory_space<vmem>>, vector<16xf32>,
        tpu.vector_store %arg13[%swap3A_374, %swap3A_375], %mul3A_373 {strides = array<i32>} : memref<80x80xf32, #tpu.memory_space<vmem>>, vector<16xf32>,
        %get3A_377 = arith.index_cast %add3A_362 : i32 to index
        %get3A_378 = arith.constant 32 : index
        %get3A_379 = tpu.vector_load %arg13[%get3A_377, %get3A_378] {strides = array<i32>} : memref<80x80xf32, #tpu.memory_space<vmem>>, vector<16xf32>,
        %mul3A_380 = arith.mulf %get3A_379, %gather3A_358 : vector<16xf32>
        %swap3A_381 = arith.index_cast %add3A_362 : i32 to index
        %swap3A_382 = arith.constant 32 : index
        %swap3A_383 = tpu.vector_load %arg13[%swap3A_381, %swap3A_382] {strides = array<i32>} : memref<80x80xf32, #tpu.memory_space<vmem>>, vector<16xf32>,
        tpu.vector_store %arg13[%swap3A_381, %swap3A_382], %mul3A_380 {strides = array<i32>} : memref<80x80xf32, #tpu.memory_space<vmem>>, vector<16xf32>,
        %get3A_384 = arith.index_cast %add3A_362 : i32 to index
        %get3A_385 = arith.constant 48 : index
        %get3A_386 = tpu.vector_load %arg13[%get3A_384, %get3A_385] {strides = array<i32>} : memref<80x80xf32, #tpu.memory_space<vmem>>, vector<16xf32>,
        %mul3A_387 = arith.mulf %get3A_386, %gather3A_358 : vector<16xf32>
        %swap3A_388 = arith.index_cast %add3A_362 : i32 to index
        %swap3A_389 = arith.constant 48 : index
        %swap3A_390 = tpu.vector_load %arg13[%swap3A_388, %swap3A_389] {strides = array<i32>} : memref<80x80xf32, #tpu.memory_space<vmem>>, vector<16xf32>,
        tpu.vector_store %arg13[%swap3A_388, %swap3A_389], %mul3A_387 {strides = array<i32>} : memref<80x80xf32, #tpu.memory_space<vmem>>, vector<16xf32>,
        %get3A_391 = arith.index_cast %add3A_362 : i32 to index
        %get3A_392 = arith.constant 64 : index
        %get3A_393 = tpu.vector_load %arg13[%get3A_391, %get3A_392] {strides = array<i32>} : memref<80x80xf32, #tpu.memory_space<vmem>>, vector<16xf32>,
        %mul3A_394 = arith.mulf %get3A_393, %gather3A_358 : vector<16xf32>
        %swap3A_395 = arith.index_cast %add3A_362 : i32 to index
        %swap3A_396 = arith.constant 64 : index
        %swap3A_397 = tpu.vector_load %arg13[%swap3A_395, %swap3A_396] {strides = array<i32>} : memref<80x80xf32, #tpu.memory_space<vmem>>, vector<16xf32>,
        tpu.vector_store %arg13[%swap3A_395, %swap3A_396], %mul3A_394 {strides = array<i32>} : memref<80x80xf32, #tpu.memory_space<vmem>>, vector<16xf32>,
        %broadcast_in_dim3A_398 = arith.constant 5 : i32
        %broadcast_in_dim3A_399 = vector.broadcast %broadcast_in_dim3A_398 : i32 to vector<16xi32>
        %lt3A_400 = arith.constant 0 : i32
        %lt3A_401 = vector.broadcast %lt3A_400 : i32 to vector<16xi32>
        %lt3A_402 = arith.cmpi slt, %broadcast_in_dim3A_399, %lt3A_401 : vector<16xi32>
        %add3A_403 = arith.constant 16 : i32
        %add3A_404 = vector.broadcast %add3A_403 : i32 to vector<16xi32>
        %add3A_405 = arith.addi %broadcast_in_dim3A_399, %add3A_404 : vector<16xi32>
        %select_n3A_406 = arith.select %lt3A_402, %add3A_405, %broadcast_in_dim3A_399 : vector<16xi1>, vector<16xi32>
        %reshape3A_407 = vector.shape_cast %select_n3A_406 : vector<16xi32> to vector<16x1xi32>
        %gather3A_408 = vector.shape_cast %reshape3A_407 : vector<16x1xi32> to vector<16xi32>
        %gather3A_409 = tpu.dynamic_gather %exp3A[%gather3A_408] in [0] : vector<16xf32>, vector<16xi32> -> vector<16xf32>
        %mul3A_410 = arith.constant 16 : i32
        %mul3A_411 = arith.muli %scan3A_128, %mul3A_410 : i32
        %add3A_412 = arith.constant 5 : i32
        %add3A_413 = arith.addi %mul3A_411, %add3A_412 : i32
        %get3A_414 = arith.index_cast %add3A_413 : i32 to index
        %get3A_415 = arith.constant 0 : index
        %get3A_416 = tpu.vector_load %arg13[%get3A_414, %get3A_415] {strides = array<i32>} : memref<80x80xf32, #tpu.memory_space<vmem>>, vector<16xf32>,
        %mul3A_417 = arith.mulf %get3A_416, %gather3A_409 : vector<16xf32>
        %swap3A_418 = arith.index_cast %add3A_413 : i32 to index
        %swap3A_419 = arith.constant 0 : index
        %swap3A_420 = tpu.vector_load %arg13[%swap3A_418, %swap3A_419] {strides = array<i32>} : memref<80x80xf32, #tpu.memory_space<vmem>>, vector<16xf32>,
        tpu.vector_store %arg13[%swap3A_418, %swap3A_419], %mul3A_417 {strides = array<i32>} : memref<80x80xf32, #tpu.memory_space<vmem>>, vector<16xf32>,
        %get3A_421 = arith.index_cast %add3A_413 : i32 to index
        %get3A_422 = arith.constant 16 : index
        %get3A_423 = tpu.vector_load %arg13[%get3A_421, %get3A_422] {strides = array<i32>} : memref<80x80xf32, #tpu.memory_space<vmem>>, vector<16xf32>,
        %mul3A_424 = arith.mulf %get3A_423, %gather3A_409 : vector<16xf32>
        %swap3A_425 = arith.index_cast %add3A_413 : i32 to index
        %swap3A_426 = arith.constant 16 : index
        %swap3A_427 = tpu.vector_load %arg13[%swap3A_425, %swap3A_426] {strides = array<i32>} : memref<80x80xf32, #tpu.memory_space<vmem>>, vector<16xf32>,
        tpu.vector_store %arg13[%swap3A_425, %swap3A_426], %mul3A_424 {strides = array<i32>} : memref<80x80xf32, #tpu.memory_space<vmem>>, vector<16xf32>,
        %get3A_428 = arith.index_cast %add3A_413 : i32 to index
        %get3A_429 = arith.constant 32 : index
        %get3A_430 = tpu.vector_load %arg13[%get3A_428, %get3A_429] {strides = array<i32>} : memref<80x80xf32, #tpu.memory_space<vmem>>, vector<16xf32>,
        %mul3A_431 = arith.mulf %get3A_430, %gather3A_409 : vector<16xf32>
        %swap3A_432 = arith.index_cast %add3A_413 : i32 to index
        %swap3A_433 = arith.constant 32 : index
        %swap3A_434 = tpu.vector_load %arg13[%swap3A_432, %swap3A_433] {strides = array<i32>} : memref<80x80xf32, #tpu.memory_space<vmem>>, vector<16xf32>,
        tpu.vector_store %arg13[%swap3A_432, %swap3A_433], %mul3A_431 {strides = array<i32>} : memref<80x80xf32, #tpu.memory_space<vmem>>, vector<16xf32>,
        %get3A_435 = arith.index_cast %add3A_413 : i32 to index
        %get3A_436 = arith.constant 48 : index
        %get3A_437 = tpu.vector_load %arg13[%get3A_435, %get3A_436] {strides = array<i32>} : memref<80x80xf32, #tpu.memory_space<vmem>>, vector<16xf32>,
        %mul3A_438 = arith.mulf %get3A_437, %gather3A_409 : vector<16xf32>
        %swap3A_439 = arith.index_cast %add3A_413 : i32 to index
        %swap3A_440 = arith.constant 48 : index
        %swap3A_441 = tpu.vector_load %arg13[%swap3A_439, %swap3A_440] {strides = array<i32>} : memref<80x80xf32, #tpu.memory_space<vmem>>, vector<16xf32>,
        tpu.vector_store %arg13[%swap3A_439, %swap3A_440], %mul3A_438 {strides = array<i32>} : memref<80x80xf32, #tpu.memory_space<vmem>>, vector<16xf32>,
        %get3A_442 = arith.index_cast %add3A_413 : i32 to index
        %get3A_443 = arith.constant 64 : index
        %get3A_444 = tpu.vector_load %arg13[%get3A_442, %get3A_443] {strides = array<i32>} : memref<80x80xf32, #tpu.memory_space<vmem>>, vector<16xf32>,
        %mul3A_445 = arith.mulf %get3A_444, %gather3A_409 : vector<16xf32>
        %swap3A_446 = arith.index_cast %add3A_413 : i32 to index
        %swap3A_447 = arith.constant 64 : index
        %swap3A_448 = tpu.vector_load %arg13[%swap3A_446, %swap3A_447] {strides = array<i32>} : memref<80x80xf32, #tpu.memory_space<vmem>>, vector<16xf32>,
        tpu.vector_store %arg13[%swap3A_446, %swap3A_447], %mul3A_445 {strides = array<i32>} : memref<80x80xf32, #tpu.memory_space<vmem>>, vector<16xf32>,
        %broadcast_in_dim3A_449 = arith.constant 6 : i32
        %broadcast_in_dim3A_450 = vector.broadcast %broadcast_in_dim3A_449 : i32 to vector<16xi32>
        %lt3A_451 = arith.constant 0 : i32
        %lt3A_452 = vector.broadcast %lt3A_451 : i32 to vector<16xi32>
        %lt3A_453 = arith.cmpi slt, %broadcast_in_dim3A_450, %lt3A_452 : vector<16xi32>
        %add3A_454 = arith.constant 16 : i32
        %add3A_455 = vector.broadcast %add3A_454 : i32 to vector<16xi32>
        %add3A_456 = arith.addi %broadcast_in_dim3A_450, %add3A_455 : vector<16xi32>
        %select_n3A_457 = arith.select %lt3A_453, %add3A_456, %broadcast_in_dim3A_450 : vector<16xi1>, vector<16xi32>
        %reshape3A_458 = vector.shape_cast %select_n3A_457 : vector<16xi32> to vector<16x1xi32>
        %gather3A_459 = vector.shape_cast %reshape3A_458 : vector<16x1xi32> to vector<16xi32>
        %gather3A_460 = tpu.dynamic_gather %exp3A[%gather3A_459] in [0] : vector<16xf32>, vector<16xi32> -> vector<16xf32>
        %mul3A_461 = arith.constant 16 : i32
        %mul3A_462 = arith.muli %scan3A_128, %mul3A_461 : i32
        %add3A_463 = arith.constant 6 : i32
        %add3A_464 = arith.addi %mul3A_462, %add3A_463 : i32
        %get3A_465 = arith.index_cast %add3A_464 : i32 to index
        %get3A_466 = arith.constant 0 : index
        %get3A_467 = tpu.vector_load %arg13[%get3A_465, %get3A_466] {strides = array<i32>} : memref<80x80xf32, #tpu.memory_space<vmem>>, vector<16xf32>,
        %mul3A_468 = arith.mulf %get3A_467, %gather3A_460 : vector<16xf32>
        %swap3A_469 = arith.index_cast %add3A_464 : i32 to index
        %swap3A_470 = arith.constant 0 : index
        %swap3A_471 = tpu.vector_load %arg13[%swap3A_469, %swap3A_470] {strides = array<i32>} : memref<80x80xf32, #tpu.memory_space<vmem>>, vector<16xf32>,
        tpu.vector_store %arg13[%swap3A_469, %swap3A_470], %mul3A_468 {strides = array<i32>} : memref<80x80xf32, #tpu.memory_space<vmem>>, vector<16xf32>,
        %get3A_472 = arith.index_cast %add3A_464 : i32 to index
        %get3A_473 = arith.constant 16 : index
        %get3A_474 = tpu.vector_load %arg13[%get3A_472, %get3A_473] {strides = array<i32>} : memref<80x80xf32, #tpu.memory_space<vmem>>, vector<16xf32>,
        %mul3A_475 = arith.mulf %get3A_474, %gather3A_460 : vector<16xf32>
        %swap3A_476 = arith.index_cast %add3A_464 : i32 to index
        %swap3A_477 = arith.constant 16 : index
        %swap3A_478 = tpu.vector_load %arg13[%swap3A_476, %swap3A_477] {strides = array<i32>} : memref<80x80xf32, #tpu.memory_space<vmem>>, vector<16xf32>,
        tpu.vector_store %arg13[%swap3A_476, %swap3A_477], %mul3A_475 {strides = array<i32>} : memref<80x80xf32, #tpu.memory_space<vmem>>, vector<16xf32>,
        %get3A_479 = arith.index_cast %add3A_464 : i32 to index
        %get3A_480 = arith.constant 32 : index
        %get3A_481 = tpu.vector_load %arg13[%get3A_479, %get3A_480] {strides = array<i32>} : memref<80x80xf32, #tpu.memory_space<vmem>>, vector<16xf32>,
        %mul3A_482 = arith.mulf %get3A_481, %gather3A_460 : vector<16xf32>
        %swap3A_483 = arith.index_cast %add3A_464 : i32 to index
        %swap3A_484 = arith.constant 32 : index
        %swap3A_485 = tpu.vector_load %arg13[%swap3A_483, %swap3A_484] {strides = array<i32>} : memref<80x80xf32, #tpu.memory_space<vmem>>, vector<16xf32>,
        tpu.vector_store %arg13[%swap3A_483, %swap3A_484], %mul3A_482 {strides = array<i32>} : memref<80x80xf32, #tpu.memory_space<vmem>>, vector<16xf32>,
        %get3A_486 = arith.index_cast %add3A_464 : i32 to index
        %get3A_487 = arith.constant 48 : index
        %get3A_488 = tpu.vector_load %arg13[%get3A_486, %get3A_487] {strides = array<i32>} : memref<80x80xf32, #tpu.memory_space<vmem>>, vector<16xf32>,
        %mul3A_489 = arith.mulf %get3A_488, %gather3A_460 : vector<16xf32>
        %swap3A_490 = arith.index_cast %add3A_464 : i32 to index
        %swap3A_491 = arith.constant 48 : index
        %swap3A_492 = tpu.vector_load %arg13[%swap3A_490, %swap3A_491] {strides = array<i32>} : memref<80x80xf32, #tpu.memory_space<vmem>>, vector<16xf32>,
        tpu.vector_store %arg13[%swap3A_490, %swap3A_491], %mul3A_489 {strides = array<i32>} : memref<80x80xf32, #tpu.memory_space<vmem>>, vector<16xf32>,
        %get3A_493 = arith.index_cast %add3A_464 : i32 to index
        %get3A_494 = arith.constant 64 : index
        %get3A_495 = tpu.vector_load %arg13[%get3A_493, %get3A_494] {strides = array<i32>} : memref<80x80xf32, #tpu.memory_space<vmem>>, vector<16xf32>,
        %mul3A_496 = arith.mulf %get3A_495, %gather3A_460 : vector<16xf32>
        %swap3A_497 = arith.index_cast %add3A_464 : i32 to index
        %swap3A_498 = arith.constant 64 : index
        %swap3A_499 = tpu.vector_load %arg13[%swap3A_497, %swap3A_498] {strides = array<i32>} : memref<80x80xf32, #tpu.memory_space<vmem>>, vector<16xf32>,
        tpu.vector_store %arg13[%swap3A_497, %swap3A_498], %mul3A_496 {strides = array<i32>} : memref<80x80xf32, #tpu.memory_space<vmem>>, vector<16xf32>,
        %broadcast_in_dim3A_500 = arith.constant 7 : i32
        %broadcast_in_dim3A_501 = vector.broadcast %broadcast_in_dim3A_500 : i32 to vector<16xi32>
        %lt3A_502 = arith.constant 0 : i32
        %lt3A_503 = vector.broadcast %lt3A_502 : i32 to vector<16xi32>
        %lt3A_504 = arith.cmpi slt, %broadcast_in_dim3A_501, %lt3A_503 : vector<16xi32>
        %add3A_505 = arith.constant 16 : i32
        %add3A_506 = vector.broadcast %add3A_505 : i32 to vector<16xi32>
        %add3A_507 = arith.addi %broadcast_in_dim3A_501, %add3A_506 : vector<16xi32>
        %select_n3A_508 = arith.select %lt3A_504, %add3A_507, %broadcast_in_dim3A_501 : vector<16xi1>, vector<16xi32>
        %reshape3A_509 = vector.shape_cast %select_n3A_508 : vector<16xi32> to vector<16x1xi32>
        %gather3A_510 = vector.shape_cast %reshape3A_509 : vector<16x1xi32> to vector<16xi32>
        %gather3A_511 = tpu.dynamic_gather %exp3A[%gather3A_510] in [0] : vector<16xf32>, vector<16xi32> -> vector<16xf32>
        %mul3A_512 = arith.constant 16 : i32
        %mul3A_513 = arith.muli %scan3A_128, %mul3A_512 : i32
        %add3A_514 = arith.constant 7 : i32
        %add3A_515 = arith.addi %mul3A_513, %add3A_514 : i32
        %get3A_516 = arith.index_cast %add3A_515 : i32 to index
        %get3A_517 = arith.constant 0 : index
        %get3A_518 = tpu.vector_load %arg13[%get3A_516, %get3A_517] {strides = array<i32>} : memref<80x80xf32, #tpu.memory_space<vmem>>, vector<16xf32>,
        %mul3A_519 = arith.mulf %get3A_518, %gather3A_511 : vector<16xf32>
        %swap3A_520 = arith.index_cast %add3A_515 : i32 to index
        %swap3A_521 = arith.constant 0 : index
        %swap3A_522 = tpu.vector_load %arg13[%swap3A_520, %swap3A_521] {strides = array<i32>} : memref<80x80xf32, #tpu.memory_space<vmem>>, vector<16xf32>,
        tpu.vector_store %arg13[%swap3A_520, %swap3A_521], %mul3A_519 {strides = array<i32>} : memref<80x80xf32, #tpu.memory_space<vmem>>, vector<16xf32>,
        %get3A_523 = arith.index_cast %add3A_515 : i32 to index
        %get3A_524 = arith.constant 16 : index
        %get3A_525 = tpu.vector_load %arg13[%get3A_523, %get3A_524] {strides = array<i32>} : memref<80x80xf32, #tpu.memory_space<vmem>>, vector<16xf32>,
        %mul3A_526 = arith.mulf %get3A_525, %gather3A_511 : vector<16xf32>
        %swap3A_527 = arith.index_cast %add3A_515 : i32 to index
        %swap3A_528 = arith.constant 16 : index
        %swap3A_529 = tpu.vector_load %arg13[%swap3A_527, %swap3A_528] {strides = array<i32>} : memref<80x80xf32, #tpu.memory_space<vmem>>, vector<16xf32>,
        tpu.vector_store %arg13[%swap3A_527, %swap3A_528], %mul3A_526 {strides = array<i32>} : memref<80x80xf32, #tpu.memory_space<vmem>>, vector<16xf32>,
        %get3A_530 = arith.index_cast %add3A_515 : i32 to index
        %get3A_531 = arith.constant 32 : index
        %get3A_532 = tpu.vector_load %arg13[%get3A_530, %get3A_531] {strides = array<i32>} : memref<80x80xf32, #tpu.memory_space<vmem>>, vector<16xf32>,
        %mul3A_533 = arith.mulf %get3A_532, %gather3A_511 : vector<16xf32>
        %swap3A_534 = arith.index_cast %add3A_515 : i32 to index
        %swap3A_535 = arith.constant 32 : index
        %swap3A_536 = tpu.vector_load %arg13[%swap3A_534, %swap3A_535] {strides = array<i32>} : memref<80x80xf32, #tpu.memory_space<vmem>>, vector<16xf32>,
        tpu.vector_store %arg13[%swap3A_534, %swap3A_535], %mul3A_533 {strides = array<i32>} : memref<80x80xf32, #tpu.memory_space<vmem>>, vector<16xf32>,
        %get3A_537 = arith.index_cast %add3A_515 : i32 to index
        %get3A_538 = arith.constant 48 : index
        %get3A_539 = tpu.vector_load %arg13[%get3A_537, %get3A_538] {strides = array<i32>} : memref<80x80xf32, #tpu.memory_space<vmem>>, vector<16xf32>,
        %mul3A_540 = arith.mulf %get3A_539, %gather3A_511 : vector<16xf32>
        %swap3A_541 = arith.index_cast %add3A_515 : i32 to index
        %swap3A_542 = arith.constant 48 : index
        %swap3A_543 = tpu.vector_load %arg13[%swap3A_541, %swap3A_542] {strides = array<i32>} : memref<80x80xf32, #tpu.memory_space<vmem>>, vector<16xf32>,
        tpu.vector_store %arg13[%swap3A_541, %swap3A_542], %mul3A_540 {strides = array<i32>} : memref<80x80xf32, #tpu.memory_space<vmem>>, vector<16xf32>,
        %get3A_544 = arith.index_cast %add3A_515 : i32 to index
        %get3A_545 = arith.constant 64 : index
        %get3A_546 = tpu.vector_load %arg13[%get3A_544, %get3A_545] {strides = array<i32>} : memref<80x80xf32, #tpu.memory_space<vmem>>, vector<16xf32>,
        %mul3A_547 = arith.mulf %get3A_546, %gather3A_511 : vector<16xf32>
        %swap3A_548 = arith.index_cast %add3A_515 : i32 to index
        %swap3A_549 = arith.constant 64 : index
        %swap3A_550 = tpu.vector_load %arg13[%swap3A_548, %swap3A_549] {strides = array<i32>} : memref<80x80xf32, #tpu.memory_space<vmem>>, vector<16xf32>,
        tpu.vector_store %arg13[%swap3A_548, %swap3A_549], %mul3A_547 {strides = array<i32>} : memref<80x80xf32, #tpu.memory_space<vmem>>, vector<16xf32>,
        %broadcast_in_dim3A_551 = arith.constant 8 : i32
        %broadcast_in_dim3A_552 = vector.broadcast %broadcast_in_dim3A_551 : i32 to vector<16xi32>
        %lt3A_553 = arith.constant 0 : i32
        %lt3A_554 = vector.broadcast %lt3A_553 : i32 to vector<16xi32>
        %lt3A_555 = arith.cmpi slt, %broadcast_in_dim3A_552, %lt3A_554 : vector<16xi32>
        %add3A_556 = arith.constant 16 : i32
        %add3A_557 = vector.broadcast %add3A_556 : i32 to vector<16xi32>
        %add3A_558 = arith.addi %broadcast_in_dim3A_552, %add3A_557 : vector<16xi32>
        %select_n3A_559 = arith.select %lt3A_555, %add3A_558, %broadcast_in_dim3A_552 : vector<16xi1>, vector<16xi32>
        %reshape3A_560 = vector.shape_cast %select_n3A_559 : vector<16xi32> to vector<16x1xi32>
        %gather3A_561 = vector.shape_cast %reshape3A_560 : vector<16x1xi32> to vector<16xi32>
        %gather3A_562 = tpu.dynamic_gather %exp3A[%gather3A_561] in [0] : vector<16xf32>, vector<16xi32> -> vector<16xf32>
        %mul3A_563 = arith.constant 16 : i32
        %mul3A_564 = arith.muli %scan3A_128, %mul3A_563 : i32
        %add3A_565 = arith.constant 8 : i32
        %add3A_566 = arith.addi %mul3A_564, %add3A_565 : i32
        %get3A_567 = arith.index_cast %add3A_566 : i32 to index
        %get3A_568 = arith.constant 0 : index
        %get3A_569 = tpu.vector_load %arg13[%get3A_567, %get3A_568] {strides = array<i32>} : memref<80x80xf32, #tpu.memory_space<vmem>>, vector<16xf32>,
        %mul3A_570 = arith.mulf %get3A_569, %gather3A_562 : vector<16xf32>
        %swap3A_571 = arith.index_cast %add3A_566 : i32 to index
        %swap3A_572 = arith.constant 0 : index
        %swap3A_573 = tpu.vector_load %arg13[%swap3A_571, %swap3A_572] {strides = array<i32>} : memref<80x80xf32, #tpu.memory_space<vmem>>, vector<16xf32>,
        tpu.vector_store %arg13[%swap3A_571, %swap3A_572], %mul3A_570 {strides = array<i32>} : memref<80x80xf32, #tpu.memory_space<vmem>>, vector<16xf32>,
        %get3A_574 = arith.index_cast %add3A_566 : i32 to index
        %get3A_575 = arith.constant 16 : index
        %get3A_576 = tpu.vector_load %arg13[%get3A_574, %get3A_575] {strides = array<i32>} : memref<80x80xf32, #tpu.memory_space<vmem>>, vector<16xf32>,
        %mul3A_577 = arith.mulf %get3A_576, %gather3A_562 : vector<16xf32>
        %swap3A_578 = arith.index_cast %add3A_566 : i32 to index
        %swap3A_579 = arith.constant 16 : index
        %swap3A_580 = tpu.vector_load %arg13[%swap3A_578, %swap3A_579] {strides = array<i32>} : memref<80x80xf32, #tpu.memory_space<vmem>>, vector<16xf32>,
        tpu.vector_store %arg13[%swap3A_578, %swap3A_579], %mul3A_577 {strides = array<i32>} : memref<80x80xf32, #tpu.memory_space<vmem>>, vector<16xf32>,
        %get3A_581 = arith.index_cast %add3A_566 : i32 to index
        %get3A_582 = arith.constant 32 : index
        %get3A_583 = tpu.vector_load %arg13[%get3A_581, %get3A_582] {strides = array<i32>} : memref<80x80xf32, #tpu.memory_space<vmem>>, vector<16xf32>,
        %mul3A_584 = arith.mulf %get3A_583, %gather3A_562 : vector<16xf32>
        %swap3A_585 = arith.index_cast %add3A_566 : i32 to index
        %swap3A_586 = arith.constant 32 : index
        %swap3A_587 = tpu.vector_load %arg13[%swap3A_585, %swap3A_586] {strides = array<i32>} : memref<80x80xf32, #tpu.memory_space<vmem>>, vector<16xf32>,
        tpu.vector_store %arg13[%swap3A_585, %swap3A_586], %mul3A_584 {strides = array<i32>} : memref<80x80xf32, #tpu.memory_space<vmem>>, vector<16xf32>,
        %get3A_588 = arith.index_cast %add3A_566 : i32 to index
        %get3A_589 = arith.constant 48 : index
        %get3A_590 = tpu.vector_load %arg13[%get3A_588, %get3A_589] {strides = array<i32>} : memref<80x80xf32, #tpu.memory_space<vmem>>, vector<16xf32>,
        %mul3A_591 = arith.mulf %get3A_590, %gather3A_562 : vector<16xf32>
        %swap3A_592 = arith.index_cast %add3A_566 : i32 to index
        %swap3A_593 = arith.constant 48 : index
        %swap3A_594 = tpu.vector_load %arg13[%swap3A_592, %swap3A_593] {strides = array<i32>} : memref<80x80xf32, #tpu.memory_space<vmem>>, vector<16xf32>,
        tpu.vector_store %arg13[%swap3A_592, %swap3A_593], %mul3A_591 {strides = array<i32>} : memref<80x80xf32, #tpu.memory_space<vmem>>, vector<16xf32>,
        %get3A_595 = arith.index_cast %add3A_566 : i32 to index
        %get3A_596 = arith.constant 64 : index
        %get3A_597 = tpu.vector_load %arg13[%get3A_595, %get3A_596] {strides = array<i32>} : memref<80x80xf32, #tpu.memory_space<vmem>>, vector<16xf32>,
        %mul3A_598 = arith.mulf %get3A_597, %gather3A_562 : vector<16xf32>
        %swap3A_599 = arith.index_cast %add3A_566 : i32 to index
        %swap3A_600 = arith.constant 64 : index
        %swap3A_601 = tpu.vector_load %arg13[%swap3A_599, %swap3A_600] {strides = array<i32>} : memref<80x80xf32, #tpu.memory_space<vmem>>, vector<16xf32>,
        tpu.vector_store %arg13[%swap3A_599, %swap3A_600], %mul3A_598 {strides = array<i32>} : memref<80x80xf32, #tpu.memory_space<vmem>>, vector<16xf32>,
        %broadcast_in_dim3A_602 = arith.constant 9 : i32
        %broadcast_in_dim3A_603 = vector.broadcast %broadcast_in_dim3A_602 : i32 to vector<16xi32>
        %lt3A_604 = arith.constant 0 : i32
        %lt3A_605 = vector.broadcast %lt3A_604 : i32 to vector<16xi32>
        %lt3A_606 = arith.cmpi slt, %broadcast_in_dim3A_603, %lt3A_605 : vector<16xi32>
        %add3A_607 = arith.constant 16 : i32
        %add3A_608 = vector.broadcast %add3A_607 : i32 to vector<16xi32>
        %add3A_609 = arith.addi %broadcast_in_dim3A_603, %add3A_608 : vector<16xi32>
        %select_n3A_610 = arith.select %lt3A_606, %add3A_609, %broadcast_in_dim3A_603 : vector<16xi1>, vector<16xi32>
        %reshape3A_611 = vector.shape_cast %select_n3A_610 : vector<16xi32> to vector<16x1xi32>
        %gather3A_612 = vector.shape_cast %reshape3A_611 : vector<16x1xi32> to vector<16xi32>
        %gather3A_613 = tpu.dynamic_gather %exp3A[%gather3A_612] in [0] : vector<16xf32>, vector<16xi32> -> vector<16xf32>
        %mul3A_614 = arith.constant 16 : i32
        %mul3A_615 = arith.muli %scan3A_128, %mul3A_614 : i32
        %add3A_616 = arith.constant 9 : i32
        %add3A_617 = arith.addi %mul3A_615, %add3A_616 : i32
        %get3A_618 = arith.index_cast %add3A_617 : i32 to index
        %get3A_619 = arith.constant 0 : index
        %get3A_620 = tpu.vector_load %arg13[%get3A_618, %get3A_619] {strides = array<i32>} : memref<80x80xf32, #tpu.memory_space<vmem>>, vector<16xf32>,
        %mul3A_621 = arith.mulf %get3A_620, %gather3A_613 : vector<16xf32>
        %swap3A_622 = arith.index_cast %add3A_617 : i32 to index
        %swap3A_623 = arith.constant 0 : index
        %swap3A_624 = tpu.vector_load %arg13[%swap3A_622, %swap3A_623] {strides = array<i32>} : memref<80x80xf32, #tpu.memory_space<vmem>>, vector<16xf32>,
        tpu.vector_store %arg13[%swap3A_622, %swap3A_623], %mul3A_621 {strides = array<i32>} : memref<80x80xf32, #tpu.memory_space<vmem>>, vector<16xf32>,
        %get3A_625 = arith.index_cast %add3A_617 : i32 to index
        %get3A_626 = arith.constant 16 : index
        %get3A_627 = tpu.vector_load %arg13[%get3A_625, %get3A_626] {strides = array<i32>} : memref<80x80xf32, #tpu.memory_space<vmem>>, vector<16xf32>,
        %mul3A_628 = arith.mulf %get3A_627, %gather3A_613 : vector<16xf32>
        %swap3A_629 = arith.index_cast %add3A_617 : i32 to index
        %swap3A_630 = arith.constant 16 : index
        %swap3A_631 = tpu.vector_load %arg13[%swap3A_629, %swap3A_630] {strides = array<i32>} : memref<80x80xf32, #tpu.memory_space<vmem>>, vector<16xf32>,
        tpu.vector_store %arg13[%swap3A_629, %swap3A_630], %mul3A_628 {strides = array<i32>} : memref<80x80xf32, #tpu.memory_space<vmem>>, vector<16xf32>,
        %get3A_632 = arith.index_cast %add3A_617 : i32 to index
        %get3A_633 = arith.constant 32 : index
        %get3A_634 = tpu.vector_load %arg13[%get3A_632, %get3A_633] {strides = array<i32>} : memref<80x80xf32, #tpu.memory_space<vmem>>, vector<16xf32>,
        %mul3A_635 = arith.mulf %get3A_634, %gather3A_613 : vector<16xf32>
        %swap3A_636 = arith.index_cast %add3A_617 : i32 to index
        %swap3A_637 = arith.constant 32 : index
        %swap3A_638 = tpu.vector_load %arg13[%swap3A_636, %swap3A_637] {strides = array<i32>} : memref<80x80xf32, #tpu.memory_space<vmem>>, vector<16xf32>,
        tpu.vector_store %arg13[%swap3A_636, %swap3A_637], %mul3A_635 {strides = array<i32>} : memref<80x80xf32, #tpu.memory_space<vmem>>, vector<16xf32>,
        %get3A_639 = arith.index_cast %add3A_617 : i32 to index
        %get3A_640 = arith.constant 48 : index
        %get3A_641 = tpu.vector_load %arg13[%get3A_639, %get3A_640] {strides = array<i32>} : memref<80x80xf32, #tpu.memory_space<vmem>>, vector<16xf32>,
        %mul3A_642 = arith.mulf %get3A_641, %gather3A_613 : vector<16xf32>
        %swap3A_643 = arith.index_cast %add3A_617 : i32 to index
        %swap3A_644 = arith.constant 48 : index
        %swap3A_645 = tpu.vector_load %arg13[%swap3A_643, %swap3A_644] {strides = array<i32>} : memref<80x80xf32, #tpu.memory_space<vmem>>, vector<16xf32>,
        tpu.vector_store %arg13[%swap3A_643, %swap3A_644], %mul3A_642 {strides = array<i32>} : memref<80x80xf32, #tpu.memory_space<vmem>>, vector<16xf32>,
        %get3A_646 = arith.index_cast %add3A_617 : i32 to index
        %get3A_647 = arith.constant 64 : index
        %get3A_648 = tpu.vector_load %arg13[%get3A_646, %get3A_647] {strides = array<i32>} : memref<80x80xf32, #tpu.memory_space<vmem>>, vector<16xf32>,
        %mul3A_649 = arith.mulf %get3A_648, %gather3A_613 : vector<16xf32>
        %swap3A_650 = arith.index_cast %add3A_617 : i32 to index
        %swap3A_651 = arith.constant 64 : index
        %swap3A_652 = tpu.vector_load %arg13[%swap3A_650, %swap3A_651] {strides = array<i32>} : memref<80x80xf32, #tpu.memory_space<vmem>>, vector<16xf32>,
        tpu.vector_store %arg13[%swap3A_650, %swap3A_651], %mul3A_649 {strides = array<i32>} : memref<80x80xf32, #tpu.memory_space<vmem>>, vector<16xf32>,
        %broadcast_in_dim3A_653 = arith.constant 10 : i32
        %broadcast_in_dim3A_654 = vector.broadcast %broadcast_in_dim3A_653 : i32 to vector<16xi32>
        %lt3A_655 = arith.constant 0 : i32
        %lt3A_656 = vector.broadcast %lt3A_655 : i32 to vector<16xi32>
        %lt3A_657 = arith.cmpi slt, %broadcast_in_dim3A_654, %lt3A_656 : vector<16xi32>
        %add3A_658 = arith.constant 16 : i32
        %add3A_659 = vector.broadcast %add3A_658 : i32 to vector<16xi32>
        %add3A_660 = arith.addi %broadcast_in_dim3A_654, %add3A_659 : vector<16xi32>
        %select_n3A_661 = arith.select %lt3A_657, %add3A_660, %broadcast_in_dim3A_654 : vector<16xi1>, vector<16xi32>
        %reshape3A_662 = vector.shape_cast %select_n3A_661 : vector<16xi32> to vector<16x1xi32>
        %gather3A_663 = vector.shape_cast %reshape3A_662 : vector<16x1xi32> to vector<16xi32>
        %gather3A_664 = tpu.dynamic_gather %exp3A[%gather3A_663] in [0] : vector<16xf32>, vector<16xi32> -> vector<16xf32>
        %mul3A_665 = arith.constant 16 : i32
        %mul3A_666 = arith.muli %scan3A_128, %mul3A_665 : i32
        %add3A_667 = arith.constant 10 : i32
        %add3A_668 = arith.addi %mul3A_666, %add3A_667 : i32
        %get3A_669 = arith.index_cast %add3A_668 : i32 to index
        %get3A_670 = arith.constant 0 : index
        %get3A_671 = tpu.vector_load %arg13[%get3A_669, %get3A_670] {strides = array<i32>} : memref<80x80xf32, #tpu.memory_space<vmem>>, vector<16xf32>,
        %mul3A_672 = arith.mulf %get3A_671, %gather3A_664 : vector<16xf32>
        %swap3A_673 = arith.index_cast %add3A_668 : i32 to index
        %swap3A_674 = arith.constant 0 : index
        %swap3A_675 = tpu.vector_load %arg13[%swap3A_673, %swap3A_674] {strides = array<i32>} : memref<80x80xf32, #tpu.memory_space<vmem>>, vector<16xf32>,
        tpu.vector_store %arg13[%swap3A_673, %swap3A_674], %mul3A_672 {strides = array<i32>} : memref<80x80xf32, #tpu.memory_space<vmem>>, vector<16xf32>,
        %get3A_676 = arith.index_cast %add3A_668 : i32 to index
        %get3A_677 = arith.constant 16 : index
        %get3A_678 = tpu.vector_load %arg13[%get3A_676, %get3A_677] {strides = array<i32>} : memref<80x80xf32, #tpu.memory_space<vmem>>, vector<16xf32>,
        %mul3A_679 = arith.mulf %get3A_678, %gather3A_664 : vector<16xf32>
        %swap3A_680 = arith.index_cast %add3A_668 : i32 to index
        %swap3A_681 = arith.constant 16 : index
        %swap3A_682 = tpu.vector_load %arg13[%swap3A_680, %swap3A_681] {strides = array<i32>} : memref<80x80xf32, #tpu.memory_space<vmem>>, vector<16xf32>,
        tpu.vector_store %arg13[%swap3A_680, %swap3A_681], %mul3A_679 {strides = array<i32>} : memref<80x80xf32, #tpu.memory_space<vmem>>, vector<16xf32>,
        %get3A_683 = arith.index_cast %add3A_668 : i32 to index
        %get3A_684 = arith.constant 32 : index
        %get3A_685 = tpu.vector_load %arg13[%get3A_683, %get3A_684] {strides = array<i32>} : memref<80x80xf32, #tpu.memory_space<vmem>>, vector<16xf32>,
        %mul3A_686 = arith.mulf %get3A_685, %gather3A_664 : vector<16xf32>
        %swap3A_687 = arith.index_cast %add3A_668 : i32 to index
        %swap3A_688 = arith.constant 32 : index
        %swap3A_689 = tpu.vector_load %arg13[%swap3A_687, %swap3A_688] {strides = array<i32>} : memref<80x80xf32, #tpu.memory_space<vmem>>, vector<16xf32>,
        tpu.vector_store %arg13[%swap3A_687, %swap3A_688], %mul3A_686 {strides = array<i32>} : memref<80x80xf32, #tpu.memory_space<vmem>>, vector<16xf32>,
        %get3A_690 = arith.index_cast %add3A_668 : i32 to index
        %get3A_691 = arith.constant 48 : index
        %get3A_692 = tpu.vector_load %arg13[%get3A_690, %get3A_691] {strides = array<i32>} : memref<80x80xf32, #tpu.memory_space<vmem>>, vector<16xf32>,
        %mul3A_693 = arith.mulf %get3A_692, %gather3A_664 : vector<16xf32>
        %swap3A_694 = arith.index_cast %add3A_668 : i32 to index
        %swap3A_695 = arith.constant 48 : index
        %swap3A_696 = tpu.vector_load %arg13[%swap3A_694, %swap3A_695] {strides = array<i32>} : memref<80x80xf32, #tpu.memory_space<vmem>>, vector<16xf32>,
        tpu.vector_store %arg13[%swap3A_694, %swap3A_695], %mul3A_693 {strides = array<i32>} : memref<80x80xf32, #tpu.memory_space<vmem>>, vector<16xf32>,
        %get3A_697 = arith.index_cast %add3A_668 : i32 to index
        %get3A_698 = arith.constant 64 : index
        %get3A_699 = tpu.vector_load %arg13[%get3A_697, %get3A_698] {strides = array<i32>} : memref<80x80xf32, #tpu.memory_space<vmem>>, vector<16xf32>,
        %mul3A_700 = arith.mulf %get3A_699, %gather3A_664 : vector<16xf32>
        %swap3A_701 = arith.index_cast %add3A_668 : i32 to index
        %swap3A_702 = arith.constant 64 : index
        %swap3A_703 = tpu.vector_load %arg13[%swap3A_701, %swap3A_702] {strides = array<i32>} : memref<80x80xf32, #tpu.memory_space<vmem>>, vector<16xf32>,
        tpu.vector_store %arg13[%swap3A_701, %swap3A_702], %mul3A_700 {strides = array<i32>} : memref<80x80xf32, #tpu.memory_space<vmem>>, vector<16xf32>,
        %broadcast_in_dim3A_704 = arith.constant 11 : i32
        %broadcast_in_dim3A_705 = vector.broadcast %broadcast_in_dim3A_704 : i32 to vector<16xi32>
        %lt3A_706 = arith.constant 0 : i32
        %lt3A_707 = vector.broadcast %lt3A_706 : i32 to vector<16xi32>
        %lt3A_708 = arith.cmpi slt, %broadcast_in_dim3A_705, %lt3A_707 : vector<16xi32>
        %add3A_709 = arith.constant 16 : i32
        %add3A_710 = vector.broadcast %add3A_709 : i32 to vector<16xi32>
        %add3A_711 = arith.addi %broadcast_in_dim3A_705, %add3A_710 : vector<16xi32>
        %select_n3A_712 = arith.select %lt3A_708, %add3A_711, %broadcast_in_dim3A_705 : vector<16xi1>, vector<16xi32>
        %reshape3A_713 = vector.shape_cast %select_n3A_712 : vector<16xi32> to vector<16x1xi32>
        %gather3A_714 = vector.shape_cast %reshape3A_713 : vector<16x1xi32> to vector<16xi32>
        %gather3A_715 = tpu.dynamic_gather %exp3A[%gather3A_714] in [0] : vector<16xf32>, vector<16xi32> -> vector<16xf32>
        %mul3A_716 = arith.constant 16 : i32
        %mul3A_717 = arith.muli %scan3A_128, %mul3A_716 : i32
        %add3A_718 = arith.constant 11 : i32
        %add3A_719 = arith.addi %mul3A_717, %add3A_718 : i32
        %get3A_720 = arith.index_cast %add3A_719 : i32 to index
        %get3A_721 = arith.constant 0 : index
        %get3A_722 = tpu.vector_load %arg13[%get3A_720, %get3A_721] {strides = array<i32>} : memref<80x80xf32, #tpu.memory_space<vmem>>, vector<16xf32>,
        %mul3A_723 = arith.mulf %get3A_722, %gather3A_715 : vector<16xf32>
        %swap3A_724 = arith.index_cast %add3A_719 : i32 to index
        %swap3A_725 = arith.constant 0 : index
        %swap3A_726 = tpu.vector_load %arg13[%swap3A_724, %swap3A_725] {strides = array<i32>} : memref<80x80xf32, #tpu.memory_space<vmem>>, vector<16xf32>,
        tpu.vector_store %arg13[%swap3A_724, %swap3A_725], %mul3A_723 {strides = array<i32>} : memref<80x80xf32, #tpu.memory_space<vmem>>, vector<16xf32>,
        %get3A_727 = arith.index_cast %add3A_719 : i32 to index
        %get3A_728 = arith.constant 16 : index
        %get3A_729 = tpu.vector_load %arg13[%get3A_727, %get3A_728] {strides = array<i32>} : memref<80x80xf32, #tpu.memory_space<vmem>>, vector<16xf32>,
        %mul3A_730 = arith.mulf %get3A_729, %gather3A_715 : vector<16xf32>
        %swap3A_731 = arith.index_cast %add3A_719 : i32 to index
        %swap3A_732 = arith.constant 16 : index
        %swap3A_733 = tpu.vector_load %arg13[%swap3A_731, %swap3A_732] {strides = array<i32>} : memref<80x80xf32, #tpu.memory_space<vmem>>, vector<16xf32>,
        tpu.vector_store %arg13[%swap3A_731, %swap3A_732], %mul3A_730 {strides = array<i32>} : memref<80x80xf32, #tpu.memory_space<vmem>>, vector<16xf32>,
        %get3A_734 = arith.index_cast %add3A_719 : i32 to index
        %get3A_735 = arith.constant 32 : index
        %get3A_736 = tpu.vector_load %arg13[%get3A_734, %get3A_735] {strides = array<i32>} : memref<80x80xf32, #tpu.memory_space<vmem>>, vector<16xf32>,
        %mul3A_737 = arith.mulf %get3A_736, %gather3A_715 : vector<16xf32>
        %swap3A_738 = arith.index_cast %add3A_719 : i32 to index
        %swap3A_739 = arith.constant 32 : index
        %swap3A_740 = tpu.vector_load %arg13[%swap3A_738, %swap3A_739] {strides = array<i32>} : memref<80x80xf32, #tpu.memory_space<vmem>>, vector<16xf32>,
        tpu.vector_store %arg13[%swap3A_738, %swap3A_739], %mul3A_737 {strides = array<i32>} : memref<80x80xf32, #tpu.memory_space<vmem>>, vector<16xf32>,
        %get3A_741 = arith.index_cast %add3A_719 : i32 to index
        %get3A_742 = arith.constant 48 : index
        %get3A_743 = tpu.vector_load %arg13[%get3A_741, %get3A_742] {strides = array<i32>} : memref<80x80xf32, #tpu.memory_space<vmem>>, vector<16xf32>,
        %mul3A_744 = arith.mulf %get3A_743, %gather3A_715 : vector<16xf32>
        %swap3A_745 = arith.index_cast %add3A_719 : i32 to index
        %swap3A_746 = arith.constant 48 : index
        %swap3A_747 = tpu.vector_load %arg13[%swap3A_745, %swap3A_746] {strides = array<i32>} : memref<80x80xf32, #tpu.memory_space<vmem>>, vector<16xf32>,
        tpu.vector_store %arg13[%swap3A_745, %swap3A_746], %mul3A_744 {strides = array<i32>} : memref<80x80xf32, #tpu.memory_space<vmem>>, vector<16xf32>,
        %get3A_748 = arith.index_cast %add3A_719 : i32 to index
        %get3A_749 = arith.constant 64 : index
        %get3A_750 = tpu.vector_load %arg13[%get3A_748, %get3A_749] {strides = array<i32>} : memref<80x80xf32, #tpu.memory_space<vmem>>, vector<16xf32>,
        %mul3A_751 = arith.mulf %get3A_750, %gather3A_715 : vector<16xf32>
        %swap3A_752 = arith.index_cast %add3A_719 : i32 to index
        %swap3A_753 = arith.constant 64 : index
        %swap3A_754 = tpu.vector_load %arg13[%swap3A_752, %swap3A_753] {strides = array<i32>} : memref<80x80xf32, #tpu.memory_space<vmem>>, vector<16xf32>,
        tpu.vector_store %arg13[%swap3A_752, %swap3A_753], %mul3A_751 {strides = array<i32>} : memref<80x80xf32, #tpu.memory_space<vmem>>, vector<16xf32>,
        %broadcast_in_dim3A_755 = arith.constant 12 : i32
        %broadcast_in_dim3A_756 = vector.broadcast %broadcast_in_dim3A_755 : i32 to vector<16xi32>
        %lt3A_757 = arith.constant 0 : i32
        %lt3A_758 = vector.broadcast %lt3A_757 : i32 to vector<16xi32>
        %lt3A_759 = arith.cmpi slt, %broadcast_in_dim3A_756, %lt3A_758 : vector<16xi32>
        %add3A_760 = arith.constant 16 : i32
        %add3A_761 = vector.broadcast %add3A_760 : i32 to vector<16xi32>
        %add3A_762 = arith.addi %broadcast_in_dim3A_756, %add3A_761 : vector<16xi32>
        %select_n3A_763 = arith.select %lt3A_759, %add3A_762, %broadcast_in_dim3A_756 : vector<16xi1>, vector<16xi32>
        %reshape3A_764 = vector.shape_cast %select_n3A_763 : vector<16xi32> to vector<16x1xi32>
        %gather3A_765 = vector.shape_cast %reshape3A_764 : vector<16x1xi32> to vector<16xi32>
        %gather3A_766 = tpu.dynamic_gather %exp3A[%gather3A_765] in [0] : vector<16xf32>, vector<16xi32> -> vector<16xf32>
        %mul3A_767 = arith.constant 16 : i32
        %mul3A_768 = arith.muli %scan3A_128, %mul3A_767 : i32
        %add3A_769 = arith.constant 12 : i32
        %add3A_770 = arith.addi %mul3A_768, %add3A_769 : i32
        %get3A_771 = arith.index_cast %add3A_770 : i32 to index
        %get3A_772 = arith.constant 0 : index
        %get3A_773 = tpu.vector_load %arg13[%get3A_771, %get3A_772] {strides = array<i32>} : memref<80x80xf32, #tpu.memory_space<vmem>>, vector<16xf32>,
        %mul3A_774 = arith.mulf %get3A_773, %gather3A_766 : vector<16xf32>
        %swap3A_775 = arith.index_cast %add3A_770 : i32 to index
        %swap3A_776 = arith.constant 0 : index
        %swap3A_777 = tpu.vector_load %arg13[%swap3A_775, %swap3A_776] {strides = array<i32>} : memref<80x80xf32, #tpu.memory_space<vmem>>, vector<16xf32>,
        tpu.vector_store %arg13[%swap3A_775, %swap3A_776], %mul3A_774 {strides = array<i32>} : memref<80x80xf32, #tpu.memory_space<vmem>>, vector<16xf32>,
        %get3A_778 = arith.index_cast %add3A_770 : i32 to index
        %get3A_779 = arith.constant 16 : index
        %get3A_780 = tpu.vector_load %arg13[%get3A_778, %get3A_779] {strides = array<i32>} : memref<80x80xf32, #tpu.memory_space<vmem>>, vector<16xf32>,
        %mul3A_781 = arith.mulf %get3A_780, %gather3A_766 : vector<16xf32>
        %swap3A_782 = arith.index_cast %add3A_770 : i32 to index
        %swap3A_783 = arith.constant 16 : index
        %swap3A_784 = tpu.vector_load %arg13[%swap3A_782, %swap3A_783] {strides = array<i32>} : memref<80x80xf32, #tpu.memory_space<vmem>>, vector<16xf32>,
        tpu.vector_store %arg13[%swap3A_782, %swap3A_783], %mul3A_781 {strides = array<i32>} : memref<80x80xf32, #tpu.memory_space<vmem>>, vector<16xf32>,
        %get3A_785 = arith.index_cast %add3A_770 : i32 to index
        %get3A_786 = arith.constant 32 : index
        %get3A_787 = tpu.vector_load %arg13[%get3A_785, %get3A_786] {strides = array<i32>} : memref<80x80xf32, #tpu.memory_space<vmem>>, vector<16xf32>,
        %mul3A_788 = arith.mulf %get3A_787, %gather3A_766 : vector<16xf32>
        %swap3A_789 = arith.index_cast %add3A_770 : i32 to index
        %swap3A_790 = arith.constant 32 : index
        %swap3A_791 = tpu.vector_load %arg13[%swap3A_789, %swap3A_790] {strides = array<i32>} : memref<80x80xf32, #tpu.memory_space<vmem>>, vector<16xf32>,
        tpu.vector_store %arg13[%swap3A_789, %swap3A_790], %mul3A_788 {strides = array<i32>} : memref<80x80xf32, #tpu.memory_space<vmem>>, vector<16xf32>,
        %get3A_792 = arith.index_cast %add3A_770 : i32 to index
        %get3A_793 = arith.constant 48 : index
        %get3A_794 = tpu.vector_load %arg13[%get3A_792, %get3A_793] {strides = array<i32>} : memref<80x80xf32, #tpu.memory_space<vmem>>, vector<16xf32>,
        %mul3A_795 = arith.mulf %get3A_794, %gather3A_766 : vector<16xf32>
        %swap3A_796 = arith.index_cast %add3A_770 : i32 to index
        %swap3A_797 = arith.constant 48 : index
        %swap3A_798 = tpu.vector_load %arg13[%swap3A_796, %swap3A_797] {strides = array<i32>} : memref<80x80xf32, #tpu.memory_space<vmem>>, vector<16xf32>,
        tpu.vector_store %arg13[%swap3A_796, %swap3A_797], %mul3A_795 {strides = array<i32>} : memref<80x80xf32, #tpu.memory_space<vmem>>, vector<16xf32>,
        %get3A_799 = arith.index_cast %add3A_770 : i32 to index
        %get3A_800 = arith.constant 64 : index
        %get3A_801 = tpu.vector_load %arg13[%get3A_799, %get3A_800] {strides = array<i32>} : memref<80x80xf32, #tpu.memory_space<vmem>>, vector<16xf32>,
        %mul3A_802 = arith.mulf %get3A_801, %gather3A_766 : vector<16xf32>
        %swap3A_803 = arith.index_cast %add3A_770 : i32 to index
        %swap3A_804 = arith.constant 64 : index
        %swap3A_805 = tpu.vector_load %arg13[%swap3A_803, %swap3A_804] {strides = array<i32>} : memref<80x80xf32, #tpu.memory_space<vmem>>, vector<16xf32>,
        tpu.vector_store %arg13[%swap3A_803, %swap3A_804], %mul3A_802 {strides = array<i32>} : memref<80x80xf32, #tpu.memory_space<vmem>>, vector<16xf32>,
        %broadcast_in_dim3A_806 = arith.constant 13 : i32
        %broadcast_in_dim3A_807 = vector.broadcast %broadcast_in_dim3A_806 : i32 to vector<16xi32>
        %lt3A_808 = arith.constant 0 : i32
        %lt3A_809 = vector.broadcast %lt3A_808 : i32 to vector<16xi32>
        %lt3A_810 = arith.cmpi slt, %broadcast_in_dim3A_807, %lt3A_809 : vector<16xi32>
        %add3A_811 = arith.constant 16 : i32
        %add3A_812 = vector.broadcast %add3A_811 : i32 to vector<16xi32>
        %add3A_813 = arith.addi %broadcast_in_dim3A_807, %add3A_812 : vector<16xi32>
        %select_n3A_814 = arith.select %lt3A_810, %add3A_813, %broadcast_in_dim3A_807 : vector<16xi1>, vector<16xi32>
        %reshape3A_815 = vector.shape_cast %select_n3A_814 : vector<16xi32> to vector<16x1xi32>
        %gather3A_816 = vector.shape_cast %reshape3A_815 : vector<16x1xi32> to vector<16xi32>
        %gather3A_817 = tpu.dynamic_gather %exp3A[%gather3A_816] in [0] : vector<16xf32>, vector<16xi32> -> vector<16xf32>
        %mul3A_818 = arith.constant 16 : i32
        %mul3A_819 = arith.muli %scan3A_128, %mul3A_818 : i32
        %add3A_820 = arith.constant 13 : i32
        %add3A_821 = arith.addi %mul3A_819, %add3A_820 : i32
        %get3A_822 = arith.index_cast %add3A_821 : i32 to index
        %get3A_823 = arith.constant 0 : index
        %get3A_824 = tpu.vector_load %arg13[%get3A_822, %get3A_823] {strides = array<i32>} : memref<80x80xf32, #tpu.memory_space<vmem>>, vector<16xf32>,
        %mul3A_825 = arith.mulf %get3A_824, %gather3A_817 : vector<16xf32>
        %swap3A_826 = arith.index_cast %add3A_821 : i32 to index
        %swap3A_827 = arith.constant 0 : index
        %swap3A_828 = tpu.vector_load %arg13[%swap3A_826, %swap3A_827] {strides = array<i32>} : memref<80x80xf32, #tpu.memory_space<vmem>>, vector<16xf32>,
        tpu.vector_store %arg13[%swap3A_826, %swap3A_827], %mul3A_825 {strides = array<i32>} : memref<80x80xf32, #tpu.memory_space<vmem>>, vector<16xf32>,
        %get3A_829 = arith.index_cast %add3A_821 : i32 to index
        %get3A_830 = arith.constant 16 : index
        %get3A_831 = tpu.vector_load %arg13[%get3A_829, %get3A_830] {strides = array<i32>} : memref<80x80xf32, #tpu.memory_space<vmem>>, vector<16xf32>,
        %mul3A_832 = arith.mulf %get3A_831, %gather3A_817 : vector<16xf32>
        %swap3A_833 = arith.index_cast %add3A_821 : i32 to index
        %swap3A_834 = arith.constant 16 : index
        %swap3A_835 = tpu.vector_load %arg13[%swap3A_833, %swap3A_834] {strides = array<i32>} : memref<80x80xf32, #tpu.memory_space<vmem>>, vector<16xf32>,
        tpu.vector_store %arg13[%swap3A_833, %swap3A_834], %mul3A_832 {strides = array<i32>} : memref<80x80xf32, #tpu.memory_space<vmem>>, vector<16xf32>,
        %get3A_836 = arith.index_cast %add3A_821 : i32 to index
        %get3A_837 = arith.constant 32 : index
        %get3A_838 = tpu.vector_load %arg13[%get3A_836, %get3A_837] {strides = array<i32>} : memref<80x80xf32, #tpu.memory_space<vmem>>, vector<16xf32>,
        %mul3A_839 = arith.mulf %get3A_838, %gather3A_817 : vector<16xf32>
        %swap3A_840 = arith.index_cast %add3A_821 : i32 to index
        %swap3A_841 = arith.constant 32 : index
        %swap3A_842 = tpu.vector_load %arg13[%swap3A_840, %swap3A_841] {strides = array<i32>} : memref<80x80xf32, #tpu.memory_space<vmem>>, vector<16xf32>,
        tpu.vector_store %arg13[%swap3A_840, %swap3A_841], %mul3A_839 {strides = array<i32>} : memref<80x80xf32, #tpu.memory_space<vmem>>, vector<16xf32>,
        %get3A_843 = arith.index_cast %add3A_821 : i32 to index
        %get3A_844 = arith.constant 48 : index
        %get3A_845 = tpu.vector_load %arg13[%get3A_843, %get3A_844] {strides = array<i32>} : memref<80x80xf32, #tpu.memory_space<vmem>>, vector<16xf32>,
        %mul3A_846 = arith.mulf %get3A_845, %gather3A_817 : vector<16xf32>
        %swap3A_847 = arith.index_cast %add3A_821 : i32 to index
        %swap3A_848 = arith.constant 48 : index
        %swap3A_849 = tpu.vector_load %arg13[%swap3A_847, %swap3A_848] {strides = array<i32>} : memref<80x80xf32, #tpu.memory_space<vmem>>, vector<16xf32>,
        tpu.vector_store %arg13[%swap3A_847, %swap3A_848], %mul3A_846 {strides = array<i32>} : memref<80x80xf32, #tpu.memory_space<vmem>>, vector<16xf32>,
        %get3A_850 = arith.index_cast %add3A_821 : i32 to index
        %get3A_851 = arith.constant 64 : index
        %get3A_852 = tpu.vector_load %arg13[%get3A_850, %get3A_851] {strides = array<i32>} : memref<80x80xf32, #tpu.memory_space<vmem>>, vector<16xf32>,
        %mul3A_853 = arith.mulf %get3A_852, %gather3A_817 : vector<16xf32>
        %swap3A_854 = arith.index_cast %add3A_821 : i32 to index
        %swap3A_855 = arith.constant 64 : index
        %swap3A_856 = tpu.vector_load %arg13[%swap3A_854, %swap3A_855] {strides = array<i32>} : memref<80x80xf32, #tpu.memory_space<vmem>>, vector<16xf32>,
        tpu.vector_store %arg13[%swap3A_854, %swap3A_855], %mul3A_853 {strides = array<i32>} : memref<80x80xf32, #tpu.memory_space<vmem>>, vector<16xf32>,
        %broadcast_in_dim3A_857 = arith.constant 14 : i32
        %broadcast_in_dim3A_858 = vector.broadcast %broadcast_in_dim3A_857 : i32 to vector<16xi32>
        %lt3A_859 = arith.constant 0 : i32
        %lt3A_860 = vector.broadcast %lt3A_859 : i32 to vector<16xi32>
        %lt3A_861 = arith.cmpi slt, %broadcast_in_dim3A_858, %lt3A_860 : vector<16xi32>
        %add3A_862 = arith.constant 16 : i32
        %add3A_863 = vector.broadcast %add3A_862 : i32 to vector<16xi32>
        %add3A_864 = arith.addi %broadcast_in_dim3A_858, %add3A_863 : vector<16xi32>
        %select_n3A_865 = arith.select %lt3A_861, %add3A_864, %broadcast_in_dim3A_858 : vector<16xi1>, vector<16xi32>
        %reshape3A_866 = vector.shape_cast %select_n3A_865 : vector<16xi32> to vector<16x1xi32>
        %gather3A_867 = vector.shape_cast %reshape3A_866 : vector<16x1xi32> to vector<16xi32>
        %gather3A_868 = tpu.dynamic_gather %exp3A[%gather3A_867] in [0] : vector<16xf32>, vector<16xi32> -> vector<16xf32>
        %mul3A_869 = arith.constant 16 : i32
        %mul3A_870 = arith.muli %scan3A_128, %mul3A_869 : i32
        %add3A_871 = arith.constant 14 : i32
        %add3A_872 = arith.addi %mul3A_870, %add3A_871 : i32
        %get3A_873 = arith.index_cast %add3A_872 : i32 to index
        %get3A_874 = arith.constant 0 : index
        %get3A_875 = tpu.vector_load %arg13[%get3A_873, %get3A_874] {strides = array<i32>} : memref<80x80xf32, #tpu.memory_space<vmem>>, vector<16xf32>,
        %mul3A_876 = arith.mulf %get3A_875, %gather3A_868 : vector<16xf32>
        %swap3A_877 = arith.index_cast %add3A_872 : i32 to index
        %swap3A_878 = arith.constant 0 : index
        %swap3A_879 = tpu.vector_load %arg13[%swap3A_877, %swap3A_878] {strides = array<i32>} : memref<80x80xf32, #tpu.memory_space<vmem>>, vector<16xf32>,
        tpu.vector_store %arg13[%swap3A_877, %swap3A_878], %mul3A_876 {strides = array<i32>} : memref<80x80xf32, #tpu.memory_space<vmem>>, vector<16xf32>,
        %get3A_880 = arith.index_cast %add3A_872 : i32 to index
        %get3A_881 = arith.constant 16 : index
        %get3A_882 = tpu.vector_load %arg13[%get3A_880, %get3A_881] {strides = array<i32>} : memref<80x80xf32, #tpu.memory_space<vmem>>, vector<16xf32>,
        %mul3A_883 = arith.mulf %get3A_882, %gather3A_868 : vector<16xf32>
        %swap3A_884 = arith.index_cast %add3A_872 : i32 to index
        %swap3A_885 = arith.constant 16 : index
        %swap3A_886 = tpu.vector_load %arg13[%swap3A_884, %swap3A_885] {strides = array<i32>} : memref<80x80xf32, #tpu.memory_space<vmem>>, vector<16xf32>,
        tpu.vector_store %arg13[%swap3A_884, %swap3A_885], %mul3A_883 {strides = array<i32>} : memref<80x80xf32, #tpu.memory_space<vmem>>, vector<16xf32>,
        %get3A_887 = arith.index_cast %add3A_872 : i32 to index
        %get3A_888 = arith.constant 32 : index
        %get3A_889 = tpu.vector_load %arg13[%get3A_887, %get3A_888] {strides = array<i32>} : memref<80x80xf32, #tpu.memory_space<vmem>>, vector<16xf32>,
        %mul3A_890 = arith.mulf %get3A_889, %gather3A_868 : vector<16xf32>
        %swap3A_891 = arith.index_cast %add3A_872 : i32 to index
        %swap3A_892 = arith.constant 32 : index
        %swap3A_893 = tpu.vector_load %arg13[%swap3A_891, %swap3A_892] {strides = array<i32>} : memref<80x80xf32, #tpu.memory_space<vmem>>, vector<16xf32>,
        tpu.vector_store %arg13[%swap3A_891, %swap3A_892], %mul3A_890 {strides = array<i32>} : memref<80x80xf32, #tpu.memory_space<vmem>>, vector<16xf32>,
        %get3A_894 = arith.index_cast %add3A_872 : i32 to index
        %get3A_895 = arith.constant 48 : index
        %get3A_896 = tpu.vector_load %arg13[%get3A_894, %get3A_895] {strides = array<i32>} : memref<80x80xf32, #tpu.memory_space<vmem>>, vector<16xf32>,
        %mul3A_897 = arith.mulf %get3A_896, %gather3A_868 : vector<16xf32>
        %swap3A_898 = arith.index_cast %add3A_872 : i32 to index
        %swap3A_899 = arith.constant 48 : index
        %swap3A_900 = tpu.vector_load %arg13[%swap3A_898, %swap3A_899] {strides = array<i32>} : memref<80x80xf32, #tpu.memory_space<vmem>>, vector<16xf32>,
        tpu.vector_store %arg13[%swap3A_898, %swap3A_899], %mul3A_897 {strides = array<i32>} : memref<80x80xf32, #tpu.memory_space<vmem>>, vector<16xf32>,
        %get3A_901 = arith.index_cast %add3A_872 : i32 to index
        %get3A_902 = arith.constant 64 : index
        %get3A_903 = tpu.vector_load %arg13[%get3A_901, %get3A_902] {strides = array<i32>} : memref<80x80xf32, #tpu.memory_space<vmem>>, vector<16xf32>,
        %mul3A_904 = arith.mulf %get3A_903, %gather3A_868 : vector<16xf32>
        %swap3A_905 = arith.index_cast %add3A_872 : i32 to index
        %swap3A_906 = arith.constant 64 : index
        %swap3A_907 = tpu.vector_load %arg13[%swap3A_905, %swap3A_906] {strides = array<i32>} : memref<80x80xf32, #tpu.memory_space<vmem>>, vector<16xf32>,
        tpu.vector_store %arg13[%swap3A_905, %swap3A_906], %mul3A_904 {strides = array<i32>} : memref<80x80xf32, #tpu.memory_space<vmem>>, vector<16xf32>,
        %broadcast_in_dim3A_908 = arith.constant 15 : i32
        %broadcast_in_dim3A_909 = vector.broadcast %broadcast_in_dim3A_908 : i32 to vector<16xi32>
        %lt3A_910 = arith.constant 0 : i32
        %lt3A_911 = vector.broadcast %lt3A_910 : i32 to vector<16xi32>
        %lt3A_912 = arith.cmpi slt, %broadcast_in_dim3A_909, %lt3A_911 : vector<16xi32>
        %add3A_913 = arith.constant 16 : i32
        %add3A_914 = vector.broadcast %add3A_913 : i32 to vector<16xi32>
        %add3A_915 = arith.addi %broadcast_in_dim3A_909, %add3A_914 : vector<16xi32>
        %select_n3A_916 = arith.select %lt3A_912, %add3A_915, %broadcast_in_dim3A_909 : vector<16xi1>, vector<16xi32>
        %reshape3A_917 = vector.shape_cast %select_n3A_916 : vector<16xi32> to vector<16x1xi32>
        %gather3A_918 = vector.shape_cast %reshape3A_917 : vector<16x1xi32> to vector<16xi32>
        %gather3A_919 = tpu.dynamic_gather %exp3A[%gather3A_918] in [0] : vector<16xf32>, vector<16xi32> -> vector<16xf32>
        %mul3A_920 = arith.constant 16 : i32
        %mul3A_921 = arith.muli %scan3A_128, %mul3A_920 : i32
        %add3A_922 = arith.constant 15 : i32
        %add3A_923 = arith.addi %mul3A_921, %add3A_922 : i32
        %get3A_924 = arith.index_cast %add3A_923 : i32 to index
        %get3A_925 = arith.constant 0 : index
        %get3A_926 = tpu.vector_load %arg13[%get3A_924, %get3A_925] {strides = array<i32>} : memref<80x80xf32, #tpu.memory_space<vmem>>, vector<16xf32>,
        %mul3A_927 = arith.mulf %get3A_926, %gather3A_919 : vector<16xf32>
        %swap3A_928 = arith.index_cast %add3A_923 : i32 to index
        %swap3A_929 = arith.constant 0 : index
        %swap3A_930 = tpu.vector_load %arg13[%swap3A_928, %swap3A_929] {strides = array<i32>} : memref<80x80xf32, #tpu.memory_space<vmem>>, vector<16xf32>,
        tpu.vector_store %arg13[%swap3A_928, %swap3A_929], %mul3A_927 {strides = array<i32>} : memref<80x80xf32, #tpu.memory_space<vmem>>, vector<16xf32>,
        %get3A_931 = arith.index_cast %add3A_923 : i32 to index
        %get3A_932 = arith.constant 16 : index
        %get3A_933 = tpu.vector_load %arg13[%get3A_931, %get3A_932] {strides = array<i32>} : memref<80x80xf32, #tpu.memory_space<vmem>>, vector<16xf32>,
        %mul3A_934 = arith.mulf %get3A_933, %gather3A_919 : vector<16xf32>
        %swap3A_935 = arith.index_cast %add3A_923 : i32 to index
        %swap3A_936 = arith.constant 16 : index
        %swap3A_937 = tpu.vector_load %arg13[%swap3A_935, %swap3A_936] {strides = array<i32>} : memref<80x80xf32, #tpu.memory_space<vmem>>, vector<16xf32>,
        tpu.vector_store %arg13[%swap3A_935, %swap3A_936], %mul3A_934 {strides = array<i32>} : memref<80x80xf32, #tpu.memory_space<vmem>>, vector<16xf32>,
        %get3A_938 = arith.index_cast %add3A_923 : i32 to index
        %get3A_939 = arith.constant 32 : index
        %get3A_940 = tpu.vector_load %arg13[%get3A_938, %get3A_939] {strides = array<i32>} : memref<80x80xf32, #tpu.memory_space<vmem>>, vector<16xf32>,
        %mul3A_941 = arith.mulf %get3A_940, %gather3A_919 : vector<16xf32>
        %swap3A_942 = arith.index_cast %add3A_923 : i32 to index
        %swap3A_943 = arith.constant 32 : index
        %swap3A_944 = tpu.vector_load %arg13[%swap3A_942, %swap3A_943] {strides = array<i32>} : memref<80x80xf32, #tpu.memory_space<vmem>>, vector<16xf32>,
        tpu.vector_store %arg13[%swap3A_942, %swap3A_943], %mul3A_941 {strides = array<i32>} : memref<80x80xf32, #tpu.memory_space<vmem>>, vector<16xf32>,
        %get3A_945 = arith.index_cast %add3A_923 : i32 to index
        %get3A_946 = arith.constant 48 : index
        %get3A_947 = tpu.vector_load %arg13[%get3A_945, %get3A_946] {strides = array<i32>} : memref<80x80xf32, #tpu.memory_space<vmem>>, vector<16xf32>,
        %mul3A_948 = arith.mulf %get3A_947, %gather3A_919 : vector<16xf32>
        %swap3A_949 = arith.index_cast %add3A_923 : i32 to index
        %swap3A_950 = arith.constant 48 : index
        %swap3A_951 = tpu.vector_load %arg13[%swap3A_949, %swap3A_950] {strides = array<i32>} : memref<80x80xf32, #tpu.memory_space<vmem>>, vector<16xf32>,
        tpu.vector_store %arg13[%swap3A_949, %swap3A_950], %mul3A_948 {strides = array<i32>} : memref<80x80xf32, #tpu.memory_space<vmem>>, vector<16xf32>,
        %get3A_952 = arith.index_cast %add3A_923 : i32 to index
        %get3A_953 = arith.constant 64 : index
        %get3A_954 = tpu.vector_load %arg13[%get3A_952, %get3A_953] {strides = array<i32>} : memref<80x80xf32, #tpu.memory_space<vmem>>, vector<16xf32>,
        %mul3A_955 = arith.mulf %get3A_954, %gather3A_919 : vector<16xf32>
        %swap3A_956 = arith.index_cast %add3A_923 : i32 to index
        %swap3A_957 = arith.constant 64 : index
        %swap3A_958 = tpu.vector_load %arg13[%swap3A_956, %swap3A_957] {strides = array<i32>} : memref<80x80xf32, #tpu.memory_space<vmem>>, vector<16xf32>,
        tpu.vector_store %arg13[%swap3A_956, %swap3A_957], %mul3A_955 {strides = array<i32>} : memref<80x80xf32, #tpu.memory_space<vmem>>, vector<16xf32>,
      }
      %scan3A_104 = arith.constant 5 : i32
      %dma_wait3A_105 = arith.constant 0 : i32
      %dma_wait3A_106 = arith.constant 0 : i32
      %dma_wait3A_107 = tpu.memref_slice %arg8[%dma_wait3A_105, %dma_wait3A_106] : memref<250x80xi32, #tpu.memory_space<vmem>> -> memref<1x80xi32, #tpu.memory_space<vmem>>
      %dma_wait3A_108 = tpu.memref_squeeze %dma_wait3A_107 : memref<1x80xi32, #tpu.memory_space<vmem>> -> memref<80xi32, #tpu.memory_space<vmem>>
      %dma_wait3A_109 = arith.constant 0 : i32
      %dma_wait3A_110 = arith.constant 0 : i32
      %dma_wait3A_111 = tpu.memref_slice %arg6[%arg0, %dma_wait3A_109, %dma_wait3A_110] : memref<2x10000x80xf32, #tpu.memory_space<hbm>> -> memref<1x10000x80xf32, #tpu.memory_space<hbm>>
      %dma_wait3A_112 = tpu.memref_squeeze %dma_wait3A_111 : memref<1x10000x80xf32, #tpu.memory_space<hbm>> -> memref<10000x80xf32, #tpu.memory_space<hbm>>
      %dma_wait3A_113 = arith.constant 0 : i32
      %dma_wait3A_114 = arith.constant 0 : i32
      %dma_wait3A_115 = tpu.memref_slice %dma_wait3A_112[%dma_wait3A_113, %dma_wait3A_114] : memref<10000x80xf32, #tpu.memory_space<hbm>> -> memref<10000x80xf32, #tpu.memory_space<hbm>>
      tpu.wait_indirect_dma semaphore(%arg17 : memref<!tpu.dma_semaphore, #tpu.memory_space<semaphore_mem>>) src(%dma_wait3A_115 : memref<10000x80xf32, #tpu.memory_space<hbm>>) dst(%arg12 : memref<80x80xf32, #tpu.memory_space<vmem>>)
      %add3A_116 = arith.constant 1 : i32
      %add3A_117 = arith.addi %scan3A_48, %add3A_116 : i32
      %lt3A = arith.constant 125 : i32
      %lt3A_118 = arith.cmpi slt, %add3A_117, %lt3A : i32
      %convert_element_type3A_119 = arith.extui %lt3A_118 : i1 to i32
      %cond3A_120 = arith.constant 0 : i32
      %cond3A_121 = arith.cmpi ne, %convert_element_type3A_119, %cond3A_120 : i32
      scf.if %cond3A_121 {
        %add3A_128 = arith.constant 2 : i32
        %add3A_129 = arith.addi %mul3A_50, %add3A_128 : i32
        %dma_start3A_130 = arith.constant 0 : i32
        %dma_start3A_131 = tpu.memref_slice %arg8[%add3A_129, %dma_start3A_130] : memref<250x80xi32, #tpu.memory_space<vmem>> -> memref<1x80xi32, #tpu.memory_space<vmem>>
        %dma_start3A_132 = tpu.memref_squeeze %dma_start3A_131 : memref<1x80xi32, #tpu.memory_space<vmem>> -> memref<80xi32, #tpu.memory_space<vmem>>
        %dma_start3A_133 = arith.constant 0 : i32
        %dma_start3A_134 = arith.constant 0 : i32
        %dma_start3A_135 = tpu.memref_slice %arg6[%arg0, %dma_start3A_133, %dma_start3A_134] : memref<2x10000x80xf32, #tpu.memory_space<hbm>> -> memref<1x10000x80xf32, #tpu.memory_space<hbm>>
        %dma_start3A_136 = tpu.memref_squeeze %dma_start3A_135 : memref<1x10000x80xf32, #tpu.memory_space<hbm>> -> memref<10000x80xf32, #tpu.memory_space<hbm>>
        %dma_start3A_137 = arith.constant 0 : i32
        %dma_start3A_138 = arith.constant 0 : i32
        %dma_start3A_139 = tpu.memref_slice %dma_start3A_136[%dma_start3A_137, %dma_start3A_138] : memref<10000x80xf32, #tpu.memory_space<hbm>> -> memref<10000x80xf32, #tpu.memory_space<hbm>>
        tpu.enqueue_indirect_dma source(%dma_start3A_139 : memref<10000x80xf32, #tpu.memory_space<hbm>>) target(%arg12 : memref<80x80xf32, #tpu.memory_space<vmem>>) offsets(%dma_start3A_132 : memref<80xi32, #tpu.memory_space<vmem>>) semaphore(%arg15 : memref<!tpu.dma_semaphore, #tpu.memory_space<semaphore_mem>>)
      } else {
      }
      %dma_start3A_122 = arith.constant 0 : i32
      %dma_start3A_123 = tpu.memref_slice %arg9[%add3A_52, %dma_start3A_122] : memref<250x80xi32, #tpu.memory_space<vmem>> -> memref<1x80xi32, #tpu.memory_space<vmem>>
      %dma_start3A_124 = tpu.memref_squeeze %dma_start3A_123 : memref<1x80xi32, #tpu.memory_space<vmem>> -> memref<80xi32, #tpu.memory_space<vmem>>
      %dma_start3A_125 = arith.constant 0 : i32
      %dma_start3A_126 = arith.constant 0 : i32
      %dma_start3A_127 = tpu.memref_slice %arg14[%dma_start3A_125, %dma_start3A_126] : memref<10112x80xf32, #tpu.memory_space<vmem_shared>> -> memref<10112x80xf32, #tpu.memory_space<vmem_shared>>
      tpu.enqueue_indirect_dma source(%arg13 : memref<80x80xf32, #tpu.memory_space<vmem>>) target(%dma_start3A_127 : memref<10112x80xf32, #tpu.memory_space<vmem_shared>>) offsets(%dma_start3A_124 : memref<80xi32, #tpu.memory_space<vmem>>) semaphore(%arg18 : memref<!tpu.dma_semaphore, #tpu.memory_space<semaphore_mem>>) {add = true}
    }
    %scan3A_36 = arith.constant 125 : i32
    %dma_wait3A = arith.constant 0 : i32
    %dma_wait3A_37 = arith.constant 0 : i32
    %dma_wait3A_38 = tpu.memref_slice %arg8[%dma_wait3A, %dma_wait3A_37] : memref<250x80xi32, #tpu.memory_space<vmem>> -> memref<1x80xi32, #tpu.memory_space<vmem>>
    %dma_wait3A_39 = tpu.memref_squeeze %dma_wait3A_38 : memref<1x80xi32, #tpu.memory_space<vmem>> -> memref<80xi32, #tpu.memory_space<vmem>>
    %dma_wait3A_40 = arith.constant 0 : i32
    %dma_wait3A_41 = arith.constant 0 : i32
    %dma_wait3A_42 = tpu.memref_slice %arg6[%arg0, %dma_wait3A_40, %dma_wait3A_41] : memref<2x10000x80xf32, #tpu.memory_space<hbm>> -> memref<1x10000x80xf32, #tpu.memory_space<hbm>>
    %dma_wait3A_43 = tpu.memref_squeeze %dma_wait3A_42 : memref<1x10000x80xf32, #tpu.memory_space<hbm>> -> memref<10000x80xf32, #tpu.memory_space<hbm>>
    %dma_wait3A_44 = arith.constant 0 : i32
    %dma_wait3A_45 = arith.constant 0 : i32
    %dma_wait3A_46 = tpu.memref_slice %dma_wait3A_43[%dma_wait3A_44, %dma_wait3A_45] : memref<10000x80xf32, #tpu.memory_space<hbm>> -> memref<10000x80xf32, #tpu.memory_space<hbm>>
    tpu.wait_indirect_dma semaphore(%arg18 : memref<!tpu.dma_semaphore, #tpu.memory_space<semaphore_mem>>) src(%dma_wait3A_46 : memref<10000x80xf32, #tpu.memory_space<hbm>>) dst(%arg13 : memref<80x80xf32, #tpu.memory_space<vmem>>)
    %barrier3A_47 = arith.constant 0 : index
    tpu.barrier barrier_id(%barrier3A_47)
    "tpu.region"() ({
      %run_scoped3A = tpu.sem_alloc : memref<!tpu.dma_semaphore, #tpu.memory_space<semaphore_mem>>
      %dma_start3A_48 = arith.constant 0 : i32
      %dma_start3A_49 = tpu.memref_slice %arg7[%arg0, %mul3A_5, %dma_start3A_48] : memref<2x10112x80xf32, #tpu.memory_space<hbm>> -> memref<1x632x80xf32, #tpu.memory_space<hbm>>
      %dma_start3A_50 = tpu.memref_squeeze %dma_start3A_49 : memref<1x632x80xf32, #tpu.memory_space<hbm>> -> memref<632x80xf32, #tpu.memory_space<hbm>>
      %dma_start3A_51 = arith.constant 0 : i32
      %dma_start3A_52 = tpu.memref_slice %arg14[%mul3A_5, %dma_start3A_51] : memref<10112x80xf32, #tpu.memory_space<vmem_shared>> -> memref<632x80xf32, #tpu.memory_space<vmem_shared>>
      tpu.enqueue_dma source(%dma_start3A_52 : memref<632x80xf32, #tpu.memory_space<vmem_shared>>) target(%dma_start3A_50 : memref<632x80xf32, #tpu.memory_space<hbm>>) target_semaphore(%run_scoped3A : memref<!tpu.dma_semaphore, #tpu.memory_space<semaphore_mem>>)
      %dma_wait3A_53 = arith.constant 0 : i32
      %dma_wait3A_54 = tpu.memref_slice %arg7[%arg0, %mul3A_5, %dma_wait3A_53] : memref<2x10112x80xf32, #tpu.memory_space<hbm>> -> memref<1x632x80xf32, #tpu.memory_space<hbm>>
      %dma_wait3A_55 = tpu.memref_squeeze %dma_wait3A_54 : memref<1x632x80xf32, #tpu.memory_space<hbm>> -> memref<632x80xf32, #tpu.memory_space<hbm>>
      %dma_wait3A_56 = arith.constant 0 : i32
      %dma_wait3A_57 = tpu.memref_slice %arg14[%mul3A_5, %dma_wait3A_56] : memref<10112x80xf32, #tpu.memory_space<vmem_shared>> -> memref<632x80xf32, #tpu.memory_space<vmem_shared>>
      tpu.wait_dma2 semaphore(%run_scoped3A : memref<!tpu.dma_semaphore, #tpu.memory_space<semaphore_mem>>) src(%dma_wait3A_57 : memref<632x80xf32, #tpu.memory_space<vmem_shared>>) dst(%dma_wait3A_55 : memref<632x80xf32, #tpu.memory_space<hbm>>)
      tpu.yield
    }) : () -> ()
    return
  }
}

module attributes {stable_mosaic.version = 14 : i64} {
  func.func @_stage1_body(%arg0: i32, %arg1: memref<400x128xf32, #tpu.memory_space<vmem>>, %arg2: memref<128x128xf32, #tpu.memory_space<vmem>>, %arg3: memref<128x2xf32, #tpu.memory_space<vmem>>, %arg4: memref<2x400x80xf32, #tpu.memory_space<vmem>>, %arg5: memref<400x2xf32, #tpu.memory_space<vmem>>) attributes {dimension_semantics = [#tpu.dimension_semantics<arbitrary>], iteration_bounds = array<i64: 25>, scalar_prefetch = 0 : i64, scratch_operands = 0 : i64, tpu.core_type = #tpu.core_type<tc>, window_params = [{transform_indices = @transform_0, window_bounds = array<i64: 400, 128>}, {pipeline_mode = #tpu.pipeline_mode<synchronous>, transform_indices = @transform_1, window_bounds = array<i64: 128, 128>}, {pipeline_mode = #tpu.pipeline_mode<synchronous>, transform_indices = @transform_2, window_bounds = array<i64: 128, 2>}, {transform_indices = @transform_3, window_bounds = array<i64: 2, 400, 80>}, {transform_indices = @transform_4, window_bounds = array<i64: 400, 2>}]} {
    %get3A = arith.constant 0 : index
    %get3A_0 = arith.constant 0 : index
    %get3A_1 = vector.load %arg1[%get3A, %get3A_0] : memref<400x128xf32, #tpu.memory_space<vmem>>, vector<400x128xf32>
    %get3A_2 = arith.constant 0 : index
    %get3A_3 = arith.constant 0 : index
    %get3A_4 = vector.load %arg2[%get3A_2, %get3A_3] : memref<128x128xf32, #tpu.memory_space<vmem>>, vector<128x128xf32>
    %dot_general3A = arith.constant dense<0.000000e+00> : vector<400x128xf32>
    %dot_general3A_5 = tpu.matmul %get3A_1, %get3A_4, %dot_general3A {dimension_numbers = #tpu.dot_dimension_numbers<[1], [0], [0], [1], [0, 0, 1, 1], [], []>, transpose_lhs_hint = false} : vector<400x128xf32>, vector<128x128xf32>, vector<400x128xf32> -> vector<400x128xf32>
    %slice3A = vector.extract_strided_slice %dot_general3A_5 {offsets = [0, 0], sizes = [400, 80], strides = [1, 1]} : vector<400x128xf32> to vector<400x80xf32>
    %iota3A = tpu.iota {dimensions = array<i32: 1>} : vector<400x32xi32>
    %eq3A = arith.constant 0 : i32
    %eq3A_6 = vector.broadcast %eq3A : i32 to vector<400x32xi32>
    %eq3A_7 = arith.cmpi eq, %iota3A, %eq3A_6 : vector<400x32xi32>
    %jit3A = arith.constant 1.000000e+00 : f32
    %jit3A_8 = arith.constant 0.000000e+00 : f32
    %broadcast_in_dim3A = vector.broadcast %jit3A : f32 to vector<400x32xf32>
    %broadcast_in_dim3A_9 = vector.broadcast %jit3A_8 : f32 to vector<400x32xf32>
    %select_n3A = arith.select %eq3A_7, %broadcast_in_dim3A, %broadcast_in_dim3A_9 : vector<400x32xi1>, vector<400x32xf32>
    %slice3A_10 = vector.extract_strided_slice %dot_general3A_5 {offsets = [0, 80], sizes = [400, 48], strides = [1, 1]} : vector<400x128xf32> to vector<400x48xf32>
    %concatenate3A = tpu.concatenate %slice3A_10, %select_n3A in 1 : vector<400x48xf32>, vector<400x32xf32> -> vector<400x80xf32>
    %stack3A = vector.shape_cast %slice3A : vector<400x80xf32> to vector<1x400x80xf32>
    %stack3A_11 = vector.shape_cast %concatenate3A : vector<400x80xf32> to vector<1x400x80xf32>
    %stack3A_12 = tpu.concatenate %stack3A, %stack3A_11 in 0 : vector<1x400x80xf32>, vector<1x400x80xf32> -> vector<2x400x80xf32>
    %swap3A = arith.constant 0 : index
    %swap3A_13 = arith.constant 0 : index
    %swap3A_14 = arith.constant 0 : index
    %swap3A_15 = vector.load %arg4[%swap3A, %swap3A_13, %swap3A_14] : memref<2x400x80xf32, #tpu.memory_space<vmem>>, vector<2x400x80xf32>
    tpu.vector_store %arg4[%swap3A, %swap3A_13, %swap3A_14], %stack3A_12 {strides = array<i32>} : memref<2x400x80xf32, #tpu.memory_space<vmem>>, vector<2x400x80xf32>,
    %get3A_16 = arith.constant 0 : index
    %get3A_17 = arith.constant 0 : index
    %get3A_18 = vector.load %arg3[%get3A_16, %get3A_17] : memref<128x2xf32, #tpu.memory_space<vmem>>, vector<128x2xf32>
    %dot_general3A_19 = arith.constant dense<0.000000e+00> : vector<400x2xf32>
    %dot_general3A_20 = tpu.matmul %dot_general3A_5, %get3A_18, %dot_general3A_19 {dimension_numbers = #tpu.dot_dimension_numbers<[1], [0], [0], [1], [0, 0, 1, 1], [], []>, transpose_lhs_hint = false} : vector<400x128xf32>, vector<128x2xf32>, vector<400x2xf32> -> vector<400x2xf32>
    %swap3A_21 = arith.constant 0 : index
    %swap3A_22 = arith.constant 0 : index
    %swap3A_23 = vector.load %arg5[%swap3A_21, %swap3A_22] : memref<400x2xf32, #tpu.memory_space<vmem>>, vector<400x2xf32>
    tpu.vector_store %arg5[%swap3A_21, %swap3A_22], %dot_general3A_20 {strides = array<i32>} : memref<400x2xf32, #tpu.memory_space<vmem>>, vector<400x2xf32>,
    return
  }
  func.func @transform_0(%arg0: i32) -> (i32, i32) {
    %c0_i32 = arith.constant 0 : i32
    %c0_i32_0 = arith.constant 0 : i32
    return %arg0, %c0_i32 : i32, i32
  }
  func.func @transform_1(%arg0: i32) -> (i32, i32) {
    %c0_i32 = arith.constant 0 : i32
    %c0_i32_0 = arith.constant 0 : i32
    %c0_i32_1 = arith.constant 0 : i32
    return %c0_i32, %c0_i32_0 : i32, i32
  }
  func.func @transform_2(%arg0: i32) -> (i32, i32) {
    %c0_i32 = arith.constant 0 : i32
    %c0_i32_0 = arith.constant 0 : i32
    %c0_i32_1 = arith.constant 0 : i32
    return %c0_i32, %c0_i32_0 : i32, i32
  }
  func.func @transform_3(%arg0: i32) -> (i32, i32, i32) {
    %c0_i32 = arith.constant 0 : i32
    %c0_i32_0 = arith.constant 0 : i32
    %c0_i32_1 = arith.constant 0 : i32
    return %c0_i32, %arg0, %c0_i32_0 : i32, i32, i32
  }
  func.func @transform_4(%arg0: i32) -> (i32, i32) {
    %c0_i32 = arith.constant 0 : i32
    %c0_i32_0 = arith.constant 0 : i32
    return %arg0, %c0_i32 : i32, i32
  }
}

module attributes {stable_mosaic.version = 14 : i64} {
  func.func @_stage3_body(%arg0: i32, %arg1: memref<2x632x80xf32, #tpu.memory_space<vmem>>, %arg2: memref<1x128xf32, #tpu.memory_space<vmem>>, %arg3: memref<632x128xf32, #tpu.memory_space<vmem>>) attributes {dimension_semantics = [#tpu.dimension_semantics<arbitrary>], iteration_bounds = array<i64: 16>, scalar_prefetch = 0 : i64, scratch_operands = 0 : i64, tpu.core_type = #tpu.core_type<tc>, window_params = [{transform_indices = @transform_0, window_bounds = array<i64: 2, 632, 80>}, {pipeline_mode = #tpu.pipeline_mode<synchronous>, transform_indices = @transform_1, window_bounds = array<i64: 1, 128>}, {transform_indices = @transform_2, window_bounds = array<i64: 632, 128>}]} {
    %get3A = arith.constant 0 : index
    %get3A_0 = arith.constant 0 : index
    %get3A_1 = arith.constant 0 : index
    %get3A_2 = vector.load %arg1[%get3A, %get3A_0, %get3A_1] : memref<2x632x80xf32, #tpu.memory_space<vmem>>, vector<1x632x80xf32>
    %get3A_3 = vector.shape_cast %get3A_2 : vector<1x632x80xf32> to vector<632x80xf32>
    %get3A_4 = arith.constant 1 : index
    %get3A_5 = arith.constant 0 : index
    %get3A_6 = arith.constant 0 : index
    %get3A_7 = vector.load %arg1[%get3A_4, %get3A_5, %get3A_6] : memref<2x632x80xf32, #tpu.memory_space<vmem>>, vector<1x632x80xf32>
    %get3A_8 = vector.shape_cast %get3A_7 : vector<1x632x80xf32> to vector<632x80xf32>
    %slice3A = vector.extract_strided_slice %get3A_8 {offsets = [0, 0], sizes = [632, 48], strides = [1, 1]} : vector<632x80xf32> to vector<632x48xf32>
    %concatenate3A = tpu.concatenate %get3A_3, %slice3A in 1 : vector<632x80xf32>, vector<632x48xf32> -> vector<632x128xf32>
    %slice3A_9 = vector.extract_strided_slice %get3A_8 {offsets = [0, 48], sizes = [632, 1], strides = [1, 1]} : vector<632x80xf32> to vector<632x1xf32>
    %add3A = arith.constant 1.000000e-16 : f32
    %add3A_10 = vector.broadcast %add3A : f32 to vector<632x1xf32>
    %add3A_11 = arith.addf %slice3A_9, %add3A_10 : vector<632x1xf32>
    %div3A = vector.broadcast %add3A_11 : vector<632x1xf32> to vector<632x128xf32>
    %div3A_12 = arith.divf %concatenate3A, %div3A : vector<632x128xf32>
    %get3A_13 = arith.constant 0 : index
    %get3A_14 = arith.constant 0 : index
    %get3A_15 = vector.load %arg2[%get3A_13, %get3A_14] : memref<1x128xf32, #tpu.memory_space<vmem>>, vector<1x128xf32>
    %add3A_16 = vector.broadcast %get3A_15 : vector<1x128xf32> to vector<632x128xf32>
    %add3A_17 = arith.addf %div3A_12, %add3A_16 : vector<632x128xf32>
    %max3A = arith.constant 0.000000e+00 : f32
    %max3A_18 = vector.broadcast %max3A : f32 to vector<632x128xf32>
    %max3A_19 = arith.maximumf %add3A_17, %max3A_18 : vector<632x128xf32>
    %swap3A = arith.constant 0 : index
    %swap3A_20 = arith.constant 0 : index
    %swap3A_21 = vector.load %arg3[%swap3A, %swap3A_20] : memref<632x128xf32, #tpu.memory_space<vmem>>, vector<632x128xf32>
    tpu.vector_store %arg3[%swap3A, %swap3A_20], %max3A_19 {strides = array<i32>} : memref<632x128xf32, #tpu.memory_space<vmem>>, vector<632x128xf32>,
    return
  }
  func.func @transform_0(%arg0: i32) -> (i32, i32, i32) {
    %c0_i32 = arith.constant 0 : i32
    %c0_i32_0 = arith.constant 0 : i32
    %c0_i32_1 = arith.constant 0 : i32
    return %c0_i32, %arg0, %c0_i32_0 : i32, i32, i32
  }
  func.func @transform_1(%arg0: i32) -> (i32, i32) {
    %c0_i32 = arith.constant 0 : i32
    %c0_i32_0 = arith.constant 0 : i32
    %c0_i32_1 = arith.constant 0 : i32
    return %c0_i32, %c0_i32_0 : i32, i32
  }
  func.func @transform_2(%arg0: i32) -> (i32, i32) {
    %c0_i32 = arith.constant 0 : i32
    %c0_i32_0 = arith.constant 0 : i32
    return %arg0, %c0_i32 : i32, i32
  }
}

</mosaic_0001>

<sc_bundles>
// kernel: kernel.5.cloned.1.call-start
scs
__scs_entry_jumppad:
0x0: {  	(pc) =	sbr.rel $0x88, $3  }
0x1: {  	(tag) =	ssettag $0x0;
	lr =	simm.s32 $0x1  }
0x2: {  	[smem:$0x3F9B] =	sst lr;
	_ =	strace $0xD0000000  }
0x3: {  	_ = 	snop  }
0x4: {  	_ = 	snop  }
0x5: {  	_ = 	snop  }
0x6: {  	_ = 	snop  }
0x7: {  	_ = 	snop  }
__scs_overlays_trampoline_lowered:
0x8: {  	[smem:$0x3FAA] =	sst s0  }
0x9: {  	[smem:$0x3FAB] =	sst s1  }
0xa: {  	[smem:$0x3FAC] =	sst s2  }
0xb: {  	[smem:$0x3FAD] =	sst s3  }
0xc: {  	[smem:$0x3FAE] =	sst s4  }
0xd: {  	[smem:$0x3FAF] =	sst s5  }
0xe: {  	[smem:$0x3FB0] =	sst s6  }
0xf: {  	[smem:$0x3FB1] =	sst s7  }
0x10: {  	[smem:$0x3FB2] =	sst s8  }
0x11: {  	[smem:$0x3FB3] =	sst s9;
	s0 =	simm.s32 @!p0 $0x0  }
0x12: {  	s1 =	sld [smem:$0x3F99];
	s0 =	simm.s32 @p0 $0x1  }
0x13: {  	[smem:$0x3FB4] =	sst s0;
	s0 =	simm.s32 @!p1 $0x0  }
0x14: {  	s2 =	sld [smem:$0x3F98];
	s0 =	simm.s32 @p1 $0x1  }
0x15: {  	[smem:$0x3FB5] =	sst s0;
	s0 =	simm.s32 @!p2 $0x0  }
0x16: {  	s3 =	sld [smem:$0x3FDB];
	s0 =	simm.s32 @p2 $0x1  }
0x17: {  	s4 =	simm.s32 $0x1BF5;
	[smem:$0x3FB7] =	sst s0  }
0x18: {  	s0 =	sld [smem:$0x3F9A];
	_ =	swait.ge [sflag:s4], $0x0  }
0x19: {  	s7 =	sld [smem:$0x3F9B]  }
0x1a: {  	s8 =	sadd.s32 $0xFFFFE003, lr  }
0x1b: {  	s9 =	sadd.s32 $0xFFFFFEF7, lr;
	s5 =	simm.s32 $0xFFFFFFFF;
	p2 =	slt.u32 s8, $0xFFFFF086  }
0x1c: {  	p1 =	slt.u32 s9, $0xF7A;
	s5 =	simm.s32 @!p2 $0x0  }
0x1d: {  	s5 =	simm.s32 @p1 $0x1;
	p0 =	seq.s32 s7, s2  }
0x1e: {  	s7 =	smul.u32 @!p0 $0xF7A, s2;
	p2 =	seq.s32 @!p0 s5, $0x0  }
0x1f: {  	s9 =	smul.u32 $0xF7A, s1;
	s8 =	simm.s32 @!p0 $0x1BF5;
	p2 =	por !p2, p0  }
0x20: {  	[sflag:s8] =	ssyncset.s32 @!p0 $0xFFFFF086;
	s6 =	sadd.s32 @!p0 s3, s7;
	s7 =	simm.s32 @!p0 $0x108  }
0x21: {  	s3 =	sadd.s32 s3, s9;
	s6 =	sadd.s32 @!p0 $0x88, s6;
	s7 =	simm.s32 @p2 $0x1082  }
0x22: {  	[simem:s7], [sflag:s8] =	dma.local @!p0 [hbm:s6], $0xF7A  }
0x23: {  	s9 =	sor.u32 $0xD0000000, s2;
	s6 =	simm.s32 $0x108;
	_ =	swait.ge @!p0 [sflag:s8], $0x0  }
0x24: {  	s3 =	sadd.s32 $0x88, s3;
	s6 =	simm.s32 @!p1 $0x1082;
	[sflag:s4] =	ssyncset.s32 $0xFFFFF086  }
0x25: {  	[simem:s6], [sflag:s4] =	dma.local [hbm:s3], $0xF7A  }
0x26: {  	[smem:$0x3F9B] =	sst s1;
	(tag) =	ssettag s2;
	_ =	strace s9  }
0x27: {  	s1 =	sld [smem:$0x3FAB]  }
0x28: {  	s2 =	sld [smem:$0x3FAC]  }
0x29: {  	s4 =	sld [smem:$0x3FAE]  }
0x2a: {  	p0 =	seq.s32 s5, $0x0;
	s5 =	sld [smem:$0x3FAF]  }
0x2b: {  	s6 =	sld [smem:$0x3FB0]  }
0x2c: {  	s7 =	sld [smem:$0x3FB1]  }
0x2d: {  	s3 =	simm.s32 $0x108;
	s8 =	sld [smem:$0x3FB2]  }
0x2e: {  	s3 =	simm.s32 @!p0 $0x1082;
	s9 =	sld [smem:$0x3FB3]  }
0x2f: {  	lr =	sadd.s32 s0, s3;
	s0 =	sld [smem:$0x3FAA]  }
0x30: {  	s3 =	sld [smem:$0x3FAD]  }
0x31: {  	[smem:$0x3FB6] =	sst s10  }
0x32: {  	s10 =	sld [smem:$0x3FB4];
	_ =	sdelay $0x3  }
0x33: {  	p0 =	seq.s32 s10, $0x1;
	s10 =	sld [smem:$0x3FB6];
	_ =	sdelay $0x3  }
0x34: {  	[smem:$0x3FB6] =	sst s10  }
0x35: {  	s10 =	sld [smem:$0x3FB5];
	_ =	sdelay $0x3  }
0x36: {  	p1 =	seq.s32 s10, $0x1;
	s10 =	sld [smem:$0x3FB6];
	_ =	sdelay $0x3  }
0x37: {  	[smem:$0x3FB6] =	sst s10  }
0x38: {  	s10 =	sld [smem:$0x3FB7]  }
0x39: {  	_ = 	snop;
	(pc) =	sbr.ind lr, $3  }
0x3a: {  	_ = 	snop  }
0x3b: {  	_ = 	snop  }
0x3c: {  	p2 =	seq.s32 s10, $0x1;
	s10 =	sld [smem:$0x3FB6]  }
0x3d: {  	_ =	shalt  }
0x3e: {  	_ =	shalt  }
0x3f: {  	_ =	shalt  }
0x40: {  	_ =	shalt  }
0x41: {  	_ =	shalt  }
0x42: {  	_ =	shalt  }
0x43: {  	_ =	shalt  }
0x44: {  	_ =	shalt  }
0x45: {  	_ =	shalt  }
0x46: {  	_ =	shalt  }
0x47: {  	_ =	shalt  }
0x48: {  	_ =	shalt  }
0x49: {  	_ =	shalt  }
0x4a: {  	_ =	shalt  }
0x4b: {  	_ =	shalt  }
0x4c: {  	_ =	shalt  }
0x4d: {  	_ =	shalt  }
0x4e: {  	_ =	shalt  }
0x4f: {  	_ =	shalt  }
0x50: {  	_ =	shalt  }
0x51: {  	_ =	shalt  }
0x52: {  	_ =	shalt  }
0x53: {  	_ =	shalt  }
0x54: {  	_ =	shalt  }
0x55: {  	_ =	shalt  }
0x56: {  	_ =	shalt  }
0x57: {  	_ =	shalt  }
0x58: {  	_ =	shalt  }
0x59: {  	_ =	shalt  }
0x5a: {  	_ =	shalt  }
0x5b: {  	_ =	shalt  }
0x5c: {  	_ =	shalt  }
0x5d: {  	_ =	shalt  }
0x5e: {  	_ =	shalt  }
0x5f: {  	_ =	shalt  }
0x60: {  	_ =	shalt  }
0x61: {  	_ =	shalt  }
0x62: {  	_ =	shalt  }
0x63: {  	_ =	shalt  }
0x64: {  	_ =	shalt  }
0x65: {  	_ =	shalt  }
0x66: {  	_ =	shalt  }
0x67: {  	_ =	shalt  }
0x68: {  	_ =	shalt  }
0x69: {  	_ =	shalt  }
0x6a: {  	_ =	shalt  }
0x6b: {  	_ =	shalt  }
0x6c: {  	_ =	shalt  }
0x6d: {  	_ =	shalt  }
0x6e: {  	_ =	shalt  }
0x6f: {  	_ =	shalt  }
0x70: {  	_ =	shalt  }
0x71: {  	_ =	shalt  }
0x72: {  	_ =	shalt  }
0x73: {  	_ =	shalt  }
0x74: {  	_ =	shalt  }
0x75: {  	_ =	shalt  }
0x76: {  	_ =	shalt  }
0x77: {  	_ =	shalt  }
0x78: {  	_ =	shalt  }
0x79: {  	_ =	shalt  }
0x7a: {  	_ =	shalt  }
0x7b: {  	_ =	shalt  }
0x7c: {  	_ =	shalt  }
0x7d: {  	_ =	shalt  }
0x7e: {  	_ =	shalt  }
0x7f: {  	_ =	shalt  }
0x80: {  	_ =	shalt  }
0x81: {  	_ =	shalt  }
0x82: {  	_ =	shalt  }
0x83: {  	_ =	shalt  }
0x84: {  	_ =	shalt  }
0x85: {  	_ =	shalt  }
0x86: {  	_ =	shalt  }
0x87: {  	_ =	shalt  }
.Lfunc_end0:
.L_simem_size_0:
called_computation_lowered:
.L_overlay_start_0:
0x88: {  	s2 =	sld [smem:$0x3FD9]  }
0x89: {  	s3 =	sld [smem:$0x3FFE];
	_ =	sdelay $0x1  }
0x8a: {  	s1 =	srdreg.scid  }
0x8b: {  	s0 =	sand.u32 $0x1, s1  }
0x8c: {  	s17 =	sshll.u32 s0, $0xA;
	s2 =	sadd.s32 s3, s2  }
0x8d: {  	s2 =	sadd.s32 s2, s17  }
0x8e: {  	[smem:$0x3FC2] =	sst s2  }
0x8f: {  	_ = 	snop  }
0x90: {  	s2 =	sld [smem:$0x3FD0];
	(tm) =	ssettm $0x1  }
0x91: {  	s18 =	sld [smem:$0x3FFB];
	_ =	sdelay $0x3  }
0x92: {  	_ =	strace s18  }
0x93: {  	s3 =	sld [smem:$0x3FFC];
	_ =	sdelay $0x3  }
0x94: {  	_ =	strace s3  }
0x95: {  	s3 =	sld [smem:$0x3FFD];
	_ =	sdelay $0x3  }
0x96: {  	_ =	strace s3  }
0x97: {  	_ =	strace $0x8FFFFFFF  }
0x98: {  	s19 =	sld [smem:$0x3FDB];
	_ =	sdelay $0x1  }
0x99: {  	s4 =	simm.s32 $_scs_section_size  }
0x9a: {  	s5 =	simm.s32 $_size__tile_overlayer_lowered;
	s6 =	simm.s32 $_tile_overlayer_lowered  }
0x9b: {  	s22 =	simm.s32 $0x1BFF;
	s21 =	sshll.u32 s6, $0x1;
	s3 =	sadd.s32 s4, s19  }
0x9c: {  	s7 =	simm.s32 $0x0;
	s20 =	sshll.u32 s5, $0x1;
	s5 =	sadd.s32 s21, s3  }
0x9d: {  	[timem:s7], [sflag:s22] =	dma.local [hbm:s5], s20  }
0x9e: {  	_ =	swait.ge [sflag:s22], s20  }
0x9f: {  	s4 =	ssub.s32 $0x0, s20;
	[sflag:s22] =	ssyncset.done $0x0  }
0xa0: {  	[sflag:s22] =	ssyncadd.s32 s4;
	_ =	sdelay $0x1  }
0xa1: {  	s23 =	simm.s32 $0x1B8B  }
0xa2: {  	_ =	swait.ge [sflag:s23], $0x1  }
0xa3: {  	[sflag:s23] =	ssyncset.done $0x0  }
0xa4: {  	s25 =	simm.s32 $0x1B8E;
	s24 =	sld [smem:$0x3FFE];
	[sflag:s23] =	ssyncadd.s32 $0xFFFFFFFF  }
0xa5: {  	s26 =	simm.s32 $execute0_lowered;
	[smem:$0x3FD2] =	sst s25  }
0xa6: {  	s5 =	sshll.u32 s26, $0x1;
	_ =	strace $0x80000046;
	[dreg:$0x1] =	wrdreg $0xFFFFFFFF  }
0xa7: {  	s28 =	simm.s32 $_size_execute0_lowered;
	s3 =	sadd.s32 s3, s5;
	[dreg:$0x0] =	wrdreg $0x0  }
0xa8: {  	s5 =	sshll.u32 s28, $0x1;
	[dreg:$0x2] =	wrdreg s3  }
0xa9: {  	[dreg:$0x3] =	wrdreg s5  }
0xaa: {  	[dreg:$0x4] =	wrdreg $0xC0  }
0xab: {  	_ =	task [dreg:s7], $0x5FFFF  }
0xac: {  	[dreg:$0x1] =	wrdreg $0xFFFFFFFF  }
0xad: {  	[dreg:$0x0] =	wrdreg $0x60  }
0xae: {  	[dreg:$0x2] =	wrdreg s24  }
0xaf: {  	[dreg:$0x3] =	wrdreg s2  }
0xb0: {  	[dreg:$0x4] =	wrdreg $0x11C600  }
0xb1: {  	[dreg:$0x5] =	wrdreg $0x9  }
0xb2: {  	_ =	task.clear_ibuf [dreg:s7], $0x6FFFF;
	_ =	strace $0x90000046  }
0xb3: {  	s29 =	simm.s32 $0x9;
	_ =	strace $0x80000048  }
0xb4: {  	_ =	swait.ge [sflag:s29], $0x1  }
0xb5: {  	[sflag:s29] =	ssyncadd.s32 $0xFFFFFFFF  }
0xb6: {  	_ =	strace $0x90000048  }
0xb7: {  	_ =	sfence  }
0xb8: {  	s30 =	sld [smem:$0x0];
	_ =	sdelay $0x2  }
0xb9: {  	s31 =	sshll.u32 s1, $0xD;
	s1 =	sshrl.u32 s1, $0x2  }
0xba: {  	s3 =	sand.u32 $0x4000, s31;
	s1 =	sadd.s32 s1, s30  }
0xbb: {  	s0 =	sor.u32 s3, s0;
	s1 =	sshll.u32 s1, $0x11  }
0xbc: {  	s0 =	sor.u32 s1, s0  }
0xbd: {  	s0 =	sadd.s32 $0x8F2B, s0  }
0xbe: {  	[sflag:s0] =	ssyncadd.remote.s32 $0x1  }
0xbf: {  	_ =	sfence.sel $0xFFFF  }
0xc0: {  	[dreg:$0x0] =	wrdreg $0xFFFFFFFF;
	(pc) =	sbr.abs _section_cstart, $3  }
0xc1: {  	[dreg:$0x1] =	wrdreg $0xFFFFFFFF  }
0xc2: {  	_ =	task.clear_ibuf [dreg:s7], $0x2FFFF;
	_ =	strace $0x9FFFFFFF  }
0xc3: {  	(tm) =	ssettm $0x7FFFFFFF  }
tec
execute0_lowered:
.L_overlay_start_1:
0x0: {  	(tag) =	ssettag $0x1  }
0x1: {  	s11 =	rddreg [dreg:$0x0]  }
0x2: {  	s0 =	rddreg [dreg:$0x1]  }
0x3: {  	s3 =	rddreg [dreg:$0x2]  }
0x4: {  	s9 =	stileid.u32;
	s2 =	srdreg.scid  }
0x5: {  	s4 =	simm.s32 $0x0;
	s19 =	simm.s32 $0x5;
	s1 =	smul.u32 $0x9C4, s9  }
0x6: {  	s28 =	simm.s32 $0x2;
	s29 =	simm.s32 $0x3;
	s5 =	smul.u32 $0xC580, s9  }
0x7: {  	s30 =	simm.s32 $0x4;
	s2 =	sand.u32 $0x1, s2;
	s9 =	smul.u32 $0x31600, s9  }
0x8: {  	s31 =	simm.s32 $0x0;
	[smem:$0x7FF] =	sst s4;
	s6 =	smul.u32 $0xC5800, s2  }
0x9: {  	s10 =	sadd.s32 $0x600, s11;
	_ =	strace $0x80000047;
	s8 =	smul.u32 $0x186A0, s2  }
0xa: {  	[dreg:$0x4] =	wrdreg s10;
	s2 =	ssub.s32 $0x2, s2;
	s7 =	sadd.s32 s1, s11  }
0xb: {  	s22 =	sshrl.u32 s2, $0x1;
	s9 =	sshrl.u32 s9, $0x2;
	s0 =	sadd.s32 s0, s1  }
0xc: {  	s6 =	sadd.s32 s5, s6;
	s21 =	sadd.s32 s8, s11;
	s2 =	ssub.s32 s2, s22  }
0xd: {  	s7 =	sadd.s32 $0x31A00, s7;
	s23 =	sadd.s32 s9, s3;
	[dreg:$0x6] =	wrdreg s0  }
0xe: {  	s8 =	sadd.s32 s5, s3;
	s22 =	simm.s32 $0xC350;
	s6 =	sshrl.u32 s6, $0x3  }
0xf: {  	[dreg:$0x5] =	wrdreg s7;
	s24 =	sadd.s32 $0x1900, s23;
	s25 =	sadd.s32 $0x3200, s23  }
0x10: {  	v0 =	vimm.f32 $0.0e+00;
	v1 =	vimm.s32 $0x0;
	s26 =	sadd.s32 $0x4B00, s23;
	s12 =	sadd.s32 $0x6400, s23;
	s13 =	sadd.s32 $0x7D00, s23  }
.Ltmp0:
0x11: {  	v2 =	vimm.s32 $0x1;
	v3 =	vimm.s32 $0x2;
	v4 =	vimm.s32 $0x3;
	s14 =	sadd.s32 $0x9600, s23;
	s15 =	sadd.s32 $0xAF00, s23;
	(pc) =	sbr.rel .LBB2_1-.Ltmp0, $4  }
0x12: {  	v5 =	vimm.s32 $0x4;
	v6 =	vimm.s32 $0x5;
	v7 =	vimm.s32 $0x6;
	s16 =	sadd.s32 $0xC00, s21;
	s18 =	smax.u32 s2, $0x1;
	[dreg:$0x7] =	wrdreg s24  }
0x13: {  	v8 =	vimm.s32 $0x7;
	v9 =	vimm.s32 $0x8;
	v10 =	vimm.s32 $0x9;
	s21 =	simm.s32 $0x9C40;
	s23 =	simm.s32 $0xEA60;
	[dreg:$0x8] =	wrdreg s25  }
0x14: {  	v11 =	vimm.s32 $0xA;
	v12 =	vimm.s32 $0xB;
	v13 =	vimm.s32 $0xC;
	s6 =	sadd.s32 s6, s11;
	[dreg:$0x9] =	wrdreg s26;
	s24 =	simm.s32 $0x1  }
0x15: {  	v14 =	vimm.s32 $0xD;
	v15 =	vimm.s32 $0xE;
	v16 =	vimm.s32 $0xF;
	s25 =	simm.s32 $0x50;
	s26 =	simm.s32 $0x10360;
	s17 =	sadd.s32 $0x3B800, s6  }
.LBB2_9:
0x16: {  	s0 =	sadd.s32 $0x4E20, s6  }
0x17: {  	[spmem:s3] =	stream.indirect.scatter.add.f32 [tilespmem:s26], [sflag:$0x4], $0x50, s0, s25, $0xb8;
	[tilespmem:$0x1E1E0] =	vst v63  }
.LBB2_11:
0x18: {  	_ =	swait.ge [sflag:s30], $0x1900;
	s0 =	stileid.u32  }
0x19: {  	s1 =	sshrl.u32 s8, $0x3;
	s31 =	sadd.s32 $0x1, s31;
	[sflag:s30] =	ssyncset.done $0x0  }
0x1a: {  	s0 =	sshll.u32 s0, $0x6;
	p0 =	sne.s32 s31, s18;
	[sflag:s30] =	ssyncadd.s32 $0xFFFFE700  }
.Ltmp1:
0x1b: {  	s0 =	sor.u32 $0x1C05, s0;
	[bflag:$0x0] =	sbarrier.arrive $0xFFFF;
	(pc) =	sbr.rel @!p0 .LBB2_12-.Ltmp1, $4  }
0x1c: {  	[hbm:s17], [sflag:s0] =	dma.local [spmem:s1], $0x18B0  }
0x1d: {  	_ =	swait.ge [sflag:s19], $0x18B0  }
0x1e: {  	[sflag:s19] =	ssyncset.done $0x0  }
0x1f: {  	[sflag:s19] =	ssyncadd.s32 $0xFFFFE750  }
.LBB2_1:
0x20: {  	s0 =	rddreg [dreg:$0x5]  }
0x21: {  	[tilespmem:s4], [sflag:$0x5] =	stream.linear.gather [hbm4b:s0+s4], $0x4E20, $0x38;
	[tilespmem:$0x1E1E0] =	vst v63  }
0x22: {  	_ =	swait.ge [sflag:s19], $0x4E20  }
0x23: {  	[sflag:s19] =	ssyncset.done $0x0  }
0x24: {  	s1 =	simm.s32 $0x4E20;
	s10 =	rddreg [dreg:$0x6];
	[sflag:s19] =	ssyncadd.s32 $0xFFFFB1E0  }
0x25: {  	[tilespmem:s1], [sflag:$0x5] =	stream.linear.gather [hbm4b:s10+s4], $0x4E20, $0x38;
	[tilespmem:$0x1E1E0] =	vst v63  }
0x26: {  	_ =	swait.ge [sflag:s19], $0x4E20  }
0x27: {  	[sflag:s19] =	ssyncset.done $0x0  }
0x28: {  	s11 =	rddreg [dreg:$0x4];
	[sflag:s19] =	ssyncadd.s32 $0xFFFFB1E0  }
0x29: {  	[tilespmem:s21], [sflag:$0x5] =	stream.linear.gather [hbm4b:s11+s4], $0x2710, $0x38;
	[tilespmem:$0x1E1E0] =	vst v63  }
0x2a: {  	_ =	swait.ge [sflag:s19], $0x2710  }
0x2b: {  	[sflag:s19] =	ssyncset.done $0x0  }
0x2c: {  	[sflag:s19] =	ssyncadd.s32 $0xFFFFD8F0  }
0x2d: {  	s20 =	rddreg [dreg:$0x0]  }
0x2e: {  	[tilespmem:s22], [sflag:$0x5] =	stream.linear.gather [hbm4b:s20+s4], $0x2710, $0x38;
	[tilespmem:$0x1E1E0] =	vst v63  }
0x2f: {  	_ =	swait.ge [sflag:s19], $0x2710  }
0x30: {  	[sflag:s19] =	ssyncset.done $0x0  }
0x31: {  	s0 =	simm.s32 $0x0;
	s1 =	simm.s32 $0x140;
	[sflag:s19] =	ssyncadd.s32 $0xFFFFD8F0  }
.LBB2_2:
0x32: {  	p0 =	sne.s32 s1, $0x62C0;
	[tilespmem:s0+$0xEAA0] =	vst v0;
	s2 =	smov.u32 s1;
	s1 =	sadd.s32 $0x140, s1  }
.Ltmp2:
0x33: {  	[tilespmem:s0+$0xEA90] =	vst v0;
	(pc) =	sbr.rel @p0 .LBB2_2-.Ltmp2, $4  }
0x34: {  	[tilespmem:s0+$0xEA80] =	vst v0  }
0x35: {  	[tilespmem:s0+$0xEA60] =	vst v0  }
0x36: {  	[tilespmem:s0+$0xEA70] =	vst v0  }
0x37: {  	s0 =	sshra.s32 s2, $0x2  }
0x38: {  	[tilespmem:s0+$0xEAA0] =	vst v0  }
0x39: {  	[tilespmem:s0+$0xEA90] =	vst v0  }
0x3a: {  	[tilespmem:s0+$0xEA80] =	vst v0  }
0x3b: {  	[tilespmem:s0+$0xEA60] =	vst v0  }
0x3c: {  	[tilespmem:s0+$0xEA70] =	vst v0  }
0x3d: {  	[spmem:s8] =	stream.linear.scatter [tilespmem:s23], [sflag:$0x5], $0x1900, $0x38;
	[tilespmem:$0x1E1E0] =	vst v63  }
0x3e: {  	_ =	swait.ge [sflag:s19], $0x1900  }
0x3f: {  	[sflag:s19] =	ssyncset.done $0x0  }
0x40: {  	s10 =	rddreg [dreg:$0x7];
	[sflag:s19] =	ssyncadd.s32 $0xFFFFE700  }
0x41: {  	[spmem:s10] =	stream.linear.scatter [tilespmem:s23], [sflag:$0x5], $0x1900, $0x38;
	[tilespmem:$0x1E1E0] =	vst v63  }
0x42: {  	_ =	swait.ge [sflag:s19], $0x1900  }
0x43: {  	[sflag:s19] =	ssyncset.done $0x0  }
0x44: {  	s11 =	rddreg [dreg:$0x8];
	[sflag:s19] =	ssyncadd.s32 $0xFFFFE700  }
0x45: {  	[spmem:s11] =	stream.linear.scatter [tilespmem:s23], [sflag:$0x5], $0x1900, $0x38;
	[tilespmem:$0x1E1E0] =	vst v63  }
0x46: {  	_ =	swait.ge [sflag:s19], $0x1900  }
0x47: {  	[sflag:s19] =	ssyncset.done $0x0  }
0x48: {  	s20 =	rddreg [dreg:$0x9];
	[sflag:s19] =	ssyncadd.s32 $0xFFFFE700  }
0x49: {  	[spmem:s20] =	stream.linear.scatter [tilespmem:s23], [sflag:$0x5], $0x1900, $0x38;
	[tilespmem:$0x1E1E0] =	vst v63  }
0x4a: {  	_ =	swait.ge [sflag:s19], $0x1900  }
0x4b: {  	[sflag:s19] =	ssyncset.done $0x0  }
0x4c: {  	[sflag:s19] =	ssyncadd.s32 $0xFFFFE700  }
0x4d: {  	[spmem:s12] =	stream.linear.scatter [tilespmem:s23], [sflag:$0x5], $0x1900, $0x38;
	[tilespmem:$0x1E1E0] =	vst v63  }
0x4e: {  	_ =	swait.ge [sflag:s19], $0x1900  }
0x4f: {  	[sflag:s19] =	ssyncset.done $0x0  }
0x50: {  	[sflag:s19] =	ssyncadd.s32 $0xFFFFE700  }
0x51: {  	[spmem:s13] =	stream.linear.scatter [tilespmem:s23], [sflag:$0x5], $0x1900, $0x38;
	[tilespmem:$0x1E1E0] =	vst v63  }
0x52: {  	_ =	swait.ge [sflag:s19], $0x1900  }
0x53: {  	[sflag:s19] =	ssyncset.done $0x0  }
0x54: {  	[sflag:s19] =	ssyncadd.s32 $0xFFFFE700  }
0x55: {  	[spmem:s14] =	stream.linear.scatter [tilespmem:s23], [sflag:$0x5], $0x1900, $0x38;
	[tilespmem:$0x1E1E0] =	vst v63  }
0x56: {  	_ =	swait.ge [sflag:s19], $0x1900  }
0x57: {  	[sflag:s19] =	ssyncset.done $0x0  }
0x58: {  	[sflag:s19] =	ssyncadd.s32 $0xFFFFE700  }
0x59: {  	[spmem:s15] =	stream.linear.scatter [tilespmem:s23], [sflag:$0x5], $0x1680, $0x38;
	[tilespmem:$0x1E1E0] =	vst v63  }
0x5a: {  	_ =	swait.ge [sflag:s19], $0x1680  }
0x5b: {  	s0 =	simm.s32 $0x50;
	[sflag:s19] =	ssyncset.done $0x0  }
0x5c: {  	s1 =	simm.s32 $0x4E20;
	s2 =	simm.s32 $0x4E70;
	[sflag:s19] =	ssyncadd.s32 $0xFFFFE980  }
0x5d: {  	s5 =	simm.s32 $0x0;
	s20 =	simm.s32 $0x0;
	[bflag:$0x0] =	sbarrier.arrive $0xFFFF  }
0x5e: {  	[tilespmem:s23], [sflag:$0x1] =	stream.indirect.gather [hbm4b:s16+s0], $0x50, s20, s0, $0xb8;
	[tilespmem:$0x1E1E0] =	vst v63  }
.LBB2_4:
0x5f: {  	_ =	swait.ge [sflag:s24], $0x1900  }
0x60: {  	p0 =	seq.s32 s5, $0x0;
	[sflag:s24] =	ssyncset.done $0x0  }
0x61: {  	s6 =	simm.s32 @!p0 $0x4;
	[sflag:s24] =	ssyncadd.s32 $0xFFFFE700  }
0x62: {  	s7 =	smul.u32 $0xA0, s5;
	v17 =	vmov s20;
	_ =	swait.ge @!p0 [sflag:s6], $0x1900  }
0x63: {  	v18 =	vmov s1;
	s9 =	simm.s32 $0x0;
	[sflag:s6] =	ssyncset.done @!p0 $0x0  }
0x64: {  	[sflag:s6] =	ssyncadd.s32 @!p0 $0xFFFFE700;
	s6 =	sadd.s32 $0x50, s7;
	s7 =	simm.s32 $0xECE0  }
0x65: {  	[tilespmem:s26], [sflag:$0x2] =	stream.indirect.gather [hbm4b:s16+s25], $0x50, s6, s25, $0xb8;
	[tilespmem:$0x1E1E0] =	vst v63  }
.LBB2_5:
0x66: {  	s10 =	sshra.s32 s9, $0x2  }
0x67: {  	v19 =	vld.idx.msk [tilespmem:v17+s10+$0x0 ss:$0x1], $0xffff  }
0x68: {  	v20 =	vld.idx.msk [tilespmem:v18+s10+$0x0 ss:$0x1], $0xffff;
	_ =	sdelay $0x6  }
0x69: {  	v19 =	vld.idx.msk [tilespmem:v19+s21+$0x0], $0xffff  }
0x6a: {  	v20 =	vld.idx.msk [tilespmem:v20+s22+$0x0], $0xffff;
	_ =	sdelay $0x4  }
0x6b: {  	v19 =	vadd.f32 v20, v19;
	_ =	sdelay $0x1  }
0x6c: {  	v20 =	vmul.f32 $2.000000030e-01, v19  }
0x6d: {  	vm0 =	vgt.f32 v19, $0.0e+00  }
0x6e: {  	v19 =	vsel vm0, v19, v20  }
0x6f: {  	v19 =	vmul.f32 $1.442695020e+00, v19;
	_ =	sdelay $0x1  }
0x70: {  	(erf) = vpow2.f32 v19;
	_ =	sdelay $0x6  }
0x71: {  	v20 =	vld [tilespmem:s7+$0xFFFFFD80];
	_ =	sdelay $0x1  }
0x72: {  	v19 =	vpop (erf)  }
0x73: {  	v21 =	vperm.xlane v19, v1;
	_ =	sdelay $0x1  }
0x74: {  	v20 =	vmul.f32 v20, v21;
	_ =	sdelay $0x1  }
0x75: {  	[tilespmem:s7+$0xFFFFFD80] =	vst v20;
	v20 =	vld [tilespmem:s7+$0xFFFFFD90];
	_ =	sdelay $0x4  }
0x76: {  	v20 =	vmul.f32 v20, v21;
	_ =	sdelay $0x1  }
0x77: {  	[tilespmem:s7+$0xFFFFFD90] =	vst v20;
	v20 =	vld [tilespmem:s7+$0xFFFFFDA0];
	_ =	sdelay $0x4  }
0x78: {  	v20 =	vmul.f32 v20, v21;
	_ =	sdelay $0x1  }
0x79: {  	[tilespmem:s7+$0xFFFFFDA0] =	vst v20;
	v20 =	vld [tilespmem:s7+$0xFFFFFDB0];
	_ =	sdelay $0x4  }
0x7a: {  	v20 =	vmul.f32 v20, v21;
	_ =	sdelay $0x1  }
0x7b: {  	[tilespmem:s7+$0xFFFFFDB0] =	vst v20;
	v20 =	vld [tilespmem:s7+$0xFFFFFDC0];
	_ =	sdelay $0x4  }
0x7c: {  	v20 =	vmul.f32 v20, v21;
	_ =	sdelay $0x1  }
0x7d: {  	[tilespmem:s7+$0xFFFFFDC0] =	vst v20;
	v20 =	vld [tilespmem:s7+$0xFFFFFDD0];
	_ =	sdelay $0x2  }
0x7e: {  	v50 =	vperm.xlane v19, v2;
	_ =	sdelay $0x1  }
0x7f: {  	v20 =	vmul.f32 v20, v50;
	_ =	sdelay $0x1  }
0x80: {  	[tilespmem:s7+$0xFFFFFDD0] =	vst v20;
	v20 =	vld [tilespmem:s7+$0xFFFFFDE0];
	_ =	sdelay $0x4  }
0x81: {  	v20 =	vmul.f32 v20, v50;
	_ =	sdelay $0x1  }
0x82: {  	[tilespmem:s7+$0xFFFFFDE0] =	vst v20;
	v20 =	vld [tilespmem:s7+$0xFFFFFDF0];
	_ =	sdelay $0x4  }
0x83: {  	v20 =	vmul.f32 v20, v50;
	_ =	sdelay $0x1  }
0x84: {  	[tilespmem:s7+$0xFFFFFDF0] =	vst v20;
	v20 =	vld [tilespmem:s7+$0xFFFFFE00];
	_ =	sdelay $0x4  }
0x85: {  	v20 =	vmul.f32 v20, v50;
	_ =	sdelay $0x1  }
0x86: {  	[tilespmem:s7+$0xFFFFFE00] =	vst v20;
	v20 =	vld [tilespmem:s7+$0xFFFFFE10];
	_ =	sdelay $0x4  }
0x87: {  	v20 =	vmul.f32 v20, v50;
	_ =	sdelay $0x1  }
0x88: {  	[tilespmem:s7+$0xFFFFFE10] =	vst v20;
	v20 =	vld [tilespmem:s7+$0xFFFFFE20];
	_ =	sdelay $0x2  }
0x89: {  	v51 =	vperm.xlane v19, v3;
	_ =	sdelay $0x1  }
0x8a: {  	v20 =	vmul.f32 v20, v51;
	_ =	sdelay $0x1  }
0x8b: {  	[tilespmem:s7+$0xFFFFFE20] =	vst v20;
	v20 =	vld [tilespmem:s7+$0xFFFFFE30];
	_ =	sdelay $0x4  }
0x8c: {  	v20 =	vmul.f32 v20, v51;
	_ =	sdelay $0x1  }
0x8d: {  	[tilespmem:s7+$0xFFFFFE30] =	vst v20;
	v20 =	vld [tilespmem:s7+$0xFFFFFE40];
	_ =	sdelay $0x4  }
0x8e: {  	v20 =	vmul.f32 v20, v51;
	_ =	sdelay $0x1  }
0x8f: {  	[tilespmem:s7+$0xFFFFFE40] =	vst v20;
	v20 =	vld [tilespmem:s7+$0xFFFFFE50];
	_ =	sdelay $0x4  }
0x90: {  	v20 =	vmul.f32 v20, v51;
	_ =	sdelay $0x1  }
0x91: {  	[tilespmem:s7+$0xFFFFFE50] =	vst v20;
	v20 =	vld [tilespmem:s7+$0xFFFFFE60];
	_ =	sdelay $0x4  }
0x92: {  	v20 =	vmul.f32 v20, v51;
	_ =	sdelay $0x1  }
0x93: {  	[tilespmem:s7+$0xFFFFFE60] =	vst v20;
	v20 =	vld [tilespmem:s7+$0xFFFFFE70];
	_ =	sdelay $0x2  }
0x94: {  	v52 =	vperm.xlane v19, v4;
	_ =	sdelay $0x1  }
0x95: {  	v20 =	vmul.f32 v20, v52;
	_ =	sdelay $0x1  }
0x96: {  	[tilespmem:s7+$0xFFFFFE70] =	vst v20;
	v20 =	vld [tilespmem:s7+$0xFFFFFE80];
	_ =	sdelay $0x4  }
0x97: {  	v20 =	vmul.f32 v20, v52;
	_ =	sdelay $0x1  }
0x98: {  	[tilespmem:s7+$0xFFFFFE80] =	vst v20;
	v20 =	vld [tilespmem:s7+$0xFFFFFE90];
	_ =	sdelay $0x4  }
0x99: {  	v20 =	vmul.f32 v20, v52;
	_ =	sdelay $0x1  }
0x9a: {  	[tilespmem:s7+$0xFFFFFE90] =	vst v20;
	v20 =	vld [tilespmem:s7+$0xFFFFFEA0];
	_ =	sdelay $0x4  }
0x9b: {  	v20 =	vmul.f32 v20, v52;
	_ =	sdelay $0x1  }
0x9c: {  	[tilespmem:s7+$0xFFFFFEA0] =	vst v20;
	v20 =	vld [tilespmem:s7+$0xFFFFFEB0];
	_ =	sdelay $0x4  }
0x9d: {  	v20 =	vmul.f32 v20, v52;
	_ =	sdelay $0x1  }
0x9e: {  	[tilespmem:s7+$0xFFFFFEB0] =	vst v20;
	v20 =	vld [tilespmem:s7+$0xFFFFFEC0];
	_ =	sdelay $0x2  }
0x9f: {  	v53 =	vperm.xlane v19, v5;
	_ =	sdelay $0x1  }
0xa0: {  	v20 =	vmul.f32 v20, v53;
	_ =	sdelay $0x1  }
0xa1: {  	[tilespmem:s7+$0xFFFFFEC0] =	vst v20;
	v20 =	vld [tilespmem:s7+$0xFFFFFED0];
	_ =	sdelay $0x4  }
0xa2: {  	v20 =	vmul.f32 v20, v53;
	_ =	sdelay $0x1  }
0xa3: {  	[tilespmem:s7+$0xFFFFFED0] =	vst v20;
	v20 =	vld [tilespmem:s7+$0xFFFFFEE0];
	_ =	sdelay $0x4  }
0xa4: {  	v20 =	vmul.f32 v20, v53;
	_ =	sdelay $0x1  }
0xa5: {  	[tilespmem:s7+$0xFFFFFEE0] =	vst v20;
	v20 =	vld [tilespmem:s7+$0xFFFFFEF0];
	_ =	sdelay $0x4  }
0xa6: {  	v20 =	vmul.f32 v20, v53;
	_ =	sdelay $0x1  }
0xa7: {  	[tilespmem:s7+$0xFFFFFEF0] =	vst v20;
	v20 =	vld [tilespmem:s7+$0xFFFFFF00];
	_ =	sdelay $0x4  }
0xa8: {  	v20 =	vmul.f32 v20, v53;
	_ =	sdelay $0x1  }
0xa9: {  	[tilespmem:s7+$0xFFFFFF00] =	vst v20;
	v20 =	vld [tilespmem:s7+$0xFFFFFF10];
	_ =	sdelay $0x2  }
0xaa: {  	v54 =	vperm.xlane v19, v6;
	_ =	sdelay $0x1  }
0xab: {  	v20 =	vmul.f32 v20, v54;
	_ =	sdelay $0x1  }
0xac: {  	[tilespmem:s7+$0xFFFFFF10] =	vst v20;
	v20 =	vld [tilespmem:s7+$0xFFFFFF20];
	_ =	sdelay $0x4  }
0xad: {  	v20 =	vmul.f32 v20, v54;
	_ =	sdelay $0x1  }
0xae: {  	[tilespmem:s7+$0xFFFFFF20] =	vst v20;
	v20 =	vld [tilespmem:s7+$0xFFFFFF30];
	_ =	sdelay $0x4  }
0xaf: {  	v20 =	vmul.f32 v20, v54;
	_ =	sdelay $0x1  }
0xb0: {  	[tilespmem:s7+$0xFFFFFF30] =	vst v20;
	v20 =	vld [tilespmem:s7+$0xFFFFFF40];
	_ =	sdelay $0x4  }
0xb1: {  	v20 =	vmul.f32 v20, v54;
	_ =	sdelay $0x1  }
0xb2: {  	[tilespmem:s7+$0xFFFFFF40] =	vst v20;
	v20 =	vld [tilespmem:s7+$0xFFFFFF50];
	_ =	sdelay $0x4  }
0xb3: {  	v20 =	vmul.f32 v20, v54;
	_ =	sdelay $0x1  }
0xb4: {  	[tilespmem:s7+$0xFFFFFF50] =	vst v20;
	v20 =	vld [tilespmem:s7+$0xFFFFFF60];
	_ =	sdelay $0x2  }
0xb5: {  	v55 =	vperm.xlane v19, v7;
	_ =	sdelay $0x1  }
0xb6: {  	v20 =	vmul.f32 v20, v55;
	_ =	sdelay $0x1  }
0xb7: {  	[tilespmem:s7+$0xFFFFFF60] =	vst v20;
	v20 =	vld [tilespmem:s7+$0xFFFFFF70];
	_ =	sdelay $0x4  }
0xb8: {  	v20 =	vmul.f32 v20, v55;
	_ =	sdelay $0x1  }
0xb9: {  	[tilespmem:s7+$0xFFFFFF70] =	vst v20;
	v20 =	vld [tilespmem:s7+$0xFFFFFF80];
	_ =	sdelay $0x4  }
0xba: {  	v20 =	vmul.f32 v20, v55;
	_ =	sdelay $0x1  }
0xbb: {  	[tilespmem:s7+$0xFFFFFF80] =	vst v20;
	v20 =	vld [tilespmem:s7+$0xFFFFFF90];
	_ =	sdelay $0x4  }
0xbc: {  	v20 =	vmul.f32 v20, v55;
	_ =	sdelay $0x1  }
0xbd: {  	[tilespmem:s7+$0xFFFFFF90] =	vst v20;
	v20 =	vld [tilespmem:s7+$0xFFFFFFA0];
	_ =	sdelay $0x4  }
0xbe: {  	v20 =	vmul.f32 v20, v55;
	_ =	sdelay $0x1  }
0xbf: {  	[tilespmem:s7+$0xFFFFFFA0] =	vst v20;
	v20 =	vld [tilespmem:s7+$0xFFFFFFB0];
	_ =	sdelay $0x2  }
0xc0: {  	v56 =	vperm.xlane v19, v8;
	_ =	sdelay $0x1  }
0xc1: {  	v20 =	vmul.f32 v20, v56;
	_ =	sdelay $0x1  }
0xc2: {  	[tilespmem:s7+$0xFFFFFFB0] =	vst v20;
	v20 =	vld [tilespmem:s7+$0xFFFFFFC0];
	_ =	sdelay $0x4  }
0xc3: {  	v20 =	vmul.f32 v20, v56;
	_ =	sdelay $0x1  }
0xc4: {  	[tilespmem:s7+$0xFFFFFFC0] =	vst v20;
	v20 =	vld [tilespmem:s7+$0xFFFFFFD0];
	_ =	sdelay $0x4  }
0xc5: {  	v20 =	vmul.f32 v20, v56;
	_ =	sdelay $0x1  }
0xc6: {  	[tilespmem:s7+$0xFFFFFFD0] =	vst v20;
	v20 =	vld [tilespmem:s7+$0xFFFFFFE0];
	_ =	sdelay $0x4  }
0xc7: {  	v20 =	vmul.f32 v20, v56;
	_ =	sdelay $0x1  }
0xc8: {  	[tilespmem:s7+$0xFFFFFFE0] =	vst v20;
	v20 =	vld [tilespmem:s7+$0xFFFFFFF0];
	_ =	sdelay $0x4  }
0xc9: {  	v20 =	vmul.f32 v20, v56;
	_ =	sdelay $0x1  }
0xca: {  	[tilespmem:s7+$0xFFFFFFF0] =	vst v20;
	v20 =	vld [tilespmem:s7+$0x0];
	_ =	sdelay $0x2  }
0xcb: {  	v57 =	vperm.xlane v19, v9;
	_ =	sdelay $0x1  }
0xcc: {  	v20 =	vmul.f32 v20, v57;
	_ =	sdelay $0x1  }
0xcd: {  	[tilespmem:s7+$0x0] =	vst v20;
	v20 =	vld [tilespmem:s7+$0x10];
	_ =	sdelay $0x4  }
0xce: {  	v20 =	vmul.f32 v20, v57;
	_ =	sdelay $0x1  }
0xcf: {  	[tilespmem:s7+$0x10] =	vst v20;
	v20 =	vld [tilespmem:s7+$0x20];
	_ =	sdelay $0x4  }
0xd0: {  	v20 =	vmul.f32 v20, v57;
	_ =	sdelay $0x1  }
0xd1: {  	[tilespmem:s7+$0x20] =	vst v20;
	v20 =	vld [tilespmem:s7+$0x30];
	_ =	sdelay $0x4  }
0xd2: {  	v20 =	vmul.f32 v20, v57;
	_ =	sdelay $0x1  }
0xd3: {  	[tilespmem:s7+$0x30] =	vst v20;
	v20 =	vld [tilespmem:s7+$0x40];
	_ =	sdelay $0x4  }
0xd4: {  	v20 =	vmul.f32 v20, v57;
	_ =	sdelay $0x1  }
0xd5: {  	[tilespmem:s7+$0x40] =	vst v20;
	v20 =	vld [tilespmem:s7+$0x50];
	_ =	sdelay $0x2  }
0xd6: {  	v58 =	vperm.xlane v19, v10;
	_ =	sdelay $0x1  }
0xd7: {  	v20 =	vmul.f32 v20, v58;
	_ =	sdelay $0x1  }
0xd8: {  	[tilespmem:s7+$0x50] =	vst v20;
	v20 =	vld [tilespmem:s7+$0x60];
	_ =	sdelay $0x4  }
0xd9: {  	v20 =	vmul.f32 v20, v58;
	_ =	sdelay $0x1  }
0xda: {  	[tilespmem:s7+$0x60] =	vst v20;
	v20 =	vld [tilespmem:s7+$0x70];
	_ =	sdelay $0x4  }
0xdb: {  	v20 =	vmul.f32 v20, v58;
	_ =	sdelay $0x1  }
0xdc: {  	[tilespmem:s7+$0x70] =	vst v20;
	v20 =	vld [tilespmem:s7+$0x80];
	_ =	sdelay $0x4  }
0xdd: {  	v20 =	vmul.f32 v20, v58;
	_ =	sdelay $0x1  }
0xde: {  	[tilespmem:s7+$0x80] =	vst v20;
	v20 =	vld [tilespmem:s7+$0x90];
	_ =	sdelay $0x4  }
0xdf: {  	v20 =	vmul.f32 v20, v58;
	_ =	sdelay $0x1  }
0xe0: {  	[tilespmem:s7+$0x90] =	vst v20;
	v20 =	vld [tilespmem:s7+$0xA0];
	_ =	sdelay $0x2  }
0xe1: {  	v59 =	vperm.xlane v19, v11;
	_ =	sdelay $0x1  }
0xe2: {  	v20 =	vmul.f32 v20, v59;
	_ =	sdelay $0x1  }
0xe3: {  	[tilespmem:s7+$0xA0] =	vst v20;
	v20 =	vld [tilespmem:s7+$0xB0];
	_ =	sdelay $0x4  }
0xe4: {  	v20 =	vmul.f32 v20, v59;
	_ =	sdelay $0x1  }
0xe5: {  	[tilespmem:s7+$0xB0] =	vst v20;
	v20 =	vld [tilespmem:s7+$0xC0];
	_ =	sdelay $0x4  }
0xe6: {  	v20 =	vmul.f32 v20, v59;
	_ =	sdelay $0x1  }
0xe7: {  	[tilespmem:s7+$0xC0] =	vst v20;
	v20 =	vld [tilespmem:s7+$0xD0];
	_ =	sdelay $0x4  }
0xe8: {  	v20 =	vmul.f32 v20, v59;
	_ =	sdelay $0x1  }
0xe9: {  	[tilespmem:s7+$0xD0] =	vst v20;
	v20 =	vld [tilespmem:s7+$0xE0];
	_ =	sdelay $0x4  }
0xea: {  	v20 =	vmul.f32 v20, v59;
	_ =	sdelay $0x1  }
0xeb: {  	[tilespmem:s7+$0xE0] =	vst v20;
	v20 =	vld [tilespmem:s7+$0xF0];
	_ =	sdelay $0x2  }
0xec: {  	v60 =	vperm.xlane v19, v12;
	_ =	sdelay $0x1  }
0xed: {  	v20 =	vmul.f32 v20, v60;
	_ =	sdelay $0x1  }
0xee: {  	[tilespmem:s7+$0xF0] =	vst v20;
	v20 =	vld [tilespmem:s7+$0x100];
	_ =	sdelay $0x4  }
0xef: {  	v20 =	vmul.f32 v20, v60;
	_ =	sdelay $0x1  }
0xf0: {  	[tilespmem:s7+$0x100] =	vst v20;
	v20 =	vld [tilespmem:s7+$0x110];
	_ =	sdelay $0x4  }
0xf1: {  	v20 =	vmul.f32 v20, v60;
	_ =	sdelay $0x1  }
0xf2: {  	[tilespmem:s7+$0x110] =	vst v20;
	v20 =	vld [tilespmem:s7+$0x120];
	_ =	sdelay $0x4  }
0xf3: {  	v20 =	vmul.f32 v20, v60;
	_ =	sdelay $0x1  }
0xf4: {  	[tilespmem:s7+$0x120] =	vst v20;
	v20 =	vld [tilespmem:s7+$0x130];
	_ =	sdelay $0x4  }
0xf5: {  	v20 =	vmul.f32 v20, v60;
	_ =	sdelay $0x1  }
0xf6: {  	[tilespmem:s7+$0x130] =	vst v20;
	v20 =	vld [tilespmem:s7+$0x140];
	_ =	sdelay $0x2  }
0xf7: {  	v61 =	vperm.xlane v19, v13;
	_ =	sdelay $0x1  }
0xf8: {  	v20 =	vmul.f32 v20, v61;
	_ =	sdelay $0x1  }
0xf9: {  	[tilespmem:s7+$0x140] =	vst v20;
	v20 =	vld [tilespmem:s7+$0x150];
	_ =	sdelay $0x4  }
0xfa: {  	v20 =	vmul.f32 v20, v61;
	_ =	sdelay $0x1  }
0xfb: {  	[tilespmem:s7+$0x150] =	vst v20;
	v20 =	vld [tilespmem:s7+$0x160];
	_ =	sdelay $0x4  }
0xfc: {  	v20 =	vmul.f32 v20, v61;
	_ =	sdelay $0x1  }
0xfd: {  	[tilespmem:s7+$0x160] =	vst v20;
	v20 =	vld [tilespmem:s7+$0x170];
	_ =	sdelay $0x4  }
0xfe: {  	v20 =	vmul.f32 v20, v61;
	_ =	sdelay $0x1  }
0xff: {  	[tilespmem:s7+$0x170] =	vst v20;
	v20 =	vld [tilespmem:s7+$0x180];
	_ =	sdelay $0x4  }
0x100: {  	v20 =	vmul.f32 v20, v61;
	_ =	sdelay $0x1  }
0x101: {  	[tilespmem:s7+$0x180] =	vst v20;
	v20 =	vld [tilespmem:s7+$0x190];
	_ =	sdelay $0x2  }
0x102: {  	v62 =	vperm.xlane v19, v14;
	_ =	sdelay $0x1  }
0x103: {  	v20 =	vmul.f32 v20, v62;
	_ =	sdelay $0x1  }
0x104: {  	[tilespmem:s7+$0x190] =	vst v20;
	v20 =	vld [tilespmem:s7+$0x1A0];
	_ =	sdelay $0x4  }
0x105: {  	v20 =	vmul.f32 v20, v62;
	_ =	sdelay $0x1  }
0x106: {  	[tilespmem:s7+$0x1A0] =	vst v20;
	v20 =	vld [tilespmem:s7+$0x1B0];
	_ =	sdelay $0x4  }
0x107: {  	v20 =	vmul.f32 v20, v62;
	_ =	sdelay $0x1  }
0x108: {  	[tilespmem:s7+$0x1B0] =	vst v20;
	v20 =	vld [tilespmem:s7+$0x1C0];
	_ =	sdelay $0x4  }
0x109: {  	v20 =	vmul.f32 v20, v62;
	_ =	sdelay $0x1  }
0x10a: {  	[tilespmem:s7+$0x1C0] =	vst v20;
	v20 =	vld [tilespmem:s7+$0x1D0];
	_ =	sdelay $0x4  }
0x10b: {  	v20 =	vmul.f32 v20, v62;
	_ =	sdelay $0x1  }
0x10c: {  	[tilespmem:s7+$0x1D0] =	vst v20;
	v20 =	vld [tilespmem:s7+$0x1E0];
	_ =	sdelay $0x2  }
0x10d: {  	v63 =	vperm.xlane v19, v15;
	_ =	sdelay $0x1  }
0x10e: {  	v20 =	vmul.f32 v20, v63;
	_ =	sdelay $0x1  }
0x10f: {  	[tilespmem:s7+$0x1E0] =	vst v20;
	v20 =	vld [tilespmem:s7+$0x1F0];
	_ =	sdelay $0x4  }
0x110: {  	v20 =	vmul.f32 v20, v63;
	_ =	sdelay $0x1  }
0x111: {  	[tilespmem:s7+$0x1F0] =	vst v20;
	v20 =	vld [tilespmem:s7+$0x200];
	_ =	sdelay $0x4  }
0x112: {  	v20 =	vmul.f32 v20, v63;
	_ =	sdelay $0x1  }
0x113: {  	[tilespmem:s7+$0x200] =	vst v20;
	v20 =	vld [tilespmem:s7+$0x210];
	_ =	sdelay $0x4  }
0x114: {  	v20 =	vmul.f32 v20, v63;
	_ =	sdelay $0x1  }
0x115: {  	[tilespmem:s7+$0x210] =	vst v20;
	v20 =	vld [tilespmem:s7+$0x220];
	_ =	sdelay $0x4  }
0x116: {  	v20 =	vmul.f32 v20, v63;
	_ =	sdelay $0x1  }
0x117: {  	[tilespmem:s7+$0x220] =	vst v20;
	v20 =	vld [tilespmem:s7+$0x230];
	_ =	sdelay $0x2  }
0x118: {  	v19 =	vperm.xlane v19, v16;
	_ =	sdelay $0x1  }
0x119: {  	v20 =	vmul.f32 v20, v19;
	_ =	sdelay $0x1  }
0x11a: {  	[tilespmem:s7+$0x230] =	vst v20;
	v20 =	vld [tilespmem:s7+$0x240];
	_ =	sdelay $0x4  }
0x11b: {  	v20 =	vmul.f32 v20, v19;
	_ =	sdelay $0x1  }
0x11c: {  	[tilespmem:s7+$0x240] =	vst v20;
	v20 =	vld [tilespmem:s7+$0x250];
	_ =	sdelay $0x4  }
0x11d: {  	v20 =	vmul.f32 v20, v19;
	_ =	sdelay $0x1  }
0x11e: {  	[tilespmem:s7+$0x250] =	vst v20;
	v20 =	vld [tilespmem:s7+$0x260];
	_ =	sdelay $0x4  }
0x11f: {  	v20 =	vmul.f32 v20, v19;
	_ =	sdelay $0x1  }
0x120: {  	[tilespmem:s7+$0x260] =	vst v20;
	v20 =	vld [tilespmem:s7+$0x270];
	_ =	sdelay $0x1  }
0x121: {  	p0 =	sne.s32 s9, $0x100  }
.Ltmp3:
0x122: {  	_ = 	snop;
	(pc) =	sbr.rel @p0 .LBB2_5-.Ltmp3, $3  }
0x123: {  	_ = 	snop  }
0x124: {  	v19 =	vmul.f32 v20, v19;
	_ =	sdelay $0x1  }
0x125: {  	s9 =	sadd.s32 $0x40, s9;
	[tilespmem:s7+$0x270] =	vst v19;
	s7 =	sadd.s32 $0x500, s7  }
0x126: {  	s7 =	smul.u32 $0x280, s5;
	_ =	sdelay $0x1  }
0x127: {  	s7 =	sshra.s32 s7, $0x2  }
0x128: {  	s9 =	sadd.s32 $0x4E20, s7  }
0x129: {  	v17 =	vmov s0;
	[spmem:s3] =	stream.indirect.scatter.add.f32 [tilespmem:s23], [sflag:$0x3], $0x50, s9, s25, $0xb8;
	[tilespmem:$0x1E1E0] =	vst v63  }
0x12a: {  	v18 =	vmov s2;
	_ =	swait.ge [sflag:s28], $0x1900  }
0x12b: {  	[sflag:s28] =	ssyncset.done $0x0  }
0x12c: {  	s10 =	simm.s32 $0x105E0;
	s9 =	simm.s32 $0x0;
	[sflag:s28] =	ssyncadd.s32 $0xFFFFE700  }
.LBB2_7:
0x12d: {  	s11 =	sshra.s32 s9, $0x2  }
0x12e: {  	v19 =	vld.idx.msk [tilespmem:v17+s11+$0x0 ss:$0x1], $0xffff  }
0x12f: {  	v20 =	vld.idx.msk [tilespmem:v18+s11+$0x0 ss:$0x1], $0xffff;
	_ =	sdelay $0x6  }
0x130: {  	v19 =	vld.idx.msk [tilespmem:v19+s21+$0x0], $0xffff  }
0x131: {  	v20 =	vld.idx.msk [tilespmem:v20+s22+$0x0], $0xffff;
	_ =	sdelay $0x4  }
0x132: {  	v19 =	vadd.f32 v20, v19;
	_ =	sdelay $0x1  }
0x133: {  	v20 =	vmul.f32 $2.000000030e-01, v19  }
0x134: {  	vm0 =	vgt.f32 v19, $0.0e+00  }
0x135: {  	v19 =	vsel vm0, v19, v20  }
0x136: {  	v19 =	vmul.f32 $1.442695020e+00, v19;
	_ =	sdelay $0x1  }
0x137: {  	(erf) = vpow2.f32 v19;
	_ =	sdelay $0x6  }
0x138: {  	v20 =	vld [tilespmem:s10+$0xFFFFFD80];
	_ =	sdelay $0x1  }
0x139: {  	v19 =	vpop (erf)  }
0x13a: {  	v21 =	vperm.xlane v19, v1;
	_ =	sdelay $0x1  }
0x13b: {  	v20 =	vmul.f32 v20, v21;
	_ =	sdelay $0x1  }
0x13c: {  	[tilespmem:s10+$0xFFFFFD80] =	vst v20;
	v20 =	vld [tilespmem:s10+$0xFFFFFD90];
	_ =	sdelay $0x4  }
0x13d: {  	v20 =	vmul.f32 v20, v21;
	_ =	sdelay $0x1  }
0x13e: {  	[tilespmem:s10+$0xFFFFFD90] =	vst v20;
	v20 =	vld [tilespmem:s10+$0xFFFFFDA0];
	_ =	sdelay $0x4  }
0x13f: {  	v20 =	vmul.f32 v20, v21;
	_ =	sdelay $0x1  }
0x140: {  	[tilespmem:s10+$0xFFFFFDA0] =	vst v20;
	v20 =	vld [tilespmem:s10+$0xFFFFFDB0];
	_ =	sdelay $0x4  }
0x141: {  	v20 =	vmul.f32 v20, v21;
	_ =	sdelay $0x1  }
0x142: {  	[tilespmem:s10+$0xFFFFFDB0] =	vst v20;
	v20 =	vld [tilespmem:s10+$0xFFFFFDC0];
	_ =	sdelay $0x4  }
0x143: {  	v20 =	vmul.f32 v20, v21;
	_ =	sdelay $0x1  }
0x144: {  	[tilespmem:s10+$0xFFFFFDC0] =	vst v20;
	v20 =	vld [tilespmem:s10+$0xFFFFFDD0];
	_ =	sdelay $0x2  }
0x145: {  	v50 =	vperm.xlane v19, v2;
	_ =	sdelay $0x1  }
0x146: {  	v20 =	vmul.f32 v20, v50;
	_ =	sdelay $0x1  }
0x147: {  	[tilespmem:s10+$0xFFFFFDD0] =	vst v20;
	v20 =	vld [tilespmem:s10+$0xFFFFFDE0];
	_ =	sdelay $0x4  }
0x148: {  	v20 =	vmul.f32 v20, v50;
	_ =	sdelay $0x1  }
0x149: {  	[tilespmem:s10+$0xFFFFFDE0] =	vst v20;
	v20 =	vld [tilespmem:s10+$0xFFFFFDF0];
	_ =	sdelay $0x4  }
0x14a: {  	v20 =	vmul.f32 v20, v50;
	_ =	sdelay $0x1  }
0x14b: {  	[tilespmem:s10+$0xFFFFFDF0] =	vst v20;
	v20 =	vld [tilespmem:s10+$0xFFFFFE00];
	_ =	sdelay $0x4  }
0x14c: {  	v20 =	vmul.f32 v20, v50;
	_ =	sdelay $0x1  }
0x14d: {  	[tilespmem:s10+$0xFFFFFE00] =	vst v20;
	v20 =	vld [tilespmem:s10+$0xFFFFFE10];
	_ =	sdelay $0x4  }
0x14e: {  	v20 =	vmul.f32 v20, v50;
	_ =	sdelay $0x1  }
0x14f: {  	[tilespmem:s10+$0xFFFFFE10] =	vst v20;
	v20 =	vld [tilespmem:s10+$0xFFFFFE20];
	_ =	sdelay $0x2  }
0x150: {  	v51 =	vperm.xlane v19, v3;
	_ =	sdelay $0x1  }
0x151: {  	v20 =	vmul.f32 v20, v51;
	_ =	sdelay $0x1  }
0x152: {  	[tilespmem:s10+$0xFFFFFE20] =	vst v20;
	v20 =	vld [tilespmem:s10+$0xFFFFFE30];
	_ =	sdelay $0x4  }
0x153: {  	v20 =	vmul.f32 v20, v51;
	_ =	sdelay $0x1  }
0x154: {  	[tilespmem:s10+$0xFFFFFE30] =	vst v20;
	v20 =	vld [tilespmem:s10+$0xFFFFFE40];
	_ =	sdelay $0x4  }
0x155: {  	v20 =	vmul.f32 v20, v51;
	_ =	sdelay $0x1  }
0x156: {  	[tilespmem:s10+$0xFFFFFE40] =	vst v20;
	v20 =	vld [tilespmem:s10+$0xFFFFFE50];
	_ =	sdelay $0x4  }
0x157: {  	v20 =	vmul.f32 v20, v51;
	_ =	sdelay $0x1  }
0x158: {  	[tilespmem:s10+$0xFFFFFE50] =	vst v20;
	v20 =	vld [tilespmem:s10+$0xFFFFFE60];
	_ =	sdelay $0x4  }
0x159: {  	v20 =	vmul.f32 v20, v51;
	_ =	sdelay $0x1  }
0x15a: {  	[tilespmem:s10+$0xFFFFFE60] =	vst v20;
	v20 =	vld [tilespmem:s10+$0xFFFFFE70];
	_ =	sdelay $0x2  }
0x15b: {  	v52 =	vperm.xlane v19, v4;
	_ =	sdelay $0x1  }
0x15c: {  	v20 =	vmul.f32 v20, v52;
	_ =	sdelay $0x1  }
0x15d: {  	[tilespmem:s10+$0xFFFFFE70] =	vst v20;
	v20 =	vld [tilespmem:s10+$0xFFFFFE80];
	_ =	sdelay $0x4  }
0x15e: {  	v20 =	vmul.f32 v20, v52;
	_ =	sdelay $0x1  }
0x15f: {  	[tilespmem:s10+$0xFFFFFE80] =	vst v20;
	v20 =	vld [tilespmem:s10+$0xFFFFFE90];
	_ =	sdelay $0x4  }
0x160: {  	v20 =	vmul.f32 v20, v52;
	_ =	sdelay $0x1  }
0x161: {  	[tilespmem:s10+$0xFFFFFE90] =	vst v20;
	v20 =	vld [tilespmem:s10+$0xFFFFFEA0];
	_ =	sdelay $0x4  }
0x162: {  	v20 =	vmul.f32 v20, v52;
	_ =	sdelay $0x1  }
0x163: {  	[tilespmem:s10+$0xFFFFFEA0] =	vst v20;
	v20 =	vld [tilespmem:s10+$0xFFFFFEB0];
	_ =	sdelay $0x4  }
0x164: {  	v20 =	vmul.f32 v20, v52;
	_ =	sdelay $0x1  }
0x165: {  	[tilespmem:s10+$0xFFFFFEB0] =	vst v20;
	v20 =	vld [tilespmem:s10+$0xFFFFFEC0];
	_ =	sdelay $0x2  }
0x166: {  	v53 =	vperm.xlane v19, v5;
	_ =	sdelay $0x1  }
0x167: {  	v20 =	vmul.f32 v20, v53;
	_ =	sdelay $0x1  }
0x168: {  	[tilespmem:s10+$0xFFFFFEC0] =	vst v20;
	v20 =	vld [tilespmem:s10+$0xFFFFFED0];
	_ =	sdelay $0x4  }
0x169: {  	v20 =	vmul.f32 v20, v53;
	_ =	sdelay $0x1  }
0x16a: {  	[tilespmem:s10+$0xFFFFFED0] =	vst v20;
	v20 =	vld [tilespmem:s10+$0xFFFFFEE0];
	_ =	sdelay $0x4  }
0x16b: {  	v20 =	vmul.f32 v20, v53;
	_ =	sdelay $0x1  }
0x16c: {  	[tilespmem:s10+$0xFFFFFEE0] =	vst v20;
	v20 =	vld [tilespmem:s10+$0xFFFFFEF0];
	_ =	sdelay $0x4  }
0x16d: {  	v20 =	vmul.f32 v20, v53;
	_ =	sdelay $0x1  }
0x16e: {  	[tilespmem:s10+$0xFFFFFEF0] =	vst v20;
	v20 =	vld [tilespmem:s10+$0xFFFFFF00];
	_ =	sdelay $0x4  }
0x16f: {  	v20 =	vmul.f32 v20, v53;
	_ =	sdelay $0x1  }
0x170: {  	[tilespmem:s10+$0xFFFFFF00] =	vst v20;
	v20 =	vld [tilespmem:s10+$0xFFFFFF10];
	_ =	sdelay $0x2  }
0x171: {  	v54 =	vperm.xlane v19, v6;
	_ =	sdelay $0x1  }
0x172: {  	v20 =	vmul.f32 v20, v54;
	_ =	sdelay $0x1  }
0x173: {  	[tilespmem:s10+$0xFFFFFF10] =	vst v20;
	v20 =	vld [tilespmem:s10+$0xFFFFFF20];
	_ =	sdelay $0x4  }
0x174: {  	v20 =	vmul.f32 v20, v54;
	_ =	sdelay $0x1  }
0x175: {  	[tilespmem:s10+$0xFFFFFF20] =	vst v20;
	v20 =	vld [tilespmem:s10+$0xFFFFFF30];
	_ =	sdelay $0x4  }
0x176: {  	v20 =	vmul.f32 v20, v54;
	_ =	sdelay $0x1  }
0x177: {  	[tilespmem:s10+$0xFFFFFF30] =	vst v20;
	v20 =	vld [tilespmem:s10+$0xFFFFFF40];
	_ =	sdelay $0x4  }
0x178: {  	v20 =	vmul.f32 v20, v54;
	_ =	sdelay $0x1  }
0x179: {  	[tilespmem:s10+$0xFFFFFF40] =	vst v20;
	v20 =	vld [tilespmem:s10+$0xFFFFFF50];
	_ =	sdelay $0x4  }
0x17a: {  	v20 =	vmul.f32 v20, v54;
	_ =	sdelay $0x1  }
0x17b: {  	[tilespmem:s10+$0xFFFFFF50] =	vst v20;
	v20 =	vld [tilespmem:s10+$0xFFFFFF60];
	_ =	sdelay $0x2  }
0x17c: {  	v55 =	vperm.xlane v19, v7;
	_ =	sdelay $0x1  }
0x17d: {  	v20 =	vmul.f32 v20, v55;
	_ =	sdelay $0x1  }
0x17e: {  	[tilespmem:s10+$0xFFFFFF60] =	vst v20;
	v20 =	vld [tilespmem:s10+$0xFFFFFF70];
	_ =	sdelay $0x4  }
0x17f: {  	v20 =	vmul.f32 v20, v55;
	_ =	sdelay $0x1  }
0x180: {  	[tilespmem:s10+$0xFFFFFF70] =	vst v20;
	v20 =	vld [tilespmem:s10+$0xFFFFFF80];
	_ =	sdelay $0x4  }
0x181: {  	v20 =	vmul.f32 v20, v55;
	_ =	sdelay $0x1  }
0x182: {  	[tilespmem:s10+$0xFFFFFF80] =	vst v20;
	v20 =	vld [tilespmem:s10+$0xFFFFFF90];
	_ =	sdelay $0x4  }
0x183: {  	v20 =	vmul.f32 v20, v55;
	_ =	sdelay $0x1  }
0x184: {  	[tilespmem:s10+$0xFFFFFF90] =	vst v20;
	v20 =	vld [tilespmem:s10+$0xFFFFFFA0];
	_ =	sdelay $0x4  }
0x185: {  	v20 =	vmul.f32 v20, v55;
	_ =	sdelay $0x1  }
0x186: {  	[tilespmem:s10+$0xFFFFFFA0] =	vst v20;
	v20 =	vld [tilespmem:s10+$0xFFFFFFB0];
	_ =	sdelay $0x2  }
0x187: {  	v56 =	vperm.xlane v19, v8;
	_ =	sdelay $0x1  }
0x188: {  	v20 =	vmul.f32 v20, v56;
	_ =	sdelay $0x1  }
0x189: {  	[tilespmem:s10+$0xFFFFFFB0] =	vst v20;
	v20 =	vld [tilespmem:s10+$0xFFFFFFC0];
	_ =	sdelay $0x4  }
0x18a: {  	v20 =	vmul.f32 v20, v56;
	_ =	sdelay $0x1  }
0x18b: {  	[tilespmem:s10+$0xFFFFFFC0] =	vst v20;
	v20 =	vld [tilespmem:s10+$0xFFFFFFD0];
	_ =	sdelay $0x4  }
0x18c: {  	v20 =	vmul.f32 v20, v56;
	_ =	sdelay $0x1  }
0x18d: {  	[tilespmem:s10+$0xFFFFFFD0] =	vst v20;
	v20 =	vld [tilespmem:s10+$0xFFFFFFE0];
	_ =	sdelay $0x4  }
0x18e: {  	v20 =	vmul.f32 v20, v56;
	_ =	sdelay $0x1  }
0x18f: {  	[tilespmem:s10+$0xFFFFFFE0] =	vst v20;
	v20 =	vld [tilespmem:s10+$0xFFFFFFF0];
	_ =	sdelay $0x4  }
0x190: {  	v20 =	vmul.f32 v20, v56;
	_ =	sdelay $0x1  }
0x191: {  	[tilespmem:s10+$0xFFFFFFF0] =	vst v20;
	v20 =	vld [tilespmem:s10+$0x0];
	_ =	sdelay $0x2  }
0x192: {  	v57 =	vperm.xlane v19, v9;
	_ =	sdelay $0x1  }
0x193: {  	v20 =	vmul.f32 v20, v57;
	_ =	sdelay $0x1  }
0x194: {  	[tilespmem:s10+$0x0] =	vst v20;
	v20 =	vld [tilespmem:s10+$0x10];
	_ =	sdelay $0x4  }
0x195: {  	v20 =	vmul.f32 v20, v57;
	_ =	sdelay $0x1  }
0x196: {  	[tilespmem:s10+$0x10] =	vst v20;
	v20 =	vld [tilespmem:s10+$0x20];
	_ =	sdelay $0x4  }
0x197: {  	v20 =	vmul.f32 v20, v57;
	_ =	sdelay $0x1  }
0x198: {  	[tilespmem:s10+$0x20] =	vst v20;
	v20 =	vld [tilespmem:s10+$0x30];
	_ =	sdelay $0x4  }
0x199: {  	v20 =	vmul.f32 v20, v57;
	_ =	sdelay $0x1  }
0x19a: {  	[tilespmem:s10+$0x30] =	vst v20;
	v20 =	vld [tilespmem:s10+$0x40];
	_ =	sdelay $0x4  }
0x19b: {  	v20 =	vmul.f32 v20, v57;
	_ =	sdelay $0x1  }
0x19c: {  	[tilespmem:s10+$0x40] =	vst v20;
	v20 =	vld [tilespmem:s10+$0x50];
	_ =	sdelay $0x2  }
0x19d: {  	v58 =	vperm.xlane v19, v10;
	_ =	sdelay $0x1  }
0x19e: {  	v20 =	vmul.f32 v20, v58;
	_ =	sdelay $0x1  }
0x19f: {  	[tilespmem:s10+$0x50] =	vst v20;
	v20 =	vld [tilespmem:s10+$0x60];
	_ =	sdelay $0x4  }
0x1a0: {  	v20 =	vmul.f32 v20, v58;
	_ =	sdelay $0x1  }
0x1a1: {  	[tilespmem:s10+$0x60] =	vst v20;
	v20 =	vld [tilespmem:s10+$0x70];
	_ =	sdelay $0x4  }
0x1a2: {  	v20 =	vmul.f32 v20, v58;
	_ =	sdelay $0x1  }
0x1a3: {  	[tilespmem:s10+$0x70] =	vst v20;
	v20 =	vld [tilespmem:s10+$0x80];
	_ =	sdelay $0x4  }
0x1a4: {  	v20 =	vmul.f32 v20, v58;
	_ =	sdelay $0x1  }
0x1a5: {  	[tilespmem:s10+$0x80] =	vst v20;
	v20 =	vld [tilespmem:s10+$0x90];
	_ =	sdelay $0x4  }
0x1a6: {  	v20 =	vmul.f32 v20, v58;
	_ =	sdelay $0x1  }
0x1a7: {  	[tilespmem:s10+$0x90] =	vst v20;
	v20 =	vld [tilespmem:s10+$0xA0];
	_ =	sdelay $0x2  }
0x1a8: {  	v59 =	vperm.xlane v19, v11;
	_ =	sdelay $0x1  }
0x1a9: {  	v20 =	vmul.f32 v20, v59;
	_ =	sdelay $0x1  }
0x1aa: {  	[tilespmem:s10+$0xA0] =	vst v20;
	v20 =	vld [tilespmem:s10+$0xB0];
	_ =	sdelay $0x4  }
0x1ab: {  	v20 =	vmul.f32 v20, v59;
	_ =	sdelay $0x1  }
0x1ac: {  	[tilespmem:s10+$0xB0] =	vst v20;
	v20 =	vld [tilespmem:s10+$0xC0];
	_ =	sdelay $0x4  }
0x1ad: {  	v20 =	vmul.f32 v20, v59;
	_ =	sdelay $0x1  }
0x1ae: {  	[tilespmem:s10+$0xC0] =	vst v20;
	v20 =	vld [tilespmem:s10+$0xD0];
	_ =	sdelay $0x4  }
0x1af: {  	v20 =	vmul.f32 v20, v59;
	_ =	sdelay $0x1  }
0x1b0: {  	[tilespmem:s10+$0xD0] =	vst v20;
	v20 =	vld [tilespmem:s10+$0xE0];
	_ =	sdelay $0x4  }
0x1b1: {  	v20 =	vmul.f32 v20, v59;
	_ =	sdelay $0x1  }
0x1b2: {  	[tilespmem:s10+$0xE0] =	vst v20;
	v20 =	vld [tilespmem:s10+$0xF0];
	_ =	sdelay $0x2  }
0x1b3: {  	v60 =	vperm.xlane v19, v12;
	_ =	sdelay $0x1  }
0x1b4: {  	v20 =	vmul.f32 v20, v60;
	_ =	sdelay $0x1  }
0x1b5: {  	[tilespmem:s10+$0xF0] =	vst v20;
	v20 =	vld [tilespmem:s10+$0x100];
	_ =	sdelay $0x4  }
0x1b6: {  	v20 =	vmul.f32 v20, v60;
	_ =	sdelay $0x1  }
0x1b7: {  	[tilespmem:s10+$0x100] =	vst v20;
	v20 =	vld [tilespmem:s10+$0x110];
	_ =	sdelay $0x4  }
0x1b8: {  	v20 =	vmul.f32 v20, v60;
	_ =	sdelay $0x1  }
0x1b9: {  	[tilespmem:s10+$0x110] =	vst v20;
	v20 =	vld [tilespmem:s10+$0x120];
	_ =	sdelay $0x4  }
0x1ba: {  	v20 =	vmul.f32 v20, v60;
	_ =	sdelay $0x1  }
0x1bb: {  	[tilespmem:s10+$0x120] =	vst v20;
	v20 =	vld [tilespmem:s10+$0x130];
	_ =	sdelay $0x4  }
0x1bc: {  	v20 =	vmul.f32 v20, v60;
	_ =	sdelay $0x1  }
0x1bd: {  	[tilespmem:s10+$0x130] =	vst v20;
	v20 =	vld [tilespmem:s10+$0x140];
	_ =	sdelay $0x2  }
0x1be: {  	v61 =	vperm.xlane v19, v13;
	_ =	sdelay $0x1  }
0x1bf: {  	v20 =	vmul.f32 v20, v61;
	_ =	sdelay $0x1  }
0x1c0: {  	[tilespmem:s10+$0x140] =	vst v20;
	v20 =	vld [tilespmem:s10+$0x150];
	_ =	sdelay $0x4  }
0x1c1: {  	v20 =	vmul.f32 v20, v61;
	_ =	sdelay $0x1  }
0x1c2: {  	[tilespmem:s10+$0x150] =	vst v20;
	v20 =	vld [tilespmem:s10+$0x160];
	_ =	sdelay $0x4  }
0x1c3: {  	v20 =	vmul.f32 v20, v61;
	_ =	sdelay $0x1  }
0x1c4: {  	[tilespmem:s10+$0x160] =	vst v20;
	v20 =	vld [tilespmem:s10+$0x170];
	_ =	sdelay $0x4  }
0x1c5: {  	v20 =	vmul.f32 v20, v61;
	_ =	sdelay $0x1  }
0x1c6: {  	[tilespmem:s10+$0x170] =	vst v20;
	v20 =	vld [tilespmem:s10+$0x180];
	_ =	sdelay $0x4  }
0x1c7: {  	v20 =	vmul.f32 v20, v61;
	_ =	sdelay $0x1  }
0x1c8: {  	[tilespmem:s10+$0x180] =	vst v20;
	v20 =	vld [tilespmem:s10+$0x190];
	_ =	sdelay $0x2  }
0x1c9: {  	v62 =	vperm.xlane v19, v14;
	_ =	sdelay $0x1  }
0x1ca: {  	v20 =	vmul.f32 v20, v62;
	_ =	sdelay $0x1  }
0x1cb: {  	[tilespmem:s10+$0x190] =	vst v20;
	v20 =	vld [tilespmem:s10+$0x1A0];
	_ =	sdelay $0x4  }
0x1cc: {  	v20 =	vmul.f32 v20, v62;
	_ =	sdelay $0x1  }
0x1cd: {  	[tilespmem:s10+$0x1A0] =	vst v20;
	v20 =	vld [tilespmem:s10+$0x1B0];
	_ =	sdelay $0x4  }
0x1ce: {  	v20 =	vmul.f32 v20, v62;
	_ =	sdelay $0x1  }
0x1cf: {  	[tilespmem:s10+$0x1B0] =	vst v20;
	v20 =	vld [tilespmem:s10+$0x1C0];
	_ =	sdelay $0x4  }
0x1d0: {  	v20 =	vmul.f32 v20, v62;
	_ =	sdelay $0x1  }
0x1d1: {  	[tilespmem:s10+$0x1C0] =	vst v20;
	v20 =	vld [tilespmem:s10+$0x1D0];
	_ =	sdelay $0x4  }
0x1d2: {  	v20 =	vmul.f32 v20, v62;
	_ =	sdelay $0x1  }
0x1d3: {  	[tilespmem:s10+$0x1D0] =	vst v20;
	v20 =	vld [tilespmem:s10+$0x1E0];
	_ =	sdelay $0x2  }
0x1d4: {  	v63 =	vperm.xlane v19, v15;
	_ =	sdelay $0x1  }
0x1d5: {  	v20 =	vmul.f32 v20, v63;
	_ =	sdelay $0x1  }
0x1d6: {  	[tilespmem:s10+$0x1E0] =	vst v20;
	v20 =	vld [tilespmem:s10+$0x1F0];
	_ =	sdelay $0x4  }
0x1d7: {  	v20 =	vmul.f32 v20, v63;
	_ =	sdelay $0x1  }
0x1d8: {  	[tilespmem:s10+$0x1F0] =	vst v20;
	v20 =	vld [tilespmem:s10+$0x200];
	_ =	sdelay $0x4  }
0x1d9: {  	v20 =	vmul.f32 v20, v63;
	_ =	sdelay $0x1  }
0x1da: {  	[tilespmem:s10+$0x200] =	vst v20;
	v20 =	vld [tilespmem:s10+$0x210];
	_ =	sdelay $0x4  }
0x1db: {  	v20 =	vmul.f32 v20, v63;
	_ =	sdelay $0x1  }
0x1dc: {  	[tilespmem:s10+$0x210] =	vst v20;
	v20 =	vld [tilespmem:s10+$0x220];
	_ =	sdelay $0x4  }
0x1dd: {  	v20 =	vmul.f32 v20, v63;
	_ =	sdelay $0x1  }
0x1de: {  	[tilespmem:s10+$0x220] =	vst v20;
	v20 =	vld [tilespmem:s10+$0x230];
	_ =	sdelay $0x2  }
0x1df: {  	v19 =	vperm.xlane v19, v16;
	_ =	sdelay $0x1  }
0x1e0: {  	v20 =	vmul.f32 v20, v19;
	_ =	sdelay $0x1  }
0x1e1: {  	[tilespmem:s10+$0x230] =	vst v20;
	v20 =	vld [tilespmem:s10+$0x240];
	_ =	sdelay $0x4  }
0x1e2: {  	v20 =	vmul.f32 v20, v19;
	_ =	sdelay $0x1  }
0x1e3: {  	[tilespmem:s10+$0x240] =	vst v20;
	v20 =	vld [tilespmem:s10+$0x250];
	_ =	sdelay $0x4  }
0x1e4: {  	v20 =	vmul.f32 v20, v19;
	_ =	sdelay $0x1  }
0x1e5: {  	[tilespmem:s10+$0x250] =	vst v20;
	v20 =	vld [tilespmem:s10+$0x260];
	_ =	sdelay $0x4  }
0x1e6: {  	v20 =	vmul.f32 v20, v19;
	_ =	sdelay $0x1  }
0x1e7: {  	[tilespmem:s10+$0x260] =	vst v20;
	v20 =	vld [tilespmem:s10+$0x270];
	_ =	sdelay $0x1  }
0x1e8: {  	p0 =	sne.s32 s9, $0x100  }
.Ltmp4:
0x1e9: {  	_ = 	snop;
	(pc) =	sbr.rel @p0 .LBB2_7-.Ltmp4, $3  }
0x1ea: {  	_ = 	snop  }
0x1eb: {  	v19 =	vmul.f32 v20, v19;
	_ =	sdelay $0x1  }
0x1ec: {  	s9 =	sadd.s32 $0x40, s9;
	[tilespmem:s10+$0x270] =	vst v19;
	s10 =	sadd.s32 $0x500, s10  }
0x1ed: {  	p0 =	sne.s32 s5, $0x7C  }
.Ltmp5:
0x1ee: {  	_ = 	snop;
	(pc) =	sbr.rel @!p0 .LBB2_9-.Ltmp5, $4  }
0x1ef: {  	_ = 	snop  }
0x1f0: {  	_ =	swait.ge [sflag:s29], $0x1900  }
0x1f1: {  	[sflag:s29] =	ssyncset.done $0x0  }
0x1f2: {  	[sflag:s29] =	ssyncadd.s32 $0xFFFFE700  }
0x1f3: {  	s5 =	sadd.s32 $0x1, s5  }
0x1f4: {  	p0 =	sne.s32 s5, $0x7D  }
.Ltmp6:
0x1f5: {  	s7 =	sadd.s32 $0xA0, s7;
	(pc) =	sbr.rel @p0 .LBB2_4-.Ltmp6, $4  }
.Ltmp7:
0x1f6: {  	s6 =	sadd.s32 $0x4E20, s6;
	s20 =	sadd.s32 $0xA0, s20;
	(pc) =	sbr.rel @!p0 .LBB2_11-.Ltmp7, $4  }
0x1f7: {  	[tilespmem:s23], [sflag:$0x1] =	stream.indirect.gather [hbm4b:s16+s25], $0x50, s7, s25, $0xb8;
	[tilespmem:$0x1E1E0] =	vst v63  }
0x1f8: {  	s1 =	sadd.s32 $0xA0, s1;
	s0 =	sadd.s32 $0xA0, s0;
	s2 =	sadd.s32 $0xA0, s2  }
0x1f9: {  	[spmem:s3] =	stream.indirect.scatter.add.f32 [tilespmem:s26], [sflag:$0x4], $0x50, s6, s25, $0xb8;
	[tilespmem:$0x1E1E0] =	vst v63  }
0x1fa: {  	_ = 	snop  }
.LBB2_12:
0x1fb: {  	_ =	sfence.sel $0x180000  }
0x1fc: {  	[bflag:$0x0] =	sbarrier.arrive $0xFFFF  }
0x1fd: {  	_ =	strace $0x90000047  }
0x1fe: {  	s0 =	stileid.u32;
	[bflag:$0x2] =	sbarrier.arrive $0xFFFF  }
0x1ff: {  	p0 =	sne.s32 s0, $0x0;
	s0 =	rddreg [dreg:$0x3]  }
0x200: {  	s0 =	sadd.s32 @!p0 $0x100000, s0  }
0x201: {  	[sflag:s0] =	ssyncadd.tile.s32 @!p0 $0x1;
	_ =	shalt  }
.Lfunc_end2:
_tile_overlayer_lowered:
.L_overlay_start_2:
0x202: {  	(tag) =	ssettag $0x2  }
0x203: {  	s0 =	rddreg [dreg:$0x0];
	s2 =	stileid.u32  }
0x204: {  	s1 =	rddreg [dreg:$0x1];
	p0 =	sne.s32 s2, $0x0  }
0x205: {  	s3 =	rddreg [dreg:$0x2];
	[bflag:$0x3] =	sbarrier.arrive $0xFFFF;
	s2 =	simm.s32 @!p0 $0x1C05  }
0x206: {  	[timem:s3], [sflag:s2] =	dma.local @!p0 [hbm:s0], s1  }
0x207: {  	s0 =	simm.s32 @!p0 $0x5  }
0x208: {  	_ =	swait.ge @!p0 [sflag:s0], s1  }
0x209: {  	s1 =	ssub.s32 @!p0 $0x0, s1;
	[sflag:s0] =	ssyncset.done @!p0 $0x0  }
0x20a: {  	[sflag:s0] =	ssyncadd.s32 @!p0 s1  }
0x20b: {  	[bflag:$0x3] =	sbarrier.arrive $0xFFFF  }
0x20c: {  	_ =	shalt  }

</sc_bundles>
